<compile_context>
chip_gen: v7x
topology: tpu7x:2x2x1
jax: 0.10.2.dev20260603
libtpu: 0.0.44.dev20260713+nightly
codegen_flags: <defaults>
</compile_context>

<pallas_src>
import functools

import jax
import jax.numpy as jnp
from jax import lax
from jax.experimental import pallas as pl
from jax.experimental.pallas import tpu as pltpu
from jax.experimental.pallas import tpu_sc as plsc

D_IN = 896
D_OUT = 768
MAX_LEN = 128

NC = 2
NS = 16
NW = NC * NS
GR = 64


def _sc_gather(ids_3d, emb_weight):
    _, n_g, _ = ids_3d.shape
    assert n_g % 2 == 0, "pairwise SC pipeline needs an even group count"
    n = ids_3d.size
    b_per_w = n // NW

    mesh = plsc.VectorSubcoreMesh(core_axis_name="c", subcore_axis_name="s")

    @functools.partial(
        pl.kernel,
        out_type=jax.ShapeDtypeStruct((n, D_IN), jnp.float32),
        mesh=mesh,
        scratch_types=[
            pltpu.VMEM((n_g, GR), jnp.int32),
            pltpu.VMEM((GR, D_IN), jnp.float32),
            pltpu.VMEM((GR, D_IN), jnp.float32),
            pltpu.SemaphoreType.DMA,
            pltpu.SemaphoreType.DMA,
        ],
    )
    def k(ids_hbm, emb_hbm, out_hbm, idx_v, buf0, buf1, sem0, sem1):
        wid = lax.axis_index("s") * NC + lax.axis_index("c")
        base = wid * b_per_w
        pltpu.sync_copy(ids_hbm.at[wid], idx_v)

        pltpu.async_copy(emb_hbm.at[idx_v.at[0]], buf0, sem0)

        def body(p, carry):
            g0 = 2 * p
            pltpu.async_copy(emb_hbm.at[idx_v.at[g0 + 1]], buf1, sem1)
            pltpu.make_async_copy(emb_hbm.at[idx_v.at[g0]], buf0, sem0).wait()
            pltpu.sync_copy(buf0, out_hbm.at[pl.ds(base + g0 * GR, GR)])

            @pl.when(g0 + 2 < n_g)
            def _():
                pltpu.async_copy(emb_hbm.at[idx_v.at[g0 + 2]], buf0, sem0)

            pltpu.make_async_copy(emb_hbm.at[idx_v.at[g0 + 1]], buf1, sem1).wait()
            pltpu.sync_copy(buf1, out_hbm.at[pl.ds(base + (g0 + 1) * GR, GR)])
            return carry

        lax.fori_loop(0, n_g // 2, body, 0)

    return k(ids_3d, emb_weight)


def _mm_body(x_ref, w_ref, pos_ref, o_ref):
    xb = x_ref[...].astype(jnp.bfloat16)
    o_ref[...] = (
        jnp.dot(xb, w_ref[...], preferred_element_type=jnp.float32) + pos_ref[...]
    )


def _tc_project_chunk(y, x_c, w_bf, pos_tiled, n_total, c0, block_m):
    steps = x_c.shape[0] // block_m
    out_spec = pl.BlockSpec((block_m, D_OUT), lambda i, c0=c0: (c0 + i, 0))
    in_specs = [
        pl.BlockSpec((block_m, D_IN), lambda i: (i, 0)),
        pl.BlockSpec((D_IN, D_OUT), lambda i: (0, 0)),
        pl.BlockSpec((block_m, D_OUT), lambda i: (0, 0)),
    ]
    out_shape = jax.ShapeDtypeStruct((n_total, D_OUT), jnp.float32)
    if y is None:
        return pl.pallas_call(
            _mm_body,
            grid=(steps,),
            in_specs=in_specs,
            out_specs=out_spec,
            out_shape=out_shape,
        )(x_c, w_bf, pos_tiled)

    def mm_alias(y_ref, x_ref, w_ref, pos_ref, o_ref):
        _mm_body(x_ref, w_ref, pos_ref, o_ref)

    return pl.pallas_call(
        mm_alias,
        grid=(steps,),
        in_specs=[pl.BlockSpec(memory_space=pl.ANY)] + in_specs,
        out_specs=out_spec,
        out_shape=out_shape,
        input_output_aliases={0: 0},
    )(y, x_c, w_bf, pos_tiled)


def kernel(input_ids, emb_weight, proj_weight, pos_weight):
    b, l = input_ids.shape
    n = b * l
    block_m = 2048
    chunk_sizes = [16384, 40960, 36864, 36864]

    ids_flat = input_ids.reshape(-1).astype(jnp.int32)
    w_bf = proj_weight.T.astype(jnp.bfloat16)
    pos_tiled = jnp.tile(pos_weight, (block_m // l, 1))

    offs = [0]
    for s in chunk_sizes:
        offs.append(offs[-1] + s)
    gathered = [
        _sc_gather(
            lax.dynamic_slice_in_dim(ids_flat, offs[c], s).reshape(
                NW, s // (NW * GR), GR
            ),
            emb_weight,
        )
        for c, s in enumerate(chunk_sizes)
    ]
    y = None
    for c, s in enumerate(chunk_sizes):
        y = _tc_project_chunk(
            y, gathered[c], w_bf, pos_tiled, n, offs[c] // block_m, block_m
        )
    return y.reshape(b, l, D_OUT)

# --- scband reference (transcript-rebuilt; emitter-appended) ---
"""Pipeline reference for scband-qwen-text-embedder-60078002536855 (READ-ONLY COPY).

The authoritative reference and input builder live on the scoring server;
editing this copy changes nothing except your own understanding.
"""

import jax, jax.numpy as jnp
import numpy as np

VOCAB = 151936   # Qwen2.5-0.5B vocab (after tokenizer, mask token assumed pre-existing slot)
D_IN = 896       # Qwen2.5-0.5B hidden size
D_OUT = 768      # projection target (fusion dim)
MAX_LEN = 128
B = 1024
L = 128


def setup_inputs(seed: int = 0) -> dict:
    key = jax.random.key(seed)
    k1, k2, k3, k4 = jax.random.split(key, 4)
    input_ids = jax.random.randint(k1, (B, L), 0, VOCAB, dtype=jnp.int64 if jax.config.jax_enable_x64 else jnp.int32)
    # learned params: embedding table (copied from LM), projection (Linear no bias), learned positional embedding
    emb_weight = jax.random.normal(k2, (VOCAB, D_IN), dtype=jnp.float32) * 0.02
    proj_weight = jax.random.normal(k3, (D_OUT, D_IN), dtype=jnp.float32) * (1.0 / np.sqrt(D_IN))
    pos_weight = jax.random.normal(k4, (MAX_LEN, D_OUT), dtype=jnp.float32) * 0.02
    return {"input_ids": input_ids, "emb_weight": emb_weight, "proj_weight": proj_weight, "pos_weight": pos_weight}


def reference(input_ids, emb_weight, proj_weight, pos_weight):
    # x = self.emb(input_ids)
    x = jnp.take(emb_weight, input_ids, axis=0)            # [B, L, D_IN] gather
    # x = self.proj(x)  (nn.Linear, bias=False): y = x @ W^T
    x = jnp.einsum('bld,od->blo', x, proj_weight)          # [B, L, D_OUT]
    # pos = arange(L) expanded to [B, L]; x = x + self.pos(pos)
    Bc, Lc = input_ids.shape
    pos_ids = jnp.arange(Lc)
    pos_emb = jnp.take(pos_weight, pos_ids, axis=0)        # [L, D_OUT]
    x = x + pos_emb[None, :, :]
    return x

if __name__ == "__main__":
    import jax
    _d = setup_inputs()
    print(jax.jit(kernel)(*tuple(_d.values())))

</pallas_src>

<mosaic_0001>
#map = affine_map<(d0, d1) -> (0, 0, 0)>
#map1 = affine_map<(d0, d1) -> (0, 0)>
module attributes {stable_mosaic.version = 14 : i64} {
  func.func @k(%arg0: i32, %arg1: i32, %arg2: memref<32x8x64xi32, #tpu.memory_space<hbm>>, %arg3: memref<151936x896xf32, #tpu.memory_space<hbm>>, %arg4: memref<16384x896xf32, #tpu.memory_space<hbm>>, %arg5: memref<8x64xi32, #tpu.memory_space<vmem>>, %arg6: memref<64x896xf32, #tpu.memory_space<vmem>>, %arg7: memref<64x896xf32, #tpu.memory_space<vmem>>, %arg8: memref<!tpu.dma_semaphore, #tpu.memory_space<semaphore_mem>>, %arg9: memref<!tpu.dma_semaphore, #tpu.memory_space<semaphore_mem>>) attributes {dimension_semantics = [#tpu.dimension_semantics<core_parallel>, #tpu.dimension_semantics<subcore_parallel>], iteration_bounds = array<i64: 2, 16>, scalar_prefetch = 0 : i64, scratch_operands = 5 : i64, tpu.core_type = #tpu.core_type<sc_vector_subcore>, window_params = [{transform_indices = #map}, {transform_indices = #map1}, {transform_indices = #map1}]} {
    %mul3A = arith.constant 2 : i32
    %mul3A_0 = arith.muli %arg1, %mul3A : i32
    %add3A = arith.addi %mul3A_0, %arg0 : i32
    %mul3A_1 = arith.constant 512 : i32
    %mul3A_2 = arith.muli %add3A, %mul3A_1 : i32
    "tpu.region"() ({
      %run_scoped3A = tpu.sem_alloc : memref<!tpu.dma_semaphore, #tpu.memory_space<semaphore_mem>>
      %dma_start3A_14 = arith.constant 0 : i32
      %dma_start3A_15 = arith.constant 0 : i32
      %dma_start3A_16 = tpu.memref_slice %arg2[%add3A, %dma_start3A_14, %dma_start3A_15] : memref<32x8x64xi32, #tpu.memory_space<hbm>> -> memref<1x8x64xi32, #tpu.memory_space<hbm>>
      %dma_start3A_17 = tpu.memref_squeeze %dma_start3A_16 : memref<1x8x64xi32, #tpu.memory_space<hbm>> -> memref<8x64xi32, #tpu.memory_space<hbm>>
      %dma_start3A_18 = arith.constant 0 : i32
      %dma_start3A_19 = arith.constant 0 : i32
      %dma_start3A_20 = tpu.memref_slice %arg2[%add3A, %dma_start3A_18, %dma_start3A_19] : memref<32x8x64xi32, #tpu.memory_space<hbm>> -> memref<1x8x64xi32, #tpu.memory_space<hbm>>
      %dma_start3A_21 = tpu.memref_squeeze %dma_start3A_20 : memref<1x8x64xi32, #tpu.memory_space<hbm>> -> memref<8x64xi32, #tpu.memory_space<hbm>>
      tpu.enqueue_dma source(%dma_start3A_21 : memref<8x64xi32, #tpu.memory_space<hbm>>) target(%arg5 : memref<8x64xi32, #tpu.memory_space<vmem>>) target_semaphore(%run_scoped3A : memref<!tpu.dma_semaphore, #tpu.memory_space<semaphore_mem>>)
      %dma_wait3A = arith.constant 0 : i32
      %dma_wait3A_22 = arith.constant 0 : i32
      %dma_wait3A_23 = tpu.memref_slice %arg2[%add3A, %dma_wait3A, %dma_wait3A_22] : memref<32x8x64xi32, #tpu.memory_space<hbm>> -> memref<1x8x64xi32, #tpu.memory_space<hbm>>
      %dma_wait3A_24 = tpu.memref_squeeze %dma_wait3A_23 : memref<1x8x64xi32, #tpu.memory_space<hbm>> -> memref<8x64xi32, #tpu.memory_space<hbm>>
      %dma_wait3A_25 = arith.constant 0 : i32
      %dma_wait3A_26 = arith.constant 0 : i32
      %dma_wait3A_27 = tpu.memref_slice %arg2[%add3A, %dma_wait3A_25, %dma_wait3A_26] : memref<32x8x64xi32, #tpu.memory_space<hbm>> -> memref<1x8x64xi32, #tpu.memory_space<hbm>>
      %dma_wait3A_28 = tpu.memref_squeeze %dma_wait3A_27 : memref<1x8x64xi32, #tpu.memory_space<hbm>> -> memref<8x64xi32, #tpu.memory_space<hbm>>
      tpu.wait_dma2 semaphore(%run_scoped3A : memref<!tpu.dma_semaphore, #tpu.memory_space<semaphore_mem>>) src(%dma_wait3A_28 : memref<8x64xi32, #tpu.memory_space<hbm>>) dst(%arg5 : memref<8x64xi32, #tpu.memory_space<vmem>>)
      tpu.yield
    }) : () -> ()
    %dma_start3A = arith.constant 0 : i32
    %dma_start3A_3 = arith.constant 0 : i32
    %dma_start3A_4 = tpu.memref_slice %arg5[%dma_start3A, %dma_start3A_3] : memref<8x64xi32, #tpu.memory_space<vmem>> -> memref<1x64xi32, #tpu.memory_space<vmem>>
    %dma_start3A_5 = tpu.memref_squeeze %dma_start3A_4 : memref<1x64xi32, #tpu.memory_space<vmem>> -> memref<64xi32, #tpu.memory_space<vmem>>
    %dma_start3A_6 = arith.constant 0 : i32
    %dma_start3A_7 = arith.constant 0 : i32
    %dma_start3A_8 = tpu.memref_slice %arg3[%dma_start3A_6, %dma_start3A_7] : memref<151936x896xf32, #tpu.memory_space<hbm>> -> memref<151936x896xf32, #tpu.memory_space<hbm>>
    tpu.enqueue_indirect_dma source(%dma_start3A_8 : memref<151936x896xf32, #tpu.memory_space<hbm>>) target(%arg6 : memref<64x896xf32, #tpu.memory_space<vmem>>) offsets(%dma_start3A_5 : memref<64xi32, #tpu.memory_space<vmem>>) semaphore(%arg8 : memref<!tpu.dma_semaphore, #tpu.memory_space<semaphore_mem>>)
    %scan3A = arith.constant 0 : i32
    %scan3A_9 = arith.constant 0 : i32
    %scan3A_10 = arith.constant 4 : i32
    %scan3A_11 = arith.addi %scan3A_9, %scan3A_10 : i32
    %scan3A_12 = arith.constant 1 : i32
    scf.for %scan3A_14 = %scan3A_9 to %scan3A_11 step %scan3A_12  : i32 {
      %mul3A_15 = arith.constant 2 : i32
      %mul3A_16 = arith.muli %mul3A_15, %scan3A_14 : i32
      %add3A_17 = arith.constant 1 : i32
      %add3A_18 = arith.addi %mul3A_16, %add3A_17 : i32
      %dma_start3A_19 = arith.constant 0 : i32
      %dma_start3A_20 = tpu.memref_slice %arg5[%add3A_18, %dma_start3A_19] : memref<8x64xi32, #tpu.memory_space<vmem>> -> memref<1x64xi32, #tpu.memory_space<vmem>>
      %dma_start3A_21 = tpu.memref_squeeze %dma_start3A_20 : memref<1x64xi32, #tpu.memory_space<vmem>> -> memref<64xi32, #tpu.memory_space<vmem>>
      %dma_start3A_22 = arith.constant 0 : i32
      %dma_start3A_23 = arith.constant 0 : i32
      %dma_start3A_24 = tpu.memref_slice %arg3[%dma_start3A_22, %dma_start3A_23] : memref<151936x896xf32, #tpu.memory_space<hbm>> -> memref<151936x896xf32, #tpu.memory_space<hbm>>
      tpu.enqueue_indirect_dma source(%dma_start3A_24 : memref<151936x896xf32, #tpu.memory_space<hbm>>) target(%arg7 : memref<64x896xf32, #tpu.memory_space<vmem>>) offsets(%dma_start3A_21 : memref<64xi32, #tpu.memory_space<vmem>>) semaphore(%arg9 : memref<!tpu.dma_semaphore, #tpu.memory_space<semaphore_mem>>)
      %dma_wait3A = arith.constant 0 : i32
      %dma_wait3A_25 = tpu.memref_slice %arg5[%mul3A_16, %dma_wait3A] : memref<8x64xi32, #tpu.memory_space<vmem>> -> memref<1x64xi32, #tpu.memory_space<vmem>>
      %dma_wait3A_26 = tpu.memref_squeeze %dma_wait3A_25 : memref<1x64xi32, #tpu.memory_space<vmem>> -> memref<64xi32, #tpu.memory_space<vmem>>
      %dma_wait3A_27 = arith.constant 0 : i32
      %dma_wait3A_28 = arith.constant 0 : i32
      %dma_wait3A_29 = tpu.memref_slice %arg3[%dma_wait3A_27, %dma_wait3A_28] : memref<151936x896xf32, #tpu.memory_space<hbm>> -> memref<151936x896xf32, #tpu.memory_space<hbm>>
      tpu.wait_indirect_dma semaphore(%arg8 : memref<!tpu.dma_semaphore, #tpu.memory_space<semaphore_mem>>) src(%dma_wait3A_29 : memref<151936x896xf32, #tpu.memory_space<hbm>>) dst(%arg6 : memref<64x896xf32, #tpu.memory_space<vmem>>)
      %mul3A_30 = arith.constant 64 : i32
      %mul3A_31 = arith.muli %mul3A_16, %mul3A_30 : i32
      %add3A_32 = arith.addi %mul3A_2, %mul3A_31 : i32
      "tpu.region"() ({
        %run_scoped3A = tpu.sem_alloc : memref<!tpu.dma_semaphore, #tpu.memory_space<semaphore_mem>>
        %dma_start3A_50 = arith.constant 0 : i32
        %dma_start3A_51 = tpu.memref_slice %arg4[%add3A_32, %dma_start3A_50] : memref<16384x896xf32, #tpu.memory_space<hbm>> -> memref<64x896xf32, #tpu.memory_space<hbm>>
        %dma_start3A_52 = arith.constant 0 : i32
        %dma_start3A_53 = tpu.memref_slice %arg4[%add3A_32, %dma_start3A_52] : memref<16384x896xf32, #tpu.memory_space<hbm>> -> memref<64x896xf32, #tpu.memory_space<hbm>>
        tpu.enqueue_dma source(%arg6 : memref<64x896xf32, #tpu.memory_space<vmem>>) target(%dma_start3A_53 : memref<64x896xf32, #tpu.memory_space<hbm>>) target_semaphore(%run_scoped3A : memref<!tpu.dma_semaphore, #tpu.memory_space<semaphore_mem>>)
        %dma_wait3A_54 = arith.constant 0 : i32
        %dma_wait3A_55 = tpu.memref_slice %arg4[%add3A_32, %dma_wait3A_54] : memref<16384x896xf32, #tpu.memory_space<hbm>> -> memref<64x896xf32, #tpu.memory_space<hbm>>
        %dma_wait3A_56 = arith.constant 0 : i32
        %dma_wait3A_57 = tpu.memref_slice %arg4[%add3A_32, %dma_wait3A_56] : memref<16384x896xf32, #tpu.memory_space<hbm>> -> memref<64x896xf32, #tpu.memory_space<hbm>>
        tpu.wait_dma2 semaphore(%run_scoped3A : memref<!tpu.dma_semaphore, #tpu.memory_space<semaphore_mem>>) src(%arg6 : memref<64x896xf32, #tpu.memory_space<vmem>>) dst(%dma_wait3A_57 : memref<64x896xf32, #tpu.memory_space<hbm>>)
        tpu.yield
      }) : () -> ()
      %add3A_33 = arith.constant 2 : i32
      %add3A_34 = arith.addi %mul3A_16, %add3A_33 : i32
      %lt3A = arith.constant 8 : i32
      %lt3A_35 = arith.cmpi slt, %add3A_34, %lt3A : i32
      %convert_element_type3A = arith.extui %lt3A_35 : i1 to i32
      %cond3A = arith.constant 0 : i32
      %cond3A_36 = arith.cmpi ne, %convert_element_type3A, %cond3A : i32
      scf.if %cond3A_36 {
        %add3A_50 = arith.constant 2 : i32
        %add3A_51 = arith.addi %mul3A_16, %add3A_50 : i32
        %dma_start3A_52 = arith.constant 0 : i32
        %dma_start3A_53 = tpu.memref_slice %arg5[%add3A_51, %dma_start3A_52] : memref<8x64xi32, #tpu.memory_space<vmem>> -> memref<1x64xi32, #tpu.memory_space<vmem>>
        %dma_start3A_54 = tpu.memref_squeeze %dma_start3A_53 : memref<1x64xi32, #tpu.memory_space<vmem>> -> memref<64xi32, #tpu.memory_space<vmem>>
        %dma_start3A_55 = arith.constant 0 : i32
        %dma_start3A_56 = arith.constant 0 : i32
        %dma_start3A_57 = tpu.memref_slice %arg3[%dma_start3A_55, %dma_start3A_56] : memref<151936x896xf32, #tpu.memory_space<hbm>> -> memref<151936x896xf32, #tpu.memory_space<hbm>>
        tpu.enqueue_indirect_dma source(%dma_start3A_57 : memref<151936x896xf32, #tpu.memory_space<hbm>>) target(%arg6 : memref<64x896xf32, #tpu.memory_space<vmem>>) offsets(%dma_start3A_54 : memref<64xi32, #tpu.memory_space<vmem>>) semaphore(%arg8 : memref<!tpu.dma_semaphore, #tpu.memory_space<semaphore_mem>>)
      } else {
      }
      %add3A_37 = arith.constant 1 : i32
      %add3A_38 = arith.addi %mul3A_16, %add3A_37 : i32
      %dma_wait3A_39 = arith.constant 0 : i32
      %dma_wait3A_40 = tpu.memref_slice %arg5[%add3A_38, %dma_wait3A_39] : memref<8x64xi32, #tpu.memory_space<vmem>> -> memref<1x64xi32, #tpu.memory_space<vmem>>
      %dma_wait3A_41 = tpu.memref_squeeze %dma_wait3A_40 : memref<1x64xi32, #tpu.memory_space<vmem>> -> memref<64xi32, #tpu.memory_space<vmem>>
      %dma_wait3A_42 = arith.constant 0 : i32
      %dma_wait3A_43 = arith.constant 0 : i32
      %dma_wait3A_44 = tpu.memref_slice %arg3[%dma_wait3A_42, %dma_wait3A_43] : memref<151936x896xf32, #tpu.memory_space<hbm>> -> memref<151936x896xf32, #tpu.memory_space<hbm>>
      tpu.wait_indirect_dma semaphore(%arg9 : memref<!tpu.dma_semaphore, #tpu.memory_space<semaphore_mem>>) src(%dma_wait3A_44 : memref<151936x896xf32, #tpu.memory_space<hbm>>) dst(%arg7 : memref<64x896xf32, #tpu.memory_space<vmem>>)
      %add3A_45 = arith.constant 1 : i32
      %add3A_46 = arith.addi %mul3A_16, %add3A_45 : i32
      %mul3A_47 = arith.constant 64 : i32
      %mul3A_48 = arith.muli %add3A_46, %mul3A_47 : i32
      %add3A_49 = arith.addi %mul3A_2, %mul3A_48 : i32
      "tpu.region"() ({
        %run_scoped3A = tpu.sem_alloc : memref<!tpu.dma_semaphore, #tpu.memory_space<semaphore_mem>>
        %dma_start3A_50 = arith.constant 0 : i32
        %dma_start3A_51 = tpu.memref_slice %arg4[%add3A_49, %dma_start3A_50] : memref<16384x896xf32, #tpu.memory_space<hbm>> -> memref<64x896xf32, #tpu.memory_space<hbm>>
        %dma_start3A_52 = arith.constant 0 : i32
        %dma_start3A_53 = tpu.memref_slice %arg4[%add3A_49, %dma_start3A_52] : memref<16384x896xf32, #tpu.memory_space<hbm>> -> memref<64x896xf32, #tpu.memory_space<hbm>>
        tpu.enqueue_dma source(%arg7 : memref<64x896xf32, #tpu.memory_space<vmem>>) target(%dma_start3A_53 : memref<64x896xf32, #tpu.memory_space<hbm>>) target_semaphore(%run_scoped3A : memref<!tpu.dma_semaphore, #tpu.memory_space<semaphore_mem>>)
        %dma_wait3A_54 = arith.constant 0 : i32
        %dma_wait3A_55 = tpu.memref_slice %arg4[%add3A_49, %dma_wait3A_54] : memref<16384x896xf32, #tpu.memory_space<hbm>> -> memref<64x896xf32, #tpu.memory_space<hbm>>
        %dma_wait3A_56 = arith.constant 0 : i32
        %dma_wait3A_57 = tpu.memref_slice %arg4[%add3A_49, %dma_wait3A_56] : memref<16384x896xf32, #tpu.memory_space<hbm>> -> memref<64x896xf32, #tpu.memory_space<hbm>>
        tpu.wait_dma2 semaphore(%run_scoped3A : memref<!tpu.dma_semaphore, #tpu.memory_space<semaphore_mem>>) src(%arg7 : memref<64x896xf32, #tpu.memory_space<vmem>>) dst(%dma_wait3A_57 : memref<64x896xf32, #tpu.memory_space<hbm>>)
        tpu.yield
      }) : () -> ()
    }
    %scan3A_13 = arith.constant 4 : i32
    return
  }
}

#map = affine_map<(d0, d1) -> (0, 0, 0)>
#map1 = affine_map<(d0, d1) -> (0, 0)>
module attributes {stable_mosaic.version = 14 : i64} {
  func.func @k(%arg0: i32, %arg1: i32, %arg2: memref<32x18x64xi32, #tpu.memory_space<hbm>>, %arg3: memref<151936x896xf32, #tpu.memory_space<hbm>>, %arg4: memref<36864x896xf32, #tpu.memory_space<hbm>>, %arg5: memref<18x64xi32, #tpu.memory_space<vmem>>, %arg6: memref<64x896xf32, #tpu.memory_space<vmem>>, %arg7: memref<64x896xf32, #tpu.memory_space<vmem>>, %arg8: memref<!tpu.dma_semaphore, #tpu.memory_space<semaphore_mem>>, %arg9: memref<!tpu.dma_semaphore, #tpu.memory_space<semaphore_mem>>) attributes {dimension_semantics = [#tpu.dimension_semantics<core_parallel>, #tpu.dimension_semantics<subcore_parallel>], iteration_bounds = array<i64: 2, 16>, scalar_prefetch = 0 : i64, scratch_operands = 5 : i64, tpu.core_type = #tpu.core_type<sc_vector_subcore>, window_params = [{transform_indices = #map}, {transform_indices = #map1}, {transform_indices = #map1}]} {
    %mul3A = arith.constant 2 : i32
    %mul3A_0 = arith.muli %arg1, %mul3A : i32
    %add3A = arith.addi %mul3A_0, %arg0 : i32
    %mul3A_1 = arith.constant 1152 : i32
    %mul3A_2 = arith.muli %add3A, %mul3A_1 : i32
    "tpu.region"() ({
      %run_scoped3A = tpu.sem_alloc : memref<!tpu.dma_semaphore, #tpu.memory_space<semaphore_mem>>
      %dma_start3A_14 = arith.constant 0 : i32
      %dma_start3A_15 = arith.constant 0 : i32
      %dma_start3A_16 = tpu.memref_slice %arg2[%add3A, %dma_start3A_14, %dma_start3A_15] : memref<32x18x64xi32, #tpu.memory_space<hbm>> -> memref<1x18x64xi32, #tpu.memory_space<hbm>>
      %dma_start3A_17 = tpu.memref_squeeze %dma_start3A_16 : memref<1x18x64xi32, #tpu.memory_space<hbm>> -> memref<18x64xi32, #tpu.memory_space<hbm>>
      %dma_start3A_18 = arith.constant 0 : i32
      %dma_start3A_19 = arith.constant 0 : i32
      %dma_start3A_20 = tpu.memref_slice %arg2[%add3A, %dma_start3A_18, %dma_start3A_19] : memref<32x18x64xi32, #tpu.memory_space<hbm>> -> memref<1x18x64xi32, #tpu.memory_space<hbm>>
      %dma_start3A_21 = tpu.memref_squeeze %dma_start3A_20 : memref<1x18x64xi32, #tpu.memory_space<hbm>> -> memref<18x64xi32, #tpu.memory_space<hbm>>
      tpu.enqueue_dma source(%dma_start3A_21 : memref<18x64xi32, #tpu.memory_space<hbm>>) target(%arg5 : memref<18x64xi32, #tpu.memory_space<vmem>>) target_semaphore(%run_scoped3A : memref<!tpu.dma_semaphore, #tpu.memory_space<semaphore_mem>>)
      %dma_wait3A = arith.constant 0 : i32
      %dma_wait3A_22 = arith.constant 0 : i32
      %dma_wait3A_23 = tpu.memref_slice %arg2[%add3A, %dma_wait3A, %dma_wait3A_22] : memref<32x18x64xi32, #tpu.memory_space<hbm>> -> memref<1x18x64xi32, #tpu.memory_space<hbm>>
      %dma_wait3A_24 = tpu.memref_squeeze %dma_wait3A_23 : memref<1x18x64xi32, #tpu.memory_space<hbm>> -> memref<18x64xi32, #tpu.memory_space<hbm>>
      %dma_wait3A_25 = arith.constant 0 : i32
      %dma_wait3A_26 = arith.constant 0 : i32
      %dma_wait3A_27 = tpu.memref_slice %arg2[%add3A, %dma_wait3A_25, %dma_wait3A_26] : memref<32x18x64xi32, #tpu.memory_space<hbm>> -> memref<1x18x64xi32, #tpu.memory_space<hbm>>
      %dma_wait3A_28 = tpu.memref_squeeze %dma_wait3A_27 : memref<1x18x64xi32, #tpu.memory_space<hbm>> -> memref<18x64xi32, #tpu.memory_space<hbm>>
      tpu.wait_dma2 semaphore(%run_scoped3A : memref<!tpu.dma_semaphore, #tpu.memory_space<semaphore_mem>>) src(%dma_wait3A_28 : memref<18x64xi32, #tpu.memory_space<hbm>>) dst(%arg5 : memref<18x64xi32, #tpu.memory_space<vmem>>)
      tpu.yield
    }) : () -> ()
    %dma_start3A = arith.constant 0 : i32
    %dma_start3A_3 = arith.constant 0 : i32
    %dma_start3A_4 = tpu.memref_slice %arg5[%dma_start3A, %dma_start3A_3] : memref<18x64xi32, #tpu.memory_space<vmem>> -> memref<1x64xi32, #tpu.memory_space<vmem>>
    %dma_start3A_5 = tpu.memref_squeeze %dma_start3A_4 : memref<1x64xi32, #tpu.memory_space<vmem>> -> memref<64xi32, #tpu.memory_space<vmem>>
    %dma_start3A_6 = arith.constant 0 : i32
    %dma_start3A_7 = arith.constant 0 : i32
    %dma_start3A_8 = tpu.memref_slice %arg3[%dma_start3A_6, %dma_start3A_7] : memref<151936x896xf32, #tpu.memory_space<hbm>> -> memref<151936x896xf32, #tpu.memory_space<hbm>>
    tpu.enqueue_indirect_dma source(%dma_start3A_8 : memref<151936x896xf32, #tpu.memory_space<hbm>>) target(%arg6 : memref<64x896xf32, #tpu.memory_space<vmem>>) offsets(%dma_start3A_5 : memref<64xi32, #tpu.memory_space<vmem>>) semaphore(%arg8 : memref<!tpu.dma_semaphore, #tpu.memory_space<semaphore_mem>>)
    %scan3A = arith.constant 0 : i32
    %scan3A_9 = arith.constant 0 : i32
    %scan3A_10 = arith.constant 9 : i32
    %scan3A_11 = arith.addi %scan3A_9, %scan3A_10 : i32
    %scan3A_12 = arith.constant 1 : i32
    scf.for %scan3A_14 = %scan3A_9 to %scan3A_11 step %scan3A_12  : i32 {
      %mul3A_15 = arith.constant 2 : i32
      %mul3A_16 = arith.muli %mul3A_15, %scan3A_14 : i32
      %add3A_17 = arith.constant 1 : i32
      %add3A_18 = arith.addi %mul3A_16, %add3A_17 : i32
      %dma_start3A_19 = arith.constant 0 : i32
      %dma_start3A_20 = tpu.memref_slice %arg5[%add3A_18, %dma_start3A_19] : memref<18x64xi32, #tpu.memory_space<vmem>> -> memref<1x64xi32, #tpu.memory_space<vmem>>
      %dma_start3A_21 = tpu.memref_squeeze %dma_start3A_20 : memref<1x64xi32, #tpu.memory_space<vmem>> -> memref<64xi32, #tpu.memory_space<vmem>>
      %dma_start3A_22 = arith.constant 0 : i32
      %dma_start3A_23 = arith.constant 0 : i32
      %dma_start3A_24 = tpu.memref_slice %arg3[%dma_start3A_22, %dma_start3A_23] : memref<151936x896xf32, #tpu.memory_space<hbm>> -> memref<151936x896xf32, #tpu.memory_space<hbm>>
      tpu.enqueue_indirect_dma source(%dma_start3A_24 : memref<151936x896xf32, #tpu.memory_space<hbm>>) target(%arg7 : memref<64x896xf32, #tpu.memory_space<vmem>>) offsets(%dma_start3A_21 : memref<64xi32, #tpu.memory_space<vmem>>) semaphore(%arg9 : memref<!tpu.dma_semaphore, #tpu.memory_space<semaphore_mem>>)
      %dma_wait3A = arith.constant 0 : i32
      %dma_wait3A_25 = tpu.memref_slice %arg5[%mul3A_16, %dma_wait3A] : memref<18x64xi32, #tpu.memory_space<vmem>> -> memref<1x64xi32, #tpu.memory_space<vmem>>
      %dma_wait3A_26 = tpu.memref_squeeze %dma_wait3A_25 : memref<1x64xi32, #tpu.memory_space<vmem>> -> memref<64xi32, #tpu.memory_space<vmem>>
      %dma_wait3A_27 = arith.constant 0 : i32
      %dma_wait3A_28 = arith.constant 0 : i32
      %dma_wait3A_29 = tpu.memref_slice %arg3[%dma_wait3A_27, %dma_wait3A_28] : memref<151936x896xf32, #tpu.memory_space<hbm>> -> memref<151936x896xf32, #tpu.memory_space<hbm>>
      tpu.wait_indirect_dma semaphore(%arg8 : memref<!tpu.dma_semaphore, #tpu.memory_space<semaphore_mem>>) src(%dma_wait3A_29 : memref<151936x896xf32, #tpu.memory_space<hbm>>) dst(%arg6 : memref<64x896xf32, #tpu.memory_space<vmem>>)
      %mul3A_30 = arith.constant 64 : i32
      %mul3A_31 = arith.muli %mul3A_16, %mul3A_30 : i32
      %add3A_32 = arith.addi %mul3A_2, %mul3A_31 : i32
      "tpu.region"() ({
        %run_scoped3A = tpu.sem_alloc : memref<!tpu.dma_semaphore, #tpu.memory_space<semaphore_mem>>
        %dma_start3A_50 = arith.constant 0 : i32
        %dma_start3A_51 = tpu.memref_slice %arg4[%add3A_32, %dma_start3A_50] : memref<36864x896xf32, #tpu.memory_space<hbm>> -> memref<64x896xf32, #tpu.memory_space<hbm>>
        %dma_start3A_52 = arith.constant 0 : i32
        %dma_start3A_53 = tpu.memref_slice %arg4[%add3A_32, %dma_start3A_52] : memref<36864x896xf32, #tpu.memory_space<hbm>> -> memref<64x896xf32, #tpu.memory_space<hbm>>
        tpu.enqueue_dma source(%arg6 : memref<64x896xf32, #tpu.memory_space<vmem>>) target(%dma_start3A_53 : memref<64x896xf32, #tpu.memory_space<hbm>>) target_semaphore(%run_scoped3A : memref<!tpu.dma_semaphore, #tpu.memory_space<semaphore_mem>>)
        %dma_wait3A_54 = arith.constant 0 : i32
        %dma_wait3A_55 = tpu.memref_slice %arg4[%add3A_32, %dma_wait3A_54] : memref<36864x896xf32, #tpu.memory_space<hbm>> -> memref<64x896xf32, #tpu.memory_space<hbm>>
        %dma_wait3A_56 = arith.constant 0 : i32
        %dma_wait3A_57 = tpu.memref_slice %arg4[%add3A_32, %dma_wait3A_56] : memref<36864x896xf32, #tpu.memory_space<hbm>> -> memref<64x896xf32, #tpu.memory_space<hbm>>
        tpu.wait_dma2 semaphore(%run_scoped3A : memref<!tpu.dma_semaphore, #tpu.memory_space<semaphore_mem>>) src(%arg6 : memref<64x896xf32, #tpu.memory_space<vmem>>) dst(%dma_wait3A_57 : memref<64x896xf32, #tpu.memory_space<hbm>>)
        tpu.yield
      }) : () -> ()
      %add3A_33 = arith.constant 2 : i32
      %add3A_34 = arith.addi %mul3A_16, %add3A_33 : i32
      %lt3A = arith.constant 18 : i32
      %lt3A_35 = arith.cmpi slt, %add3A_34, %lt3A : i32
      %convert_element_type3A = arith.extui %lt3A_35 : i1 to i32
      %cond3A = arith.constant 0 : i32
      %cond3A_36 = arith.cmpi ne, %convert_element_type3A, %cond3A : i32
      scf.if %cond3A_36 {
        %add3A_50 = arith.constant 2 : i32
        %add3A_51 = arith.addi %mul3A_16, %add3A_50 : i32
        %dma_start3A_52 = arith.constant 0 : i32
        %dma_start3A_53 = tpu.memref_slice %arg5[%add3A_51, %dma_start3A_52] : memref<18x64xi32, #tpu.memory_space<vmem>> -> memref<1x64xi32, #tpu.memory_space<vmem>>
        %dma_start3A_54 = tpu.memref_squeeze %dma_start3A_53 : memref<1x64xi32, #tpu.memory_space<vmem>> -> memref<64xi32, #tpu.memory_space<vmem>>
        %dma_start3A_55 = arith.constant 0 : i32
        %dma_start3A_56 = arith.constant 0 : i32
        %dma_start3A_57 = tpu.memref_slice %arg3[%dma_start3A_55, %dma_start3A_56] : memref<151936x896xf32, #tpu.memory_space<hbm>> -> memref<151936x896xf32, #tpu.memory_space<hbm>>
        tpu.enqueue_indirect_dma source(%dma_start3A_57 : memref<151936x896xf32, #tpu.memory_space<hbm>>) target(%arg6 : memref<64x896xf32, #tpu.memory_space<vmem>>) offsets(%dma_start3A_54 : memref<64xi32, #tpu.memory_space<vmem>>) semaphore(%arg8 : memref<!tpu.dma_semaphore, #tpu.memory_space<semaphore_mem>>)
      } else {
      }
      %add3A_37 = arith.constant 1 : i32
      %add3A_38 = arith.addi %mul3A_16, %add3A_37 : i32
      %dma_wait3A_39 = arith.constant 0 : i32
      %dma_wait3A_40 = tpu.memref_slice %arg5[%add3A_38, %dma_wait3A_39] : memref<18x64xi32, #tpu.memory_space<vmem>> -> memref<1x64xi32, #tpu.memory_space<vmem>>
      %dma_wait3A_41 = tpu.memref_squeeze %dma_wait3A_40 : memref<1x64xi32, #tpu.memory_space<vmem>> -> memref<64xi32, #tpu.memory_space<vmem>>
      %dma_wait3A_42 = arith.constant 0 : i32
      %dma_wait3A_43 = arith.constant 0 : i32
      %dma_wait3A_44 = tpu.memref_slice %arg3[%dma_wait3A_42, %dma_wait3A_43] : memref<151936x896xf32, #tpu.memory_space<hbm>> -> memref<151936x896xf32, #tpu.memory_space<hbm>>
      tpu.wait_indirect_dma semaphore(%arg9 : memref<!tpu.dma_semaphore, #tpu.memory_space<semaphore_mem>>) src(%dma_wait3A_44 : memref<151936x896xf32, #tpu.memory_space<hbm>>) dst(%arg7 : memref<64x896xf32, #tpu.memory_space<vmem>>)
      %add3A_45 = arith.constant 1 : i32
      %add3A_46 = arith.addi %mul3A_16, %add3A_45 : i32
      %mul3A_47 = arith.constant 64 : i32
      %mul3A_48 = arith.muli %add3A_46, %mul3A_47 : i32
      %add3A_49 = arith.addi %mul3A_2, %mul3A_48 : i32
      "tpu.region"() ({
        %run_scoped3A = tpu.sem_alloc : memref<!tpu.dma_semaphore, #tpu.memory_space<semaphore_mem>>
        %dma_start3A_50 = arith.constant 0 : i32
        %dma_start3A_51 = tpu.memref_slice %arg4[%add3A_49, %dma_start3A_50] : memref<36864x896xf32, #tpu.memory_space<hbm>> -> memref<64x896xf32, #tpu.memory_space<hbm>>
        %dma_start3A_52 = arith.constant 0 : i32
        %dma_start3A_53 = tpu.memref_slice %arg4[%add3A_49, %dma_start3A_52] : memref<36864x896xf32, #tpu.memory_space<hbm>> -> memref<64x896xf32, #tpu.memory_space<hbm>>
        tpu.enqueue_dma source(%arg7 : memref<64x896xf32, #tpu.memory_space<vmem>>) target(%dma_start3A_53 : memref<64x896xf32, #tpu.memory_space<hbm>>) target_semaphore(%run_scoped3A : memref<!tpu.dma_semaphore, #tpu.memory_space<semaphore_mem>>)
        %dma_wait3A_54 = arith.constant 0 : i32
        %dma_wait3A_55 = tpu.memref_slice %arg4[%add3A_49, %dma_wait3A_54] : memref<36864x896xf32, #tpu.memory_space<hbm>> -> memref<64x896xf32, #tpu.memory_space<hbm>>
        %dma_wait3A_56 = arith.constant 0 : i32
        %dma_wait3A_57 = tpu.memref_slice %arg4[%add3A_49, %dma_wait3A_56] : memref<36864x896xf32, #tpu.memory_space<hbm>> -> memref<64x896xf32, #tpu.memory_space<hbm>>
        tpu.wait_dma2 semaphore(%run_scoped3A : memref<!tpu.dma_semaphore, #tpu.memory_space<semaphore_mem>>) src(%arg7 : memref<64x896xf32, #tpu.memory_space<vmem>>) dst(%dma_wait3A_57 : memref<64x896xf32, #tpu.memory_space<hbm>>)
        tpu.yield
      }) : () -> ()
    }
    %scan3A_13 = arith.constant 9 : i32
    return
  }
}

#map = affine_map<(d0, d1) -> (0, 0, 0)>
#map1 = affine_map<(d0, d1) -> (0, 0)>
module attributes {stable_mosaic.version = 14 : i64} {
  func.func @k(%arg0: i32, %arg1: i32, %arg2: memref<32x20x64xi32, #tpu.memory_space<hbm>>, %arg3: memref<151936x896xf32, #tpu.memory_space<hbm>>, %arg4: memref<40960x896xf32, #tpu.memory_space<hbm>>, %arg5: memref<20x64xi32, #tpu.memory_space<vmem>>, %arg6: memref<64x896xf32, #tpu.memory_space<vmem>>, %arg7: memref<64x896xf32, #tpu.memory_space<vmem>>, %arg8: memref<!tpu.dma_semaphore, #tpu.memory_space<semaphore_mem>>, %arg9: memref<!tpu.dma_semaphore, #tpu.memory_space<semaphore_mem>>) attributes {dimension_semantics = [#tpu.dimension_semantics<core_parallel>, #tpu.dimension_semantics<subcore_parallel>], iteration_bounds = array<i64: 2, 16>, scalar_prefetch = 0 : i64, scratch_operands = 5 : i64, tpu.core_type = #tpu.core_type<sc_vector_subcore>, window_params = [{transform_indices = #map}, {transform_indices = #map1}, {transform_indices = #map1}]} {
    %mul3A = arith.constant 2 : i32
    %mul3A_0 = arith.muli %arg1, %mul3A : i32
    %add3A = arith.addi %mul3A_0, %arg0 : i32
    %mul3A_1 = arith.constant 1280 : i32
    %mul3A_2 = arith.muli %add3A, %mul3A_1 : i32
    "tpu.region"() ({
      %run_scoped3A = tpu.sem_alloc : memref<!tpu.dma_semaphore, #tpu.memory_space<semaphore_mem>>
      %dma_start3A_14 = arith.constant 0 : i32
      %dma_start3A_15 = arith.constant 0 : i32
      %dma_start3A_16 = tpu.memref_slice %arg2[%add3A, %dma_start3A_14, %dma_start3A_15] : memref<32x20x64xi32, #tpu.memory_space<hbm>> -> memref<1x20x64xi32, #tpu.memory_space<hbm>>
      %dma_start3A_17 = tpu.memref_squeeze %dma_start3A_16 : memref<1x20x64xi32, #tpu.memory_space<hbm>> -> memref<20x64xi32, #tpu.memory_space<hbm>>
      %dma_start3A_18 = arith.constant 0 : i32
      %dma_start3A_19 = arith.constant 0 : i32
      %dma_start3A_20 = tpu.memref_slice %arg2[%add3A, %dma_start3A_18, %dma_start3A_19] : memref<32x20x64xi32, #tpu.memory_space<hbm>> -> memref<1x20x64xi32, #tpu.memory_space<hbm>>
      %dma_start3A_21 = tpu.memref_squeeze %dma_start3A_20 : memref<1x20x64xi32, #tpu.memory_space<hbm>> -> memref<20x64xi32, #tpu.memory_space<hbm>>
      tpu.enqueue_dma source(%dma_start3A_21 : memref<20x64xi32, #tpu.memory_space<hbm>>) target(%arg5 : memref<20x64xi32, #tpu.memory_space<vmem>>) target_semaphore(%run_scoped3A : memref<!tpu.dma_semaphore, #tpu.memory_space<semaphore_mem>>)
      %dma_wait3A = arith.constant 0 : i32
      %dma_wait3A_22 = arith.constant 0 : i32
      %dma_wait3A_23 = tpu.memref_slice %arg2[%add3A, %dma_wait3A, %dma_wait3A_22] : memref<32x20x64xi32, #tpu.memory_space<hbm>> -> memref<1x20x64xi32, #tpu.memory_space<hbm>>
      %dma_wait3A_24 = tpu.memref_squeeze %dma_wait3A_23 : memref<1x20x64xi32, #tpu.memory_space<hbm>> -> memref<20x64xi32, #tpu.memory_space<hbm>>
      %dma_wait3A_25 = arith.constant 0 : i32
      %dma_wait3A_26 = arith.constant 0 : i32
      %dma_wait3A_27 = tpu.memref_slice %arg2[%add3A, %dma_wait3A_25, %dma_wait3A_26] : memref<32x20x64xi32, #tpu.memory_space<hbm>> -> memref<1x20x64xi32, #tpu.memory_space<hbm>>
      %dma_wait3A_28 = tpu.memref_squeeze %dma_wait3A_27 : memref<1x20x64xi32, #tpu.memory_space<hbm>> -> memref<20x64xi32, #tpu.memory_space<hbm>>
      tpu.wait_dma2 semaphore(%run_scoped3A : memref<!tpu.dma_semaphore, #tpu.memory_space<semaphore_mem>>) src(%dma_wait3A_28 : memref<20x64xi32, #tpu.memory_space<hbm>>) dst(%arg5 : memref<20x64xi32, #tpu.memory_space<vmem>>)
      tpu.yield
    }) : () -> ()
    %dma_start3A = arith.constant 0 : i32
    %dma_start3A_3 = arith.constant 0 : i32
    %dma_start3A_4 = tpu.memref_slice %arg5[%dma_start3A, %dma_start3A_3] : memref<20x64xi32, #tpu.memory_space<vmem>> -> memref<1x64xi32, #tpu.memory_space<vmem>>
    %dma_start3A_5 = tpu.memref_squeeze %dma_start3A_4 : memref<1x64xi32, #tpu.memory_space<vmem>> -> memref<64xi32, #tpu.memory_space<vmem>>
    %dma_start3A_6 = arith.constant 0 : i32
    %dma_start3A_7 = arith.constant 0 : i32
    %dma_start3A_8 = tpu.memref_slice %arg3[%dma_start3A_6, %dma_start3A_7] : memref<151936x896xf32, #tpu.memory_space<hbm>> -> memref<151936x896xf32, #tpu.memory_space<hbm>>
    tpu.enqueue_indirect_dma source(%dma_start3A_8 : memref<151936x896xf32, #tpu.memory_space<hbm>>) target(%arg6 : memref<64x896xf32, #tpu.memory_space<vmem>>) offsets(%dma_start3A_5 : memref<64xi32, #tpu.memory_space<vmem>>) semaphore(%arg8 : memref<!tpu.dma_semaphore, #tpu.memory_space<semaphore_mem>>)
    %scan3A = arith.constant 0 : i32
    %scan3A_9 = arith.constant 0 : i32
    %scan3A_10 = arith.constant 10 : i32
    %scan3A_11 = arith.addi %scan3A_9, %scan3A_10 : i32
    %scan3A_12 = arith.constant 1 : i32
    scf.for %scan3A_14 = %scan3A_9 to %scan3A_11 step %scan3A_12  : i32 {
      %mul3A_15 = arith.constant 2 : i32
      %mul3A_16 = arith.muli %mul3A_15, %scan3A_14 : i32
      %add3A_17 = arith.constant 1 : i32
      %add3A_18 = arith.addi %mul3A_16, %add3A_17 : i32
      %dma_start3A_19 = arith.constant 0 : i32
      %dma_start3A_20 = tpu.memref_slice %arg5[%add3A_18, %dma_start3A_19] : memref<20x64xi32, #tpu.memory_space<vmem>> -> memref<1x64xi32, #tpu.memory_space<vmem>>
      %dma_start3A_21 = tpu.memref_squeeze %dma_start3A_20 : memref<1x64xi32, #tpu.memory_space<vmem>> -> memref<64xi32, #tpu.memory_space<vmem>>
      %dma_start3A_22 = arith.constant 0 : i32
      %dma_start3A_23 = arith.constant 0 : i32
      %dma_start3A_24 = tpu.memref_slice %arg3[%dma_start3A_22, %dma_start3A_23] : memref<151936x896xf32, #tpu.memory_space<hbm>> -> memref<151936x896xf32, #tpu.memory_space<hbm>>
      tpu.enqueue_indirect_dma source(%dma_start3A_24 : memref<151936x896xf32, #tpu.memory_space<hbm>>) target(%arg7 : memref<64x896xf32, #tpu.memory_space<vmem>>) offsets(%dma_start3A_21 : memref<64xi32, #tpu.memory_space<vmem>>) semaphore(%arg9 : memref<!tpu.dma_semaphore, #tpu.memory_space<semaphore_mem>>)
      %dma_wait3A = arith.constant 0 : i32
      %dma_wait3A_25 = tpu.memref_slice %arg5[%mul3A_16, %dma_wait3A] : memref<20x64xi32, #tpu.memory_space<vmem>> -> memref<1x64xi32, #tpu.memory_space<vmem>>
      %dma_wait3A_26 = tpu.memref_squeeze %dma_wait3A_25 : memref<1x64xi32, #tpu.memory_space<vmem>> -> memref<64xi32, #tpu.memory_space<vmem>>
      %dma_wait3A_27 = arith.constant 0 : i32
      %dma_wait3A_28 = arith.constant 0 : i32
      %dma_wait3A_29 = tpu.memref_slice %arg3[%dma_wait3A_27, %dma_wait3A_28] : memref<151936x896xf32, #tpu.memory_space<hbm>> -> memref<151936x896xf32, #tpu.memory_space<hbm>>
      tpu.wait_indirect_dma semaphore(%arg8 : memref<!tpu.dma_semaphore, #tpu.memory_space<semaphore_mem>>) src(%dma_wait3A_29 : memref<151936x896xf32, #tpu.memory_space<hbm>>) dst(%arg6 : memref<64x896xf32, #tpu.memory_space<vmem>>)
      %mul3A_30 = arith.constant 64 : i32
      %mul3A_31 = arith.muli %mul3A_16, %mul3A_30 : i32
      %add3A_32 = arith.addi %mul3A_2, %mul3A_31 : i32
      "tpu.region"() ({
        %run_scoped3A = tpu.sem_alloc : memref<!tpu.dma_semaphore, #tpu.memory_space<semaphore_mem>>
        %dma_start3A_50 = arith.constant 0 : i32
        %dma_start3A_51 = tpu.memref_slice %arg4[%add3A_32, %dma_start3A_50] : memref<40960x896xf32, #tpu.memory_space<hbm>> -> memref<64x896xf32, #tpu.memory_space<hbm>>
        %dma_start3A_52 = arith.constant 0 : i32
        %dma_start3A_53 = tpu.memref_slice %arg4[%add3A_32, %dma_start3A_52] : memref<40960x896xf32, #tpu.memory_space<hbm>> -> memref<64x896xf32, #tpu.memory_space<hbm>>
        tpu.enqueue_dma source(%arg6 : memref<64x896xf32, #tpu.memory_space<vmem>>) target(%dma_start3A_53 : memref<64x896xf32, #tpu.memory_space<hbm>>) target_semaphore(%run_scoped3A : memref<!tpu.dma_semaphore, #tpu.memory_space<semaphore_mem>>)
        %dma_wait3A_54 = arith.constant 0 : i32
        %dma_wait3A_55 = tpu.memref_slice %arg4[%add3A_32, %dma_wait3A_54] : memref<40960x896xf32, #tpu.memory_space<hbm>> -> memref<64x896xf32, #tpu.memory_space<hbm>>
        %dma_wait3A_56 = arith.constant 0 : i32
        %dma_wait3A_57 = tpu.memref_slice %arg4[%add3A_32, %dma_wait3A_56] : memref<40960x896xf32, #tpu.memory_space<hbm>> -> memref<64x896xf32, #tpu.memory_space<hbm>>
        tpu.wait_dma2 semaphore(%run_scoped3A : memref<!tpu.dma_semaphore, #tpu.memory_space<semaphore_mem>>) src(%arg6 : memref<64x896xf32, #tpu.memory_space<vmem>>) dst(%dma_wait3A_57 : memref<64x896xf32, #tpu.memory_space<hbm>>)
        tpu.yield
      }) : () -> ()
      %add3A_33 = arith.constant 2 : i32
      %add3A_34 = arith.addi %mul3A_16, %add3A_33 : i32
      %lt3A = arith.constant 20 : i32
      %lt3A_35 = arith.cmpi slt, %add3A_34, %lt3A : i32
      %convert_element_type3A = arith.extui %lt3A_35 : i1 to i32
      %cond3A = arith.constant 0 : i32
      %cond3A_36 = arith.cmpi ne, %convert_element_type3A, %cond3A : i32
      scf.if %cond3A_36 {
        %add3A_50 = arith.constant 2 : i32
        %add3A_51 = arith.addi %mul3A_16, %add3A_50 : i32
        %dma_start3A_52 = arith.constant 0 : i32
        %dma_start3A_53 = tpu.memref_slice %arg5[%add3A_51, %dma_start3A_52] : memref<20x64xi32, #tpu.memory_space<vmem>> -> memref<1x64xi32, #tpu.memory_space<vmem>>
        %dma_start3A_54 = tpu.memref_squeeze %dma_start3A_53 : memref<1x64xi32, #tpu.memory_space<vmem>> -> memref<64xi32, #tpu.memory_space<vmem>>
        %dma_start3A_55 = arith.constant 0 : i32
        %dma_start3A_56 = arith.constant 0 : i32
        %dma_start3A_57 = tpu.memref_slice %arg3[%dma_start3A_55, %dma_start3A_56] : memref<151936x896xf32, #tpu.memory_space<hbm>> -> memref<151936x896xf32, #tpu.memory_space<hbm>>
        tpu.enqueue_indirect_dma source(%dma_start3A_57 : memref<151936x896xf32, #tpu.memory_space<hbm>>) target(%arg6 : memref<64x896xf32, #tpu.memory_space<vmem>>) offsets(%dma_start3A_54 : memref<64xi32, #tpu.memory_space<vmem>>) semaphore(%arg8 : memref<!tpu.dma_semaphore, #tpu.memory_space<semaphore_mem>>)
      } else {
      }
      %add3A_37 = arith.constant 1 : i32
      %add3A_38 = arith.addi %mul3A_16, %add3A_37 : i32
      %dma_wait3A_39 = arith.constant 0 : i32
      %dma_wait3A_40 = tpu.memref_slice %arg5[%add3A_38, %dma_wait3A_39] : memref<20x64xi32, #tpu.memory_space<vmem>> -> memref<1x64xi32, #tpu.memory_space<vmem>>
      %dma_wait3A_41 = tpu.memref_squeeze %dma_wait3A_40 : memref<1x64xi32, #tpu.memory_space<vmem>> -> memref<64xi32, #tpu.memory_space<vmem>>
      %dma_wait3A_42 = arith.constant 0 : i32
      %dma_wait3A_43 = arith.constant 0 : i32
      %dma_wait3A_44 = tpu.memref_slice %arg3[%dma_wait3A_42, %dma_wait3A_43] : memref<151936x896xf32, #tpu.memory_space<hbm>> -> memref<151936x896xf32, #tpu.memory_space<hbm>>
      tpu.wait_indirect_dma semaphore(%arg9 : memref<!tpu.dma_semaphore, #tpu.memory_space<semaphore_mem>>) src(%dma_wait3A_44 : memref<151936x896xf32, #tpu.memory_space<hbm>>) dst(%arg7 : memref<64x896xf32, #tpu.memory_space<vmem>>)
      %add3A_45 = arith.constant 1 : i32
      %add3A_46 = arith.addi %mul3A_16, %add3A_45 : i32
      %mul3A_47 = arith.constant 64 : i32
      %mul3A_48 = arith.muli %add3A_46, %mul3A_47 : i32
      %add3A_49 = arith.addi %mul3A_2, %mul3A_48 : i32
      "tpu.region"() ({
        %run_scoped3A = tpu.sem_alloc : memref<!tpu.dma_semaphore, #tpu.memory_space<semaphore_mem>>
        %dma_start3A_50 = arith.constant 0 : i32
        %dma_start3A_51 = tpu.memref_slice %arg4[%add3A_49, %dma_start3A_50] : memref<40960x896xf32, #tpu.memory_space<hbm>> -> memref<64x896xf32, #tpu.memory_space<hbm>>
        %dma_start3A_52 = arith.constant 0 : i32
        %dma_start3A_53 = tpu.memref_slice %arg4[%add3A_49, %dma_start3A_52] : memref<40960x896xf32, #tpu.memory_space<hbm>> -> memref<64x896xf32, #tpu.memory_space<hbm>>
        tpu.enqueue_dma source(%arg7 : memref<64x896xf32, #tpu.memory_space<vmem>>) target(%dma_start3A_53 : memref<64x896xf32, #tpu.memory_space<hbm>>) target_semaphore(%run_scoped3A : memref<!tpu.dma_semaphore, #tpu.memory_space<semaphore_mem>>)
        %dma_wait3A_54 = arith.constant 0 : i32
        %dma_wait3A_55 = tpu.memref_slice %arg4[%add3A_49, %dma_wait3A_54] : memref<40960x896xf32, #tpu.memory_space<hbm>> -> memref<64x896xf32, #tpu.memory_space<hbm>>
        %dma_wait3A_56 = arith.constant 0 : i32
        %dma_wait3A_57 = tpu.memref_slice %arg4[%add3A_49, %dma_wait3A_56] : memref<40960x896xf32, #tpu.memory_space<hbm>> -> memref<64x896xf32, #tpu.memory_space<hbm>>
        tpu.wait_dma2 semaphore(%run_scoped3A : memref<!tpu.dma_semaphore, #tpu.memory_space<semaphore_mem>>) src(%arg7 : memref<64x896xf32, #tpu.memory_space<vmem>>) dst(%dma_wait3A_57 : memref<64x896xf32, #tpu.memory_space<hbm>>)
        tpu.yield
      }) : () -> ()
    }
    %scan3A_13 = arith.constant 10 : i32
    return
  }
}

#map = affine_map<(d0, d1) -> (0, 0, 0)>
#map1 = affine_map<(d0, d1) -> (0, 0)>
module attributes {stable_mosaic.version = 14 : i64} {
  func.func @k(%arg0: i32, %arg1: i32, %arg2: memref<32x18x64xi32, #tpu.memory_space<hbm>>, %arg3: memref<151936x896xf32, #tpu.memory_space<hbm>>, %arg4: memref<36864x896xf32, #tpu.memory_space<hbm>>, %arg5: memref<18x64xi32, #tpu.memory_space<vmem>>, %arg6: memref<64x896xf32, #tpu.memory_space<vmem>>, %arg7: memref<64x896xf32, #tpu.memory_space<vmem>>, %arg8: memref<!tpu.dma_semaphore, #tpu.memory_space<semaphore_mem>>, %arg9: memref<!tpu.dma_semaphore, #tpu.memory_space<semaphore_mem>>) attributes {dimension_semantics = [#tpu.dimension_semantics<core_parallel>, #tpu.dimension_semantics<subcore_parallel>], iteration_bounds = array<i64: 2, 16>, scalar_prefetch = 0 : i64, scratch_operands = 5 : i64, tpu.core_type = #tpu.core_type<sc_vector_subcore>, window_params = [{transform_indices = #map}, {transform_indices = #map1}, {transform_indices = #map1}]} {
    %mul3A = arith.constant 2 : i32
    %mul3A_0 = arith.muli %arg1, %mul3A : i32
    %add3A = arith.addi %mul3A_0, %arg0 : i32
    %mul3A_1 = arith.constant 1152 : i32
    %mul3A_2 = arith.muli %add3A, %mul3A_1 : i32
    "tpu.region"() ({
      %run_scoped3A = tpu.sem_alloc : memref<!tpu.dma_semaphore, #tpu.memory_space<semaphore_mem>>
      %dma_start3A_14 = arith.constant 0 : i32
      %dma_start3A_15 = arith.constant 0 : i32
      %dma_start3A_16 = tpu.memref_slice %arg2[%add3A, %dma_start3A_14, %dma_start3A_15] : memref<32x18x64xi32, #tpu.memory_space<hbm>> -> memref<1x18x64xi32, #tpu.memory_space<hbm>>
      %dma_start3A_17 = tpu.memref_squeeze %dma_start3A_16 : memref<1x18x64xi32, #tpu.memory_space<hbm>> -> memref<18x64xi32, #tpu.memory_space<hbm>>
      %dma_start3A_18 = arith.constant 0 : i32
      %dma_start3A_19 = arith.constant 0 : i32
      %dma_start3A_20 = tpu.memref_slice %arg2[%add3A, %dma_start3A_18, %dma_start3A_19] : memref<32x18x64xi32, #tpu.memory_space<hbm>> -> memref<1x18x64xi32, #tpu.memory_space<hbm>>
      %dma_start3A_21 = tpu.memref_squeeze %dma_start3A_20 : memref<1x18x64xi32, #tpu.memory_space<hbm>> -> memref<18x64xi32, #tpu.memory_space<hbm>>
      tpu.enqueue_dma source(%dma_start3A_21 : memref<18x64xi32, #tpu.memory_space<hbm>>) target(%arg5 : memref<18x64xi32, #tpu.memory_space<vmem>>) target_semaphore(%run_scoped3A : memref<!tpu.dma_semaphore, #tpu.memory_space<semaphore_mem>>)
      %dma_wait3A = arith.constant 0 : i32
      %dma_wait3A_22 = arith.constant 0 : i32
      %dma_wait3A_23 = tpu.memref_slice %arg2[%add3A, %dma_wait3A, %dma_wait3A_22] : memref<32x18x64xi32, #tpu.memory_space<hbm>> -> memref<1x18x64xi32, #tpu.memory_space<hbm>>
      %dma_wait3A_24 = tpu.memref_squeeze %dma_wait3A_23 : memref<1x18x64xi32, #tpu.memory_space<hbm>> -> memref<18x64xi32, #tpu.memory_space<hbm>>
      %dma_wait3A_25 = arith.constant 0 : i32
      %dma_wait3A_26 = arith.constant 0 : i32
      %dma_wait3A_27 = tpu.memref_slice %arg2[%add3A, %dma_wait3A_25, %dma_wait3A_26] : memref<32x18x64xi32, #tpu.memory_space<hbm>> -> memref<1x18x64xi32, #tpu.memory_space<hbm>>
      %dma_wait3A_28 = tpu.memref_squeeze %dma_wait3A_27 : memref<1x18x64xi32, #tpu.memory_space<hbm>> -> memref<18x64xi32, #tpu.memory_space<hbm>>
      tpu.wait_dma2 semaphore(%run_scoped3A : memref<!tpu.dma_semaphore, #tpu.memory_space<semaphore_mem>>) src(%dma_wait3A_28 : memref<18x64xi32, #tpu.memory_space<hbm>>) dst(%arg5 : memref<18x64xi32, #tpu.memory_space<vmem>>)
      tpu.yield
    }) : () -> ()
    %dma_start3A = arith.constant 0 : i32
    %dma_start3A_3 = arith.constant 0 : i32
    %dma_start3A_4 = tpu.memref_slice %arg5[%dma_start3A, %dma_start3A_3] : memref<18x64xi32, #tpu.memory_space<vmem>> -> memref<1x64xi32, #tpu.memory_space<vmem>>
    %dma_start3A_5 = tpu.memref_squeeze %dma_start3A_4 : memref<1x64xi32, #tpu.memory_space<vmem>> -> memref<64xi32, #tpu.memory_space<vmem>>
    %dma_start3A_6 = arith.constant 0 : i32
    %dma_start3A_7 = arith.constant 0 : i32
    %dma_start3A_8 = tpu.memref_slice %arg3[%dma_start3A_6, %dma_start3A_7] : memref<151936x896xf32, #tpu.memory_space<hbm>> -> memref<151936x896xf32, #tpu.memory_space<hbm>>
    tpu.enqueue_indirect_dma source(%dma_start3A_8 : memref<151936x896xf32, #tpu.memory_space<hbm>>) target(%arg6 : memref<64x896xf32, #tpu.memory_space<vmem>>) offsets(%dma_start3A_5 : memref<64xi32, #tpu.memory_space<vmem>>) semaphore(%arg8 : memref<!tpu.dma_semaphore, #tpu.memory_space<semaphore_mem>>)
    %scan3A = arith.constant 0 : i32
    %scan3A_9 = arith.constant 0 : i32
    %scan3A_10 = arith.constant 9 : i32
    %scan3A_11 = arith.addi %scan3A_9, %scan3A_10 : i32
    %scan3A_12 = arith.constant 1 : i32
    scf.for %scan3A_14 = %scan3A_9 to %scan3A_11 step %scan3A_12  : i32 {
      %mul3A_15 = arith.constant 2 : i32
      %mul3A_16 = arith.muli %mul3A_15, %scan3A_14 : i32
      %add3A_17 = arith.constant 1 : i32
      %add3A_18 = arith.addi %mul3A_16, %add3A_17 : i32
      %dma_start3A_19 = arith.constant 0 : i32
      %dma_start3A_20 = tpu.memref_slice %arg5[%add3A_18, %dma_start3A_19] : memref<18x64xi32, #tpu.memory_space<vmem>> -> memref<1x64xi32, #tpu.memory_space<vmem>>
      %dma_start3A_21 = tpu.memref_squeeze %dma_start3A_20 : memref<1x64xi32, #tpu.memory_space<vmem>> -> memref<64xi32, #tpu.memory_space<vmem>>
      %dma_start3A_22 = arith.constant 0 : i32
      %dma_start3A_23 = arith.constant 0 : i32
      %dma_start3A_24 = tpu.memref_slice %arg3[%dma_start3A_22, %dma_start3A_23] : memref<151936x896xf32, #tpu.memory_space<hbm>> -> memref<151936x896xf32, #tpu.memory_space<hbm>>
      tpu.enqueue_indirect_dma source(%dma_start3A_24 : memref<151936x896xf32, #tpu.memory_space<hbm>>) target(%arg7 : memref<64x896xf32, #tpu.memory_space<vmem>>) offsets(%dma_start3A_21 : memref<64xi32, #tpu.memory_space<vmem>>) semaphore(%arg9 : memref<!tpu.dma_semaphore, #tpu.memory_space<semaphore_mem>>)
      %dma_wait3A = arith.constant 0 : i32
      %dma_wait3A_25 = tpu.memref_slice %arg5[%mul3A_16, %dma_wait3A] : memref<18x64xi32, #tpu.memory_space<vmem>> -> memref<1x64xi32, #tpu.memory_space<vmem>>
      %dma_wait3A_26 = tpu.memref_squeeze %dma_wait3A_25 : memref<1x64xi32, #tpu.memory_space<vmem>> -> memref<64xi32, #tpu.memory_space<vmem>>
      %dma_wait3A_27 = arith.constant 0 : i32
      %dma_wait3A_28 = arith.constant 0 : i32
      %dma_wait3A_29 = tpu.memref_slice %arg3[%dma_wait3A_27, %dma_wait3A_28] : memref<151936x896xf32, #tpu.memory_space<hbm>> -> memref<151936x896xf32, #tpu.memory_space<hbm>>
      tpu.wait_indirect_dma semaphore(%arg8 : memref<!tpu.dma_semaphore, #tpu.memory_space<semaphore_mem>>) src(%dma_wait3A_29 : memref<151936x896xf32, #tpu.memory_space<hbm>>) dst(%arg6 : memref<64x896xf32, #tpu.memory_space<vmem>>)
      %mul3A_30 = arith.constant 64 : i32
      %mul3A_31 = arith.muli %mul3A_16, %mul3A_30 : i32
      %add3A_32 = arith.addi %mul3A_2, %mul3A_31 : i32
      "tpu.region"() ({
        %run_scoped3A = tpu.sem_alloc : memref<!tpu.dma_semaphore, #tpu.memory_space<semaphore_mem>>
        %dma_start3A_50 = arith.constant 0 : i32
        %dma_start3A_51 = tpu.memref_slice %arg4[%add3A_32, %dma_start3A_50] : memref<36864x896xf32, #tpu.memory_space<hbm>> -> memref<64x896xf32, #tpu.memory_space<hbm>>
        %dma_start3A_52 = arith.constant 0 : i32
        %dma_start3A_53 = tpu.memref_slice %arg4[%add3A_32, %dma_start3A_52] : memref<36864x896xf32, #tpu.memory_space<hbm>> -> memref<64x896xf32, #tpu.memory_space<hbm>>
        tpu.enqueue_dma source(%arg6 : memref<64x896xf32, #tpu.memory_space<vmem>>) target(%dma_start3A_53 : memref<64x896xf32, #tpu.memory_space<hbm>>) target_semaphore(%run_scoped3A : memref<!tpu.dma_semaphore, #tpu.memory_space<semaphore_mem>>)
        %dma_wait3A_54 = arith.constant 0 : i32
        %dma_wait3A_55 = tpu.memref_slice %arg4[%add3A_32, %dma_wait3A_54] : memref<36864x896xf32, #tpu.memory_space<hbm>> -> memref<64x896xf32, #tpu.memory_space<hbm>>
        %dma_wait3A_56 = arith.constant 0 : i32
        %dma_wait3A_57 = tpu.memref_slice %arg4[%add3A_32, %dma_wait3A_56] : memref<36864x896xf32, #tpu.memory_space<hbm>> -> memref<64x896xf32, #tpu.memory_space<hbm>>
        tpu.wait_dma2 semaphore(%run_scoped3A : memref<!tpu.dma_semaphore, #tpu.memory_space<semaphore_mem>>) src(%arg6 : memref<64x896xf32, #tpu.memory_space<vmem>>) dst(%dma_wait3A_57 : memref<64x896xf32, #tpu.memory_space<hbm>>)
        tpu.yield
      }) : () -> ()
      %add3A_33 = arith.constant 2 : i32
      %add3A_34 = arith.addi %mul3A_16, %add3A_33 : i32
      %lt3A = arith.constant 18 : i32
      %lt3A_35 = arith.cmpi slt, %add3A_34, %lt3A : i32
      %convert_element_type3A = arith.extui %lt3A_35 : i1 to i32
      %cond3A = arith.constant 0 : i32
      %cond3A_36 = arith.cmpi ne, %convert_element_type3A, %cond3A : i32
      scf.if %cond3A_36 {
        %add3A_50 = arith.constant 2 : i32
        %add3A_51 = arith.addi %mul3A_16, %add3A_50 : i32
        %dma_start3A_52 = arith.constant 0 : i32
        %dma_start3A_53 = tpu.memref_slice %arg5[%add3A_51, %dma_start3A_52] : memref<18x64xi32, #tpu.memory_space<vmem>> -> memref<1x64xi32, #tpu.memory_space<vmem>>
        %dma_start3A_54 = tpu.memref_squeeze %dma_start3A_53 : memref<1x64xi32, #tpu.memory_space<vmem>> -> memref<64xi32, #tpu.memory_space<vmem>>
        %dma_start3A_55 = arith.constant 0 : i32
        %dma_start3A_56 = arith.constant 0 : i32
        %dma_start3A_57 = tpu.memref_slice %arg3[%dma_start3A_55, %dma_start3A_56] : memref<151936x896xf32, #tpu.memory_space<hbm>> -> memref<151936x896xf32, #tpu.memory_space<hbm>>
        tpu.enqueue_indirect_dma source(%dma_start3A_57 : memref<151936x896xf32, #tpu.memory_space<hbm>>) target(%arg6 : memref<64x896xf32, #tpu.memory_space<vmem>>) offsets(%dma_start3A_54 : memref<64xi32, #tpu.memory_space<vmem>>) semaphore(%arg8 : memref<!tpu.dma_semaphore, #tpu.memory_space<semaphore_mem>>)
      } else {
      }
      %add3A_37 = arith.constant 1 : i32
      %add3A_38 = arith.addi %mul3A_16, %add3A_37 : i32
      %dma_wait3A_39 = arith.constant 0 : i32
      %dma_wait3A_40 = tpu.memref_slice %arg5[%add3A_38, %dma_wait3A_39] : memref<18x64xi32, #tpu.memory_space<vmem>> -> memref<1x64xi32, #tpu.memory_space<vmem>>
      %dma_wait3A_41 = tpu.memref_squeeze %dma_wait3A_40 : memref<1x64xi32, #tpu.memory_space<vmem>> -> memref<64xi32, #tpu.memory_space<vmem>>
      %dma_wait3A_42 = arith.constant 0 : i32
      %dma_wait3A_43 = arith.constant 0 : i32
      %dma_wait3A_44 = tpu.memref_slice %arg3[%dma_wait3A_42, %dma_wait3A_43] : memref<151936x896xf32, #tpu.memory_space<hbm>> -> memref<151936x896xf32, #tpu.memory_space<hbm>>
      tpu.wait_indirect_dma semaphore(%arg9 : memref<!tpu.dma_semaphore, #tpu.memory_space<semaphore_mem>>) src(%dma_wait3A_44 : memref<151936x896xf32, #tpu.memory_space<hbm>>) dst(%arg7 : memref<64x896xf32, #tpu.memory_space<vmem>>)
      %add3A_45 = arith.constant 1 : i32
      %add3A_46 = arith.addi %mul3A_16, %add3A_45 : i32
      %mul3A_47 = arith.constant 64 : i32
      %mul3A_48 = arith.muli %add3A_46, %mul3A_47 : i32
      %add3A_49 = arith.addi %mul3A_2, %mul3A_48 : i32
      "tpu.region"() ({
        %run_scoped3A = tpu.sem_alloc : memref<!tpu.dma_semaphore, #tpu.memory_space<semaphore_mem>>
        %dma_start3A_50 = arith.constant 0 : i32
        %dma_start3A_51 = tpu.memref_slice %arg4[%add3A_49, %dma_start3A_50] : memref<36864x896xf32, #tpu.memory_space<hbm>> -> memref<64x896xf32, #tpu.memory_space<hbm>>
        %dma_start3A_52 = arith.constant 0 : i32
        %dma_start3A_53 = tpu.memref_slice %arg4[%add3A_49, %dma_start3A_52] : memref<36864x896xf32, #tpu.memory_space<hbm>> -> memref<64x896xf32, #tpu.memory_space<hbm>>
        tpu.enqueue_dma source(%arg7 : memref<64x896xf32, #tpu.memory_space<vmem>>) target(%dma_start3A_53 : memref<64x896xf32, #tpu.memory_space<hbm>>) target_semaphore(%run_scoped3A : memref<!tpu.dma_semaphore, #tpu.memory_space<semaphore_mem>>)
        %dma_wait3A_54 = arith.constant 0 : i32
        %dma_wait3A_55 = tpu.memref_slice %arg4[%add3A_49, %dma_wait3A_54] : memref<36864x896xf32, #tpu.memory_space<hbm>> -> memref<64x896xf32, #tpu.memory_space<hbm>>
        %dma_wait3A_56 = arith.constant 0 : i32
        %dma_wait3A_57 = tpu.memref_slice %arg4[%add3A_49, %dma_wait3A_56] : memref<36864x896xf32, #tpu.memory_space<hbm>> -> memref<64x896xf32, #tpu.memory_space<hbm>>
        tpu.wait_dma2 semaphore(%run_scoped3A : memref<!tpu.dma_semaphore, #tpu.memory_space<semaphore_mem>>) src(%arg7 : memref<64x896xf32, #tpu.memory_space<vmem>>) dst(%dma_wait3A_57 : memref<64x896xf32, #tpu.memory_space<hbm>>)
        tpu.yield
      }) : () -> ()
    }
    %scan3A_13 = arith.constant 9 : i32
    return
  }
}

module attributes {stable_mosaic.version = 14 : i64} {
  func.func @mm_alias(%arg0: i32, %arg1: memref<131072x768xf32, #tpu.memory_space<any>>, %arg2: memref<2048x896xf32, #tpu.memory_space<vmem>>, %arg3: memref<896x768xbf16, #tpu.memory_space<vmem>>, %arg4: memref<2048x768xf32, #tpu.memory_space<vmem>>, %arg5: memref<2048x768xf32, #tpu.memory_space<vmem>>) attributes {dimension_semantics = [#tpu.dimension_semantics<arbitrary>], iteration_bounds = array<i64: 20>, scalar_prefetch = 0 : i64, scratch_operands = 0 : i64, tpu.core_type = #tpu.core_type<tc>, window_params = [{}, {transform_indices = @transform_1, window_bounds = array<i64: 2048, 896>}, {pipeline_mode = #tpu.pipeline_mode<synchronous>, transform_indices = @transform_2, window_bounds = array<i64: 896, 768>}, {pipeline_mode = #tpu.pipeline_mode<synchronous>, transform_indices = @transform_3, window_bounds = array<i64: 2048, 768>}, {transform_indices = @transform_4, window_bounds = array<i64: 2048, 768>}]} {
    %get3A = arith.constant 0 : index
    %get3A_0 = arith.constant 0 : index
    %get3A_1 = vector.load %arg2[%get3A, %get3A_0] : memref<2048x896xf32, #tpu.memory_space<vmem>>, vector<2048x896xf32>
    %convert_element_type3A = arith.truncf %get3A_1 : vector<2048x896xf32> to vector<2048x896xbf16>
    %get3A_2 = arith.constant 0 : index
    %get3A_3 = arith.constant 0 : index
    %get3A_4 = vector.load %arg3[%get3A_2, %get3A_3] : memref<896x768xbf16, #tpu.memory_space<vmem>>, vector<896x768xbf16>
    %dot_general3A = arith.constant dense<0.000000e+00> : vector<2048x768xf32>
    %dot_general3A_5 = tpu.matmul %convert_element_type3A, %get3A_4, %dot_general3A {dimension_numbers = #tpu.dot_dimension_numbers<[1], [0], [0], [1], [0, 0, 1, 1], [], []>, transpose_lhs_hint = false} : vector<2048x896xbf16>, vector<896x768xbf16>, vector<2048x768xf32> -> vector<2048x768xf32>
    %get3A_6 = arith.constant 0 : index
    %get3A_7 = arith.constant 0 : index
    %get3A_8 = vector.load %arg4[%get3A_6, %get3A_7] : memref<2048x768xf32, #tpu.memory_space<vmem>>, vector<2048x768xf32>
    %add3A = arith.addf %dot_general3A_5, %get3A_8 : vector<2048x768xf32>
    %swap3A = arith.constant 0 : index
    %swap3A_9 = arith.constant 0 : index
    %swap3A_10 = vector.load %arg5[%swap3A, %swap3A_9] : memref<2048x768xf32, #tpu.memory_space<vmem>>, vector<2048x768xf32>
    tpu.vector_store %arg5[%swap3A, %swap3A_9], %add3A {strides = array<i32>} : memref<2048x768xf32, #tpu.memory_space<vmem>>, vector<2048x768xf32>,
    return
  }
  func.func @transform_1(%arg0: i32) -> (i32, i32) {
    %c0_i32 = arith.constant 0 : i32
    %c0_i32_0 = arith.constant 0 : i32
    return %arg0, %c0_i32 : i32, i32
  }
  func.func @transform_2(%arg0: i32) -> (i32, i32) {
    %c0_i32 = arith.constant 0 : i32
    %c0_i32_0 = arith.constant 0 : i32
    %c0_i32_1 = arith.constant 0 : i32
    return %c0_i32, %c0_i32_0 : i32, i32
  }
  func.func @transform_3(%arg0: i32) -> (i32, i32) {
    %c0_i32 = arith.constant 0 : i32
    %c0_i32_0 = arith.constant 0 : i32
    %c0_i32_1 = arith.constant 0 : i32
    return %c0_i32, %c0_i32_0 : i32, i32
  }
  func.func @transform_4(%arg0: i32) -> (i32, i32) {
    %add3A = arith.constant 8 : i32
    %add3A_0 = arith.addi %add3A, %arg0 : i32
    %c0_i32 = arith.constant 0 : i32
    %c0_i32_1 = arith.constant 0 : i32
    return %add3A_0, %c0_i32 : i32, i32
  }
}

module attributes {stable_mosaic.version = 14 : i64} {
  func.func @_mm_body(%arg0: i32, %arg1: memref<2048x896xf32, #tpu.memory_space<vmem>>, %arg2: memref<896x768xbf16, #tpu.memory_space<vmem>>, %arg3: memref<2048x768xf32, #tpu.memory_space<vmem>>, %arg4: memref<2048x768xf32, #tpu.memory_space<vmem>>) attributes {dimension_semantics = [#tpu.dimension_semantics<arbitrary>], iteration_bounds = array<i64: 8>, scalar_prefetch = 0 : i64, scratch_operands = 0 : i64, tpu.core_type = #tpu.core_type<tc>, window_params = [{transform_indices = @transform_0, window_bounds = array<i64: 2048, 896>}, {pipeline_mode = #tpu.pipeline_mode<synchronous>, transform_indices = @transform_1, window_bounds = array<i64: 896, 768>}, {pipeline_mode = #tpu.pipeline_mode<synchronous>, transform_indices = @transform_2, window_bounds = array<i64: 2048, 768>}, {transform_indices = @transform_3, window_bounds = array<i64: 2048, 768>}]} {
    %get3A = arith.constant 0 : index
    %get3A_0 = arith.constant 0 : index
    %get3A_1 = vector.load %arg1[%get3A, %get3A_0] : memref<2048x896xf32, #tpu.memory_space<vmem>>, vector<2048x896xf32>
    %convert_element_type3A = arith.truncf %get3A_1 : vector<2048x896xf32> to vector<2048x896xbf16>
    %get3A_2 = arith.constant 0 : index
    %get3A_3 = arith.constant 0 : index
    %get3A_4 = vector.load %arg2[%get3A_2, %get3A_3] : memref<896x768xbf16, #tpu.memory_space<vmem>>, vector<896x768xbf16>
    %dot_general3A = arith.constant dense<0.000000e+00> : vector<2048x768xf32>
    %dot_general3A_5 = tpu.matmul %convert_element_type3A, %get3A_4, %dot_general3A {dimension_numbers = #tpu.dot_dimension_numbers<[1], [0], [0], [1], [0, 0, 1, 1], [], []>, transpose_lhs_hint = false} : vector<2048x896xbf16>, vector<896x768xbf16>, vector<2048x768xf32> -> vector<2048x768xf32>
    %get3A_6 = arith.constant 0 : index
    %get3A_7 = arith.constant 0 : index
    %get3A_8 = vector.load %arg3[%get3A_6, %get3A_7] : memref<2048x768xf32, #tpu.memory_space<vmem>>, vector<2048x768xf32>
    %add3A = arith.addf %dot_general3A_5, %get3A_8 : vector<2048x768xf32>
    %swap3A = arith.constant 0 : index
    %swap3A_9 = arith.constant 0 : index
    %swap3A_10 = vector.load %arg4[%swap3A, %swap3A_9] : memref<2048x768xf32, #tpu.memory_space<vmem>>, vector<2048x768xf32>
    tpu.vector_store %arg4[%swap3A, %swap3A_9], %add3A {strides = array<i32>} : memref<2048x768xf32, #tpu.memory_space<vmem>>, vector<2048x768xf32>,
    return
  }
  func.func @transform_0(%arg0: i32) -> (i32, i32) {
    %c0_i32 = arith.constant 0 : i32
    %c0_i32_0 = arith.constant 0 : i32
    return %arg0, %c0_i32 : i32, i32
  }
  func.func @transform_1(%arg0: i32) -> (i32, i32) {
    %c0_i32 = arith.constant 0 : i32
    %c0_i32_0 = arith.constant 0 : i32
    %c0_i32_1 = arith.constant 0 : i32
    return %c0_i32, %c0_i32_0 : i32, i32
  }
  func.func @transform_2(%arg0: i32) -> (i32, i32) {
    %c0_i32 = arith.constant 0 : i32
    %c0_i32_0 = arith.constant 0 : i32
    %c0_i32_1 = arith.constant 0 : i32
    return %c0_i32, %c0_i32_0 : i32, i32
  }
  func.func @transform_3(%arg0: i32) -> (i32, i32) {
    %add3A = arith.constant 0 : i32
    %add3A_0 = arith.addi %add3A, %arg0 : i32
    %c0_i32 = arith.constant 0 : i32
    %c0_i32_1 = arith.constant 0 : i32
    return %add3A_0, %c0_i32 : i32, i32
  }
}

module attributes {stable_mosaic.version = 14 : i64} {
  func.func @mm_alias(%arg0: i32, %arg1: memref<131072x768xf32, #tpu.memory_space<any>>, %arg2: memref<2048x896xf32, #tpu.memory_space<vmem>>, %arg3: memref<896x768xbf16, #tpu.memory_space<vmem>>, %arg4: memref<2048x768xf32, #tpu.memory_space<vmem>>, %arg5: memref<2048x768xf32, #tpu.memory_space<vmem>>) attributes {dimension_semantics = [#tpu.dimension_semantics<arbitrary>], iteration_bounds = array<i64: 18>, scalar_prefetch = 0 : i64, scratch_operands = 0 : i64, tpu.core_type = #tpu.core_type<tc>, window_params = [{}, {transform_indices = @transform_1, window_bounds = array<i64: 2048, 896>}, {pipeline_mode = #tpu.pipeline_mode<synchronous>, transform_indices = @transform_2, window_bounds = array<i64: 896, 768>}, {pipeline_mode = #tpu.pipeline_mode<synchronous>, transform_indices = @transform_3, window_bounds = array<i64: 2048, 768>}, {transform_indices = @transform_4, window_bounds = array<i64: 2048, 768>}]} {
    %get3A = arith.constant 0 : index
    %get3A_0 = arith.constant 0 : index
    %get3A_1 = vector.load %arg2[%get3A, %get3A_0] : memref<2048x896xf32, #tpu.memory_space<vmem>>, vector<2048x896xf32>
    %convert_element_type3A = arith.truncf %get3A_1 : vector<2048x896xf32> to vector<2048x896xbf16>
    %get3A_2 = arith.constant 0 : index
    %get3A_3 = arith.constant 0 : index
    %get3A_4 = vector.load %arg3[%get3A_2, %get3A_3] : memref<896x768xbf16, #tpu.memory_space<vmem>>, vector<896x768xbf16>
    %dot_general3A = arith.constant dense<0.000000e+00> : vector<2048x768xf32>
    %dot_general3A_5 = tpu.matmul %convert_element_type3A, %get3A_4, %dot_general3A {dimension_numbers = #tpu.dot_dimension_numbers<[1], [0], [0], [1], [0, 0, 1, 1], [], []>, transpose_lhs_hint = false} : vector<2048x896xbf16>, vector<896x768xbf16>, vector<2048x768xf32> -> vector<2048x768xf32>
    %get3A_6 = arith.constant 0 : index
    %get3A_7 = arith.constant 0 : index
    %get3A_8 = vector.load %arg4[%get3A_6, %get3A_7] : memref<2048x768xf32, #tpu.memory_space<vmem>>, vector<2048x768xf32>
    %add3A = arith.addf %dot_general3A_5, %get3A_8 : vector<2048x768xf32>
    %swap3A = arith.constant 0 : index
    %swap3A_9 = arith.constant 0 : index
    %swap3A_10 = vector.load %arg5[%swap3A, %swap3A_9] : memref<2048x768xf32, #tpu.memory_space<vmem>>, vector<2048x768xf32>
    tpu.vector_store %arg5[%swap3A, %swap3A_9], %add3A {strides = array<i32>} : memref<2048x768xf32, #tpu.memory_space<vmem>>, vector<2048x768xf32>,
    return
  }
  func.func @transform_1(%arg0: i32) -> (i32, i32) {
    %c0_i32 = arith.constant 0 : i32
    %c0_i32_0 = arith.constant 0 : i32
    return %arg0, %c0_i32 : i32, i32
  }
  func.func @transform_2(%arg0: i32) -> (i32, i32) {
    %c0_i32 = arith.constant 0 : i32
    %c0_i32_0 = arith.constant 0 : i32
    %c0_i32_1 = arith.constant 0 : i32
    return %c0_i32, %c0_i32_0 : i32, i32
  }
  func.func @transform_3(%arg0: i32) -> (i32, i32) {
    %c0_i32 = arith.constant 0 : i32
    %c0_i32_0 = arith.constant 0 : i32
    %c0_i32_1 = arith.constant 0 : i32
    return %c0_i32, %c0_i32_0 : i32, i32
  }
  func.func @transform_4(%arg0: i32) -> (i32, i32) {
    %add3A = arith.constant 28 : i32
    %add3A_0 = arith.addi %add3A, %arg0 : i32
    %c0_i32 = arith.constant 0 : i32
    %c0_i32_1 = arith.constant 0 : i32
    return %add3A_0, %c0_i32 : i32, i32
  }
}

module attributes {stable_mosaic.version = 14 : i64} {
  func.func @mm_alias(%arg0: i32, %arg1: memref<131072x768xf32, #tpu.memory_space<any>>, %arg2: memref<2048x896xf32, #tpu.memory_space<vmem>>, %arg3: memref<896x768xbf16, #tpu.memory_space<vmem>>, %arg4: memref<2048x768xf32, #tpu.memory_space<vmem>>, %arg5: memref<2048x768xf32, #tpu.memory_space<vmem>>) attributes {dimension_semantics = [#tpu.dimension_semantics<arbitrary>], iteration_bounds = array<i64: 18>, scalar_prefetch = 0 : i64, scratch_operands = 0 : i64, tpu.core_type = #tpu.core_type<tc>, window_params = [{}, {transform_indices = @transform_1, window_bounds = array<i64: 2048, 896>}, {pipeline_mode = #tpu.pipeline_mode<synchronous>, transform_indices = @transform_2, window_bounds = array<i64: 896, 768>}, {pipeline_mode = #tpu.pipeline_mode<synchronous>, transform_indices = @transform_3, window_bounds = array<i64: 2048, 768>}, {transform_indices = @transform_4, window_bounds = array<i64: 2048, 768>}]} {
    %get3A = arith.constant 0 : index
    %get3A_0 = arith.constant 0 : index
    %get3A_1 = vector.load %arg2[%get3A, %get3A_0] : memref<2048x896xf32, #tpu.memory_space<vmem>>, vector<2048x896xf32>
    %convert_element_type3A = arith.truncf %get3A_1 : vector<2048x896xf32> to vector<2048x896xbf16>
    %get3A_2 = arith.constant 0 : index
    %get3A_3 = arith.constant 0 : index
    %get3A_4 = vector.load %arg3[%get3A_2, %get3A_3] : memref<896x768xbf16, #tpu.memory_space<vmem>>, vector<896x768xbf16>
    %dot_general3A = arith.constant dense<0.000000e+00> : vector<2048x768xf32>
    %dot_general3A_5 = tpu.matmul %convert_element_type3A, %get3A_4, %dot_general3A {dimension_numbers = #tpu.dot_dimension_numbers<[1], [0], [0], [1], [0, 0, 1, 1], [], []>, transpose_lhs_hint = false} : vector<2048x896xbf16>, vector<896x768xbf16>, vector<2048x768xf32> -> vector<2048x768xf32>
    %get3A_6 = arith.constant 0 : index
    %get3A_7 = arith.constant 0 : index
    %get3A_8 = vector.load %arg4[%get3A_6, %get3A_7] : memref<2048x768xf32, #tpu.memory_space<vmem>>, vector<2048x768xf32>
    %add3A = arith.addf %dot_general3A_5, %get3A_8 : vector<2048x768xf32>
    %swap3A = arith.constant 0 : index
    %swap3A_9 = arith.constant 0 : index
    %swap3A_10 = vector.load %arg5[%swap3A, %swap3A_9] : memref<2048x768xf32, #tpu.memory_space<vmem>>, vector<2048x768xf32>
    tpu.vector_store %arg5[%swap3A, %swap3A_9], %add3A {strides = array<i32>} : memref<2048x768xf32, #tpu.memory_space<vmem>>, vector<2048x768xf32>,
    return
  }
  func.func @transform_1(%arg0: i32) -> (i32, i32) {
    %c0_i32 = arith.constant 0 : i32
    %c0_i32_0 = arith.constant 0 : i32
    return %arg0, %c0_i32 : i32, i32
  }
  func.func @transform_2(%arg0: i32) -> (i32, i32) {
    %c0_i32 = arith.constant 0 : i32
    %c0_i32_0 = arith.constant 0 : i32
    %c0_i32_1 = arith.constant 0 : i32
    return %c0_i32, %c0_i32_0 : i32, i32
  }
  func.func @transform_3(%arg0: i32) -> (i32, i32) {
    %c0_i32 = arith.constant 0 : i32
    %c0_i32_0 = arith.constant 0 : i32
    %c0_i32_1 = arith.constant 0 : i32
    return %c0_i32, %c0_i32_0 : i32, i32
  }
  func.func @transform_4(%arg0: i32) -> (i32, i32) {
    %add3A = arith.constant 46 : i32
    %add3A_0 = arith.addi %add3A, %arg0 : i32
    %c0_i32 = arith.constant 0 : i32
    %c0_i32_1 = arith.constant 0 : i32
    return %add3A_0, %c0_i32 : i32, i32
  }
}

</mosaic_0001>

<sc_bundles>
// kernel: kernel.10.cloned.1.call-start
scs
__scs_entry_jumppad:
0x0: {  	(pc) =	sbr.rel $0x88, $3  }
0x1: {  	(tag) =	ssettag $0x0;
	lr =	simm.s32 $0x1  }
0x2: {  	[smem:$0x3F9D] =	sst lr;
	_ =	strace $0xD0000000  }
0x3: {  	_ = 	snop  }
0x4: {  	_ = 	snop  }
0x5: {  	_ = 	snop  }
0x6: {  	_ = 	snop  }
0x7: {  	_ = 	snop  }
__scs_overlays_trampoline_lowered:
0x8: {  	[smem:$0x3FAC] =	sst s0  }
0x9: {  	[smem:$0x3FAD] =	sst s1  }
0xa: {  	[smem:$0x3FAE] =	sst s2  }
0xb: {  	[smem:$0x3FAF] =	sst s3  }
0xc: {  	[smem:$0x3FB0] =	sst s4  }
0xd: {  	[smem:$0x3FB1] =	sst s5  }
0xe: {  	[smem:$0x3FB2] =	sst s6  }
0xf: {  	[smem:$0x3FB3] =	sst s7  }
0x10: {  	[smem:$0x3FB4] =	sst s8  }
0x11: {  	[smem:$0x3FB5] =	sst s9;
	s0 =	simm.s32 @!p0 $0x0  }
0x12: {  	s1 =	sld [smem:$0x3F9B];
	s0 =	simm.s32 @p0 $0x1  }
0x13: {  	[smem:$0x3FB6] =	sst s0;
	s0 =	simm.s32 @!p1 $0x0  }
0x14: {  	s2 =	sld [smem:$0x3F9A];
	s0 =	simm.s32 @p1 $0x1  }
0x15: {  	[smem:$0x3FB7] =	sst s0;
	s0 =	simm.s32 @!p2 $0x0  }
0x16: {  	s3 =	sld [smem:$0x3FDB];
	s0 =	simm.s32 @p2 $0x1  }
0x17: {  	s4 =	simm.s32 $0x1BF5;
	[smem:$0x3FB9] =	sst s0  }
0x18: {  	s0 =	sld [smem:$0x3F9C];
	_ =	swait.ge [sflag:s4], $0x0  }
0x19: {  	s7 =	sld [smem:$0x3F9D]  }
0x1a: {  	s8 =	sadd.s32 $0xFFFFE003, lr  }
0x1b: {  	s9 =	sadd.s32 $0xFFFFFEF7, lr;
	s5 =	simm.s32 $0xFFFFFFFF;
	p2 =	slt.u32 s8, $0xFFFFF086  }
0x1c: {  	p1 =	slt.u32 s9, $0xF7A;
	s5 =	simm.s32 @!p2 $0x0  }
0x1d: {  	s5 =	simm.s32 @p1 $0x1;
	p0 =	seq.s32 s7, s2  }
0x1e: {  	s7 =	smul.u32 @!p0 $0xF7A, s2;
	p2 =	seq.s32 @!p0 s5, $0x0  }
0x1f: {  	s9 =	smul.u32 $0xF7A, s1;
	s8 =	simm.s32 @!p0 $0x1BF5;
	p2 =	por !p2, p0  }
0x20: {  	[sflag:s8] =	ssyncset.s32 @!p0 $0xFFFFF086;
	s6 =	sadd.s32 @!p0 s3, s7;
	s7 =	simm.s32 @!p0 $0x108  }
0x21: {  	s3 =	sadd.s32 s3, s9;
	s6 =	sadd.s32 @!p0 $0x88, s6;
	s7 =	simm.s32 @p2 $0x1082  }
0x22: {  	[simem:s7], [sflag:s8] =	dma.local @!p0 [hbm:s6], $0xF7A  }
0x23: {  	s9 =	sor.u32 $0xD0000000, s2;
	s6 =	simm.s32 $0x108;
	_ =	swait.ge @!p0 [sflag:s8], $0x0  }
0x24: {  	s3 =	sadd.s32 $0x88, s3;
	s6 =	simm.s32 @!p1 $0x1082;
	[sflag:s4] =	ssyncset.s32 $0xFFFFF086  }
0x25: {  	[simem:s6], [sflag:s4] =	dma.local [hbm:s3], $0xF7A  }
0x26: {  	[smem:$0x3F9D] =	sst s1;
	(tag) =	ssettag s2;
	_ =	strace s9  }
0x27: {  	s1 =	sld [smem:$0x3FAD]  }
0x28: {  	s2 =	sld [smem:$0x3FAE]  }
0x29: {  	s4 =	sld [smem:$0x3FB0]  }
0x2a: {  	p0 =	seq.s32 s5, $0x0;
	s5 =	sld [smem:$0x3FB1]  }
0x2b: {  	s6 =	sld [smem:$0x3FB2]  }
0x2c: {  	s7 =	sld [smem:$0x3FB3]  }
0x2d: {  	s3 =	simm.s32 $0x108;
	s8 =	sld [smem:$0x3FB4]  }
0x2e: {  	s3 =	simm.s32 @!p0 $0x1082;
	s9 =	sld [smem:$0x3FB5]  }
0x2f: {  	lr =	sadd.s32 s0, s3;
	s0 =	sld [smem:$0x3FAC]  }
0x30: {  	s3 =	sld [smem:$0x3FAF]  }
0x31: {  	[smem:$0x3FB8] =	sst s10  }
0x32: {  	s10 =	sld [smem:$0x3FB6];
	_ =	sdelay $0x3  }
0x33: {  	p0 =	seq.s32 s10, $0x1;
	s10 =	sld [smem:$0x3FB8];
	_ =	sdelay $0x3  }
0x34: {  	[smem:$0x3FB8] =	sst s10  }
0x35: {  	s10 =	sld [smem:$0x3FB7];
	_ =	sdelay $0x3  }
0x36: {  	p1 =	seq.s32 s10, $0x1;
	s10 =	sld [smem:$0x3FB8];
	_ =	sdelay $0x3  }
0x37: {  	[smem:$0x3FB8] =	sst s10  }
0x38: {  	s10 =	sld [smem:$0x3FB9]  }
0x39: {  	_ = 	snop;
	(pc) =	sbr.ind lr, $3  }
0x3a: {  	_ = 	snop  }
0x3b: {  	_ = 	snop  }
0x3c: {  	p2 =	seq.s32 s10, $0x1;
	s10 =	sld [smem:$0x3FB8]  }
0x3d: {  	_ =	shalt  }
0x3e: {  	_ =	shalt  }
0x3f: {  	_ =	shalt  }
0x40: {  	_ =	shalt  }
0x41: {  	_ =	shalt  }
0x42: {  	_ =	shalt  }
0x43: {  	_ =	shalt  }
0x44: {  	_ =	shalt  }
0x45: {  	_ =	shalt  }
0x46: {  	_ =	shalt  }
0x47: {  	_ =	shalt  }
0x48: {  	_ =	shalt  }
0x49: {  	_ =	shalt  }
0x4a: {  	_ =	shalt  }
0x4b: {  	_ =	shalt  }
0x4c: {  	_ =	shalt  }
0x4d: {  	_ =	shalt  }
0x4e: {  	_ =	shalt  }
0x4f: {  	_ =	shalt  }
0x50: {  	_ =	shalt  }
0x51: {  	_ =	shalt  }
0x52: {  	_ =	shalt  }
0x53: {  	_ =	shalt  }
0x54: {  	_ =	shalt  }
0x55: {  	_ =	shalt  }
0x56: {  	_ =	shalt  }
0x57: {  	_ =	shalt  }
0x58: {  	_ =	shalt  }
0x59: {  	_ =	shalt  }
0x5a: {  	_ =	shalt  }
0x5b: {  	_ =	shalt  }
0x5c: {  	_ =	shalt  }
0x5d: {  	_ =	shalt  }
0x5e: {  	_ =	shalt  }
0x5f: {  	_ =	shalt  }
0x60: {  	_ =	shalt  }
0x61: {  	_ =	shalt  }
0x62: {  	_ =	shalt  }
0x63: {  	_ =	shalt  }
0x64: {  	_ =	shalt  }
0x65: {  	_ =	shalt  }
0x66: {  	_ =	shalt  }
0x67: {  	_ =	shalt  }
0x68: {  	_ =	shalt  }
0x69: {  	_ =	shalt  }
0x6a: {  	_ =	shalt  }
0x6b: {  	_ =	shalt  }
0x6c: {  	_ =	shalt  }
0x6d: {  	_ =	shalt  }
0x6e: {  	_ =	shalt  }
0x6f: {  	_ =	shalt  }
0x70: {  	_ =	shalt  }
0x71: {  	_ =	shalt  }
0x72: {  	_ =	shalt  }
0x73: {  	_ =	shalt  }
0x74: {  	_ =	shalt  }
0x75: {  	_ =	shalt  }
0x76: {  	_ =	shalt  }
0x77: {  	_ =	shalt  }
0x78: {  	_ =	shalt  }
0x79: {  	_ =	shalt  }
0x7a: {  	_ =	shalt  }
0x7b: {  	_ =	shalt  }
0x7c: {  	_ =	shalt  }
0x7d: {  	_ =	shalt  }
0x7e: {  	_ =	shalt  }
0x7f: {  	_ =	shalt  }
0x80: {  	_ =	shalt  }
0x81: {  	_ =	shalt  }
0x82: {  	_ =	shalt  }
0x83: {  	_ =	shalt  }
0x84: {  	_ =	shalt  }
0x85: {  	_ =	shalt  }
0x86: {  	_ =	shalt  }
0x87: {  	_ =	shalt  }
.Lfunc_end0:
.L_simem_size_0:
called_computation_lowered:
.L_overlay_start_0:
0x88: {  	s2 =	sld [smem:$0x3FD9]  }
0x89: {  	s3 =	sld [smem:$0x3FFE];
	_ =	sdelay $0x1  }
0x8a: {  	s1 =	srdreg.scid  }
0x8b: {  	s0 =	sand.u32 $0x1, s1  }
0x8c: {  	s17 =	sshll.u32 s0, $0xA;
	s2 =	sadd.s32 s3, s2  }
0x8d: {  	s2 =	sadd.s32 s2, s17  }
0x8e: {  	[smem:$0x3FC4] =	sst s2  }
0x8f: {  	_ = 	snop  }
0x90: {  	s2 =	sld [smem:$0x3FC8];
	(tm) =	ssettm $0x1  }
0x91: {  	s18 =	sld [smem:$0x3FFB];
	_ =	sdelay $0x3  }
0x92: {  	_ =	strace s18  }
0x93: {  	s3 =	sld [smem:$0x3FFC];
	_ =	sdelay $0x3  }
0x94: {  	_ =	strace s3  }
0x95: {  	s3 =	sld [smem:$0x3FFD];
	_ =	sdelay $0x3  }
0x96: {  	_ =	strace s3  }
0x97: {  	_ =	strace $0x8FFFFFFF  }
0x98: {  	s19 =	sld [smem:$0x3FDB];
	_ =	sdelay $0x1  }
0x99: {  	s4 =	simm.s32 $_scs_section_size  }
0x9a: {  	s5 =	simm.s32 $_size__tile_overlayer_lowered;
	s6 =	simm.s32 $_tile_overlayer_lowered  }
0x9b: {  	s22 =	simm.s32 $0x1BFF;
	s21 =	sshll.u32 s6, $0x1;
	s3 =	sadd.s32 s4, s19  }
0x9c: {  	s7 =	simm.s32 $0x0;
	s20 =	sshll.u32 s5, $0x1;
	s5 =	sadd.s32 s21, s3  }
0x9d: {  	[timem:s7], [sflag:s22] =	dma.local [hbm:s5], s20  }
0x9e: {  	_ =	swait.ge [sflag:s22], s20  }
0x9f: {  	s4 =	ssub.s32 $0x0, s20;
	[sflag:s22] =	ssyncset.done $0x0  }
0xa0: {  	[sflag:s22] =	ssyncadd.s32 s4;
	_ =	sdelay $0x1  }
0xa1: {  	s23 =	simm.s32 $0x1B8B  }
0xa2: {  	_ =	swait.ge [sflag:s23], $0x1  }
0xa3: {  	[sflag:s23] =	ssyncset.done $0x0  }
0xa4: {  	s25 =	simm.s32 $0x1B8E;
	s24 =	sld [smem:$0x3FFE];
	[sflag:s23] =	ssyncadd.s32 $0xFFFFFFFF  }
0xa5: {  	s26 =	simm.s32 $execute0_lowered;
	[smem:$0x3FD2] =	sst s25  }
0xa6: {  	s5 =	sshll.u32 s26, $0x1;
	_ =	strace $0x80000046;
	[dreg:$0x1] =	wrdreg $0xFFFFFFFF  }
0xa7: {  	s28 =	simm.s32 $_size_execute0_lowered;
	s3 =	sadd.s32 s3, s5;
	[dreg:$0x0] =	wrdreg $0x0  }
0xa8: {  	s5 =	sshll.u32 s28, $0x1;
	[dreg:$0x2] =	wrdreg s3  }
0xa9: {  	[dreg:$0x3] =	wrdreg s5  }
0xaa: {  	[dreg:$0x4] =	wrdreg $0xC0  }
0xab: {  	_ =	task [dreg:s7], $0x5FFFF  }
0xac: {  	[dreg:$0x1] =	wrdreg $0xFFFFFFFF  }
0xad: {  	[dreg:$0x0] =	wrdreg $0x60  }
0xae: {  	[dreg:$0x2] =	wrdreg s24  }
0xaf: {  	[dreg:$0x3] =	wrdreg s2  }
0xb0: {  	[dreg:$0x4] =	wrdreg $0x9  }
0xb1: {  	_ =	task.clear_ibuf [dreg:s7], $0x5FFFF;
	_ =	strace $0x90000046  }
0xb2: {  	s29 =	simm.s32 $0x9;
	_ =	strace $0x80000048  }
0xb3: {  	_ =	swait.ge [sflag:s29], $0x1  }
0xb4: {  	[sflag:s29] =	ssyncadd.s32 $0xFFFFFFFF  }
0xb5: {  	_ =	strace $0x90000048  }
0xb6: {  	_ =	sfence  }
0xb7: {  	s30 =	sld [smem:$0x0];
	_ =	sdelay $0x2  }
0xb8: {  	s31 =	sshll.u32 s1, $0xD;
	s1 =	sshrl.u32 s1, $0x2  }
0xb9: {  	s3 =	sand.u32 $0x4000, s31;
	s1 =	sadd.s32 s1, s30  }
0xba: {  	s0 =	sor.u32 s3, s0;
	s1 =	sshll.u32 s1, $0x11  }
0xbb: {  	s0 =	sor.u32 s1, s0  }
0xbc: {  	s0 =	sadd.s32 $0x8F2B, s0  }
0xbd: {  	[sflag:s0] =	ssyncadd.remote.s32 $0x1  }
0xbe: {  	_ =	sfence.sel $0xFFFF  }
0xbf: {  	[dreg:$0x0] =	wrdreg $0xFFFFFFFF;
	(pc) =	sbr.abs _section_cstart, $3  }
0xc0: {  	[dreg:$0x1] =	wrdreg $0xFFFFFFFF  }
0xc1: {  	_ =	task.clear_ibuf [dreg:s7], $0x2FFFF;
	_ =	strace $0x9FFFFFFF  }
0xc2: {  	(tm) =	ssettm $0x7FFFFFFF  }
0xc3: {  	_ =	shalt  }
tec
execute0_lowered:
.L_overlay_start_1:
0x0: {  	(tag) =	ssettag $0x1  }
0x1: {  	s0 =	rddreg [dreg:$0x0]  }
0x2: {  	s1 =	rddreg [dreg:$0x1]  }
0x3: {  	s3 =	simm.s32 $0x0;
	s2 =	srdreg.scid;
	s6 =	stileid.u32  }
0x4: {  	s11 =	simm.s32 $0x3;
	s12 =	simm.s32 $0x400;
	s16 =	simm.s32 $0x15400  }
0x5: {  	s17 =	simm.s32 $0x15C00;
	s18 =	simm.s32 $0x16400;
	s19 =	simm.s32 $0x16C00  }
0x6: {  	s20 =	simm.s32 $0x17000;
	s21 =	simm.s32 $0x17800;
	s28 =	simm.s32 $0x19C00  }
0x7: {  	s29 =	simm.s32 $0x1A400;
	s30 =	simm.s32 $0x1A800;
	s31 =	simm.s32 $0x1B000  }
0x8: {  	s14 =	simm.s32 $0x0;
	[smem:$0x7FF] =	sst s3;
	s2 =	sand.u32 $0x1, s2  }
0x9: {  	s4 =	sshll.u32 s6, $0x8;
	s6 =	sshll.u32 s6, $0xA;
	_ =	strace $0x80000047  }
0xa: {  	s5 =	sshll.u32 s2, $0x7;
	s7 =	sshll.u32 s2, $0x9;
	s2 =	ssub.s32 $0x2, s2  }
0xb: {  	s4 =	sor.u32 s5, s4;
	s22 =	sor.u32 s7, s6;
	s23 =	sshrl.u32 s2, $0x1  }
0xc: {  	s5 =	sadd.s32 $0x100, s1;
	s6 =	sadd.s32 $0x200, s1;
	s4 =	sadd.s32 s4, s0  }
0xd: {  	s7 =	sor.u32 $0x40, s22;
	s0 =	sadd.s32 $0x2A00, s0;
	s2 =	ssub.s32 s2, s23  }
0xe: {  	s26 =	sshrl.u32 s22, $0x3;
	s22 =	simm.s32 $0xE400;
	s23 =	simm.s32 $0x18000  }
0xf: {  	s24 =	sshrl.u32 s7, $0x3;
	s4 =	sadd.s32 $0x1A00, s4;
	s8 =	smul.u32 $0x380, s26  }
.Ltmp0:
0x10: {  	s7 =	sadd.s32 $0x300, s1;
	s2 =	smax.u32 s2, $0x1;
	(pc) =	sbr.rel .LBB2_1-.Ltmp0, $4  }
0x11: {  	s26 =	simm.s32 $0x19400;
	[dreg:$0x3] =	wrdreg s4;
	s25 =	smul.u32 $0x380, s24  }
0x12: {  	v2 =	vlaneseq.u32;
	[dreg:$0x4] =	wrdreg s2;
	s24 =	simm.s32 $0x18800;
	s2 =	simm.s32 $0x1C000  }
0x13: {  	vm0 =	vmmov $0xffff;
	vm1 =	vmmov $0xff;
	v1 =	vshrl.u32 v2, $0x3;
	s4 =	simm.s32 $0x1;
	s10 =	sadd.s32 s8, s0;
	s8 =	simm.s32 $0x2  }
0x14: {  	v0 =	vand.u32 $0x7, v2;
	v2 =	vor.u32 $0x8, v2;
	v1 =	vmul.u32 $0x8, v1;
	s9 =	sadd.s32 s25, s0;
	s25 =	simm.s32 $0x18C00;
	s0 =	simm.s32 $0x1B800  }
.LBB2_5:
0x15: {  	s14 =	rddreg [dreg:$0x5]  }
0x16: {  	s13 =	rddreg [dreg:$0x4];
	s14 =	sadd.s32 $0x1, s14  }
0x17: {  	p0 =	sne.s32 s14, s13  }
.Ltmp1:
0x18: {  	_ = 	snop;
	(pc) =	sbr.rel @!p0 .LBB2_6-.Ltmp1, $1  }
0x19: {  	_ =	sdelay $0x3  }
.LBB2_1:
0x1a: {  	[dreg:$0x5] =	wrdreg s14  }
0x1b: {  	s13 =	rddreg [dreg:$0x3]  }
0x1c: {  	[tilespmem:s3], [sflag:$0x3] =	stream.linear.gather [hbm4b:s13+s3], $0x400, $0x38;
	[tilespmem:$0x1C400] =	vst v63  }
0x1d: {  	_ =	swait.ge [sflag:s11], $0x400  }
0x1e: {  	[sflag:s11] =	ssyncset.done $0x0  }
0x1f: {  	[sflag:s11] =	ssyncadd.s32 $0xFFFFFC00  }
0x20: {  	v3 =	vld [tilespmem:$0x0];
	_ =	sdelay $0x4  }
0x21: {  	v4 =	vshrl.u32 v3, $0x3  }
0x22: {  	v4 =	vmul.u32 $0x38, v4  }
0x23: {  	v3 =	vand.u32 $0x7, v3  }
0x24: {  	v3 =	vor.u32 v3, v4  }
0x25: {  	v4 =	vperm.xlane v3, v0;
	_ =	sdelay $0x1  }
0x26: {  	v4 =	vadd.s32 v1, v4;
	_ =	sdelay $0x4  }
0x27: {  	[tilespmem:s12], [sflag:$0x1] =	stream.indirect_vreg.gather [hbm4b:s1+s3], $0x80, v4, vm0, $0xb8;
	[tilespmem:$0x1C400] =	vst v63  }
0x28: {  	s15 =	simm.s32 $0xC00;
	v3 =	vperm.xlane v3, v2  }
0x29: {  	[tilespmem:s15], [sflag:$0x1] =	stream.indirect_vreg.gather [hbm4b:s5+s3], $0x80, v4, vm0, $0xb8;
	[tilespmem:$0x1C400] =	vst v63  }
0x2a: {  	s14 =	simm.s32 $0x1400;
	v3 =	vadd.s32 v1, v3  }
0x2b: {  	[tilespmem:s14], [sflag:$0x1] =	stream.indirect_vreg.gather [hbm4b:s6+s3], $0x80, v4, vm0, $0xb8;
	[tilespmem:$0x1C400] =	vst v63  }
0x2c: {  	s15 =	simm.s32 $0x1C00  }
0x2d: {  	[tilespmem:s15], [sflag:$0x1] =	stream.indirect_vreg.gather [hbm4b:s7+s3], $0x80, v4, vm1, $0xb8;
	[tilespmem:$0x1C400] =	vst v63  }
0x2e: {  	s14 =	simm.s32 $0x2000  }
0x2f: {  	[tilespmem:s14], [sflag:$0x1] =	stream.indirect_vreg.gather [hbm4b:s1+s3], $0x80, v3, vm0, $0xb8;
	[tilespmem:$0x1C400] =	vst v63  }
0x30: {  	s15 =	simm.s32 $0x2800  }
0x31: {  	[tilespmem:s15], [sflag:$0x1] =	stream.indirect_vreg.gather [hbm4b:s5+s3], $0x80, v3, vm0, $0xb8;
	[tilespmem:$0x1C400] =	vst v63  }
0x32: {  	s14 =	simm.s32 $0x3000  }
0x33: {  	[tilespmem:s14], [sflag:$0x1] =	stream.indirect_vreg.gather [hbm4b:s6+s3], $0x80, v3, vm0, $0xb8;
	[tilespmem:$0x1C400] =	vst v63  }
0x34: {  	s15 =	simm.s32 $0x3800  }
0x35: {  	[tilespmem:s15], [sflag:$0x1] =	stream.indirect_vreg.gather [hbm4b:s7+s3], $0x80, v3, vm1, $0xb8;
	[tilespmem:$0x1C400] =	vst v63  }
0x36: {  	v3 =	vld [tilespmem:$0x10];
	_ =	sdelay $0x4  }
0x37: {  	v61 =	vshrl.u32 v3, $0x3  }
0x38: {  	v4 =	vmul.u32 $0x38, v61  }
0x39: {  	v3 =	vand.u32 $0x7, v3  }
0x3a: {  	v3 =	vor.u32 v3, v4  }
0x3b: {  	v4 =	vperm.xlane v3, v0;
	_ =	sdelay $0x1  }
0x3c: {  	v4 =	vadd.s32 v1, v4;
	_ =	sdelay $0x3  }
0x3d: {  	s14 =	simm.s32 $0x3C00  }
0x3e: {  	[tilespmem:s14], [sflag:$0x1] =	stream.indirect_vreg.gather [hbm4b:s1+s3], $0x80, v4, vm0, $0xb8;
	[tilespmem:$0x1C400] =	vst v63  }
0x3f: {  	s15 =	simm.s32 $0x4400;
	v3 =	vperm.xlane v3, v2  }
0x40: {  	[tilespmem:s15], [sflag:$0x1] =	stream.indirect_vreg.gather [hbm4b:s5+s3], $0x80, v4, vm0, $0xb8;
	[tilespmem:$0x1C400] =	vst v63  }
0x41: {  	v3 =	vadd.s32 v1, v3;
	s14 =	simm.s32 $0x4C00  }
0x42: {  	[tilespmem:s14], [sflag:$0x1] =	stream.indirect_vreg.gather [hbm4b:s6+s3], $0x80, v4, vm0, $0xb8;
	[tilespmem:$0x1C400] =	vst v63  }
0x43: {  	s15 =	simm.s32 $0x5400  }
0x44: {  	[tilespmem:s15], [sflag:$0x1] =	stream.indirect_vreg.gather [hbm4b:s7+s3], $0x80, v4, vm1, $0xb8;
	[tilespmem:$0x1C400] =	vst v63  }
0x45: {  	s14 =	simm.s32 $0x5800  }
0x46: {  	[tilespmem:s14], [sflag:$0x1] =	stream.indirect_vreg.gather [hbm4b:s1+s3], $0x80, v3, vm0, $0xb8;
	[tilespmem:$0x1C400] =	vst v63  }
0x47: {  	s15 =	simm.s32 $0x6000  }
0x48: {  	[tilespmem:s15], [sflag:$0x1] =	stream.indirect_vreg.gather [hbm4b:s5+s3], $0x80, v3, vm0, $0xb8;
	[tilespmem:$0x1C400] =	vst v63  }
0x49: {  	s14 =	simm.s32 $0x6800  }
0x4a: {  	[tilespmem:s14], [sflag:$0x1] =	stream.indirect_vreg.gather [hbm4b:s6+s3], $0x80, v3, vm0, $0xb8;
	[tilespmem:$0x1C400] =	vst v63  }
0x4b: {  	s15 =	simm.s32 $0x7000  }
0x4c: {  	[tilespmem:s15], [sflag:$0x1] =	stream.indirect_vreg.gather [hbm4b:s7+s3], $0x80, v3, vm1, $0xb8;
	[tilespmem:$0x1C400] =	vst v63  }
0x4d: {  	v3 =	vld [tilespmem:$0x20];
	_ =	sdelay $0x4  }
0x4e: {  	v62 =	vshrl.u32 v3, $0x3  }
0x4f: {  	v4 =	vmul.u32 $0x38, v62  }
0x50: {  	v3 =	vand.u32 $0x7, v3  }
0x51: {  	v3 =	vor.u32 v3, v4  }
0x52: {  	v4 =	vperm.xlane v3, v0;
	_ =	sdelay $0x1  }
0x53: {  	v4 =	vadd.s32 v1, v4;
	_ =	sdelay $0x3  }
0x54: {  	s14 =	simm.s32 $0x7400  }
0x55: {  	[tilespmem:s14], [sflag:$0x1] =	stream.indirect_vreg.gather [hbm4b:s1+s3], $0x80, v4, vm0, $0xb8;
	[tilespmem:$0x1C400] =	vst v63  }
0x56: {  	s15 =	simm.s32 $0x7C00;
	v3 =	vperm.xlane v3, v2  }
0x57: {  	[tilespmem:s15], [sflag:$0x1] =	stream.indirect_vreg.gather [hbm4b:s5+s3], $0x80, v4, vm0, $0xb8;
	[tilespmem:$0x1C400] =	vst v63  }
0x58: {  	v3 =	vadd.s32 v1, v3;
	s14 =	simm.s32 $0x8400  }
0x59: {  	[tilespmem:s14], [sflag:$0x1] =	stream.indirect_vreg.gather [hbm4b:s6+s3], $0x80, v4, vm0, $0xb8;
	[tilespmem:$0x1C400] =	vst v63  }
0x5a: {  	s15 =	simm.s32 $0x8C00  }
0x5b: {  	[tilespmem:s15], [sflag:$0x1] =	stream.indirect_vreg.gather [hbm4b:s7+s3], $0x80, v4, vm1, $0xb8;
	[tilespmem:$0x1C400] =	vst v63  }
0x5c: {  	s14 =	simm.s32 $0x9000  }
0x5d: {  	[tilespmem:s14], [sflag:$0x1] =	stream.indirect_vreg.gather [hbm4b:s1+s3], $0x80, v3, vm0, $0xb8;
	[tilespmem:$0x1C400] =	vst v63  }
0x5e: {  	s15 =	simm.s32 $0x9800  }
0x5f: {  	[tilespmem:s15], [sflag:$0x1] =	stream.indirect_vreg.gather [hbm4b:s5+s3], $0x80, v3, vm0, $0xb8;
	[tilespmem:$0x1C400] =	vst v63  }
0x60: {  	s14 =	simm.s32 $0xA000  }
0x61: {  	[tilespmem:s14], [sflag:$0x1] =	stream.indirect_vreg.gather [hbm4b:s6+s3], $0x80, v3, vm0, $0xb8;
	[tilespmem:$0x1C400] =	vst v63  }
0x62: {  	s15 =	simm.s32 $0xA800  }
0x63: {  	[tilespmem:s15], [sflag:$0x1] =	stream.indirect_vreg.gather [hbm4b:s7+s3], $0x80, v3, vm1, $0xb8;
	[tilespmem:$0x1C400] =	vst v63  }
0x64: {  	v3 =	vld [tilespmem:$0x30];
	_ =	sdelay $0x4  }
0x65: {  	v63 =	vshrl.u32 v3, $0x3  }
0x66: {  	v4 =	vmul.u32 $0x38, v63  }
0x67: {  	v3 =	vand.u32 $0x7, v3  }
0x68: {  	v3 =	vor.u32 v3, v4  }
0x69: {  	v4 =	vperm.xlane v3, v0;
	_ =	sdelay $0x1  }
0x6a: {  	v4 =	vadd.s32 v1, v4;
	_ =	sdelay $0x3  }
0x6b: {  	s14 =	simm.s32 $0xAC00  }
0x6c: {  	[tilespmem:s14], [sflag:$0x1] =	stream.indirect_vreg.gather [hbm4b:s1+s3], $0x80, v4, vm0, $0xb8;
	[tilespmem:$0x1C400] =	vst v63  }
0x6d: {  	s15 =	simm.s32 $0xB400;
	v3 =	vperm.xlane v3, v2  }
0x6e: {  	[tilespmem:s15], [sflag:$0x1] =	stream.indirect_vreg.gather [hbm4b:s5+s3], $0x80, v4, vm0, $0xb8;
	[tilespmem:$0x1C400] =	vst v63  }
0x6f: {  	v3 =	vadd.s32 v1, v3;
	s14 =	simm.s32 $0xBC00  }
0x70: {  	[tilespmem:s14], [sflag:$0x1] =	stream.indirect_vreg.gather [hbm4b:s6+s3], $0x80, v4, vm0, $0xb8;
	[tilespmem:$0x1C400] =	vst v63  }
0x71: {  	s15 =	simm.s32 $0xC400  }
0x72: {  	[tilespmem:s15], [sflag:$0x1] =	stream.indirect_vreg.gather [hbm4b:s7+s3], $0x80, v4, vm1, $0xb8;
	[tilespmem:$0x1C400] =	vst v63  }
0x73: {  	s14 =	simm.s32 $0xC800  }
0x74: {  	[tilespmem:s14], [sflag:$0x1] =	stream.indirect_vreg.gather [hbm4b:s1+s3], $0x80, v3, vm0, $0xb8;
	[tilespmem:$0x1C400] =	vst v63  }
0x75: {  	s15 =	simm.s32 $0xD000  }
0x76: {  	[tilespmem:s15], [sflag:$0x1] =	stream.indirect_vreg.gather [hbm4b:s5+s3], $0x80, v3, vm0, $0xb8;
	[tilespmem:$0x1C400] =	vst v63  }
.Ltmp2:
0x77: {  	_ = 	snop;
	(pc) =	sbr.rel .LBB2_2-.Ltmp2, $4  }
0x78: {  	s14 =	simm.s32 $0xD800  }
0x79: {  	[tilespmem:s14], [sflag:$0x1] =	stream.indirect_vreg.gather [hbm4b:s6+s3], $0x80, v3, vm0, $0xb8;
	[tilespmem:$0x1C400] =	vst v63  }
0x7a: {  	s13 =	simm.s32 $0xA0;
	s15 =	simm.s32 $0xE000;
	s14 =	simm.s32 $0x0  }
0x7b: {  	[tilespmem:s15], [sflag:$0x1] =	stream.indirect_vreg.gather [hbm4b:s7+s3], $0x80, v3, vm1, $0xb8;
	[tilespmem:$0x1C400] =	vst v63  }
.LBB2_4:
0x7c: {  	_ =	swait.ge [sflag:s8], $0xE000;
	s15 =	sadd.s32 s14, s9;
	s14 =	sadd.s32 $0x3800, s14  }
0x7d: {  	[sflag:s8] =	ssyncset.done $0x0;
	p0 =	sne.s32 s14, $0xE000  }
.Ltmp3:
0x7e: {  	[sflag:s8] =	ssyncadd.s32 $0xFFFF2000;
	(pc) =	sbr.rel @!p0 .LBB2_5-.Ltmp3, $4  }
0x7f: {  	[hbm4b:s15+s3] =	stream.linear.scatter [tilespmem:s22], [sflag:$0x3], $0xE000, $0x38;
	[tilespmem:$0x1C400] =	vst v63  }
0x80: {  	_ =	swait.ge [sflag:s11], $0xE000  }
0x81: {  	[sflag:s11] =	ssyncset.done $0x0  }
0x82: {  	s13 =	sadd.s32 $0x100, s13;
	[sflag:s11] =	ssyncadd.s32 $0xFFFF2000  }
.LBB2_2:
0x83: {  	v3 =	vld [tilespmem:s13+$0xFFFFFFE0];
	_ =	sdelay $0x4  }
0x84: {  	v4 =	vshrl.u32 v3, $0x3  }
0x85: {  	v4 =	vmul.u32 $0x38, v4  }
0x86: {  	v3 =	vand.u32 $0x7, v3  }
0x87: {  	v3 =	vor.u32 v3, v4  }
0x88: {  	v4 =	vperm.xlane v3, v0;
	_ =	sdelay $0x1  }
0x89: {  	v4 =	vadd.s32 v1, v4;
	_ =	sdelay $0x4  }
0x8a: {  	[tilespmem:s22], [sflag:$0x2] =	stream.indirect_vreg.gather [hbm4b:s1+s3], $0x80, v4, vm0, $0xb8;
	[tilespmem:$0x1C400] =	vst v63  }
0x8b: {  	s15 =	simm.s32 $0xEC00;
	v3 =	vperm.xlane v3, v2  }
0x8c: {  	[tilespmem:s15], [sflag:$0x2] =	stream.indirect_vreg.gather [hbm4b:s5+s3], $0x80, v4, vm0, $0xb8;
	[tilespmem:$0x1C400] =	vst v63  }
0x8d: {  	v3 =	vadd.s32 v1, v3;
	s15 =	simm.s32 $0xF400  }
0x8e: {  	[tilespmem:s15], [sflag:$0x2] =	stream.indirect_vreg.gather [hbm4b:s6+s3], $0x80, v4, vm0, $0xb8;
	[tilespmem:$0x1C400] =	vst v63  }
0x8f: {  	s15 =	simm.s32 $0xFC00  }
0x90: {  	[tilespmem:s15], [sflag:$0x2] =	stream.indirect_vreg.gather [hbm4b:s7+s3], $0x80, v4, vm1, $0xb8;
	[tilespmem:$0x1C400] =	vst v63  }
0x91: {  	s15 =	simm.s32 $0x10000  }
0x92: {  	[tilespmem:s15], [sflag:$0x2] =	stream.indirect_vreg.gather [hbm4b:s1+s3], $0x80, v3, vm0, $0xb8;
	[tilespmem:$0x1C400] =	vst v63  }
0x93: {  	s15 =	simm.s32 $0x10800  }
0x94: {  	[tilespmem:s15], [sflag:$0x2] =	stream.indirect_vreg.gather [hbm4b:s5+s3], $0x80, v3, vm0, $0xb8;
	[tilespmem:$0x1C400] =	vst v63  }
0x95: {  	s15 =	simm.s32 $0x11000  }
0x96: {  	[tilespmem:s15], [sflag:$0x2] =	stream.indirect_vreg.gather [hbm4b:s6+s3], $0x80, v3, vm0, $0xb8;
	[tilespmem:$0x1C400] =	vst v63  }
0x97: {  	s15 =	simm.s32 $0x11800  }
0x98: {  	[tilespmem:s15], [sflag:$0x2] =	stream.indirect_vreg.gather [hbm4b:s7+s3], $0x80, v3, vm1, $0xb8;
	[tilespmem:$0x1C400] =	vst v63  }
0x99: {  	v3 =	vld [tilespmem:s13+$0xFFFFFFF0];
	_ =	sdelay $0x4  }
0x9a: {  	v61 =	vshrl.u32 v3, $0x3  }
0x9b: {  	v4 =	vmul.u32 $0x38, v61  }
0x9c: {  	v3 =	vand.u32 $0x7, v3  }
0x9d: {  	v3 =	vor.u32 v3, v4  }
0x9e: {  	v4 =	vperm.xlane v3, v0;
	_ =	sdelay $0x1  }
0x9f: {  	v4 =	vadd.s32 v1, v4;
	_ =	sdelay $0x3  }
0xa0: {  	s15 =	simm.s32 $0x11C00  }
0xa1: {  	[tilespmem:s15], [sflag:$0x2] =	stream.indirect_vreg.gather [hbm4b:s1+s3], $0x80, v4, vm0, $0xb8;
	[tilespmem:$0x1C400] =	vst v63  }
0xa2: {  	v3 =	vperm.xlane v3, v2;
	s15 =	simm.s32 $0x12400  }
0xa3: {  	[tilespmem:s15], [sflag:$0x2] =	stream.indirect_vreg.gather [hbm4b:s5+s3], $0x80, v4, vm0, $0xb8;
	[tilespmem:$0x1C400] =	vst v63  }
0xa4: {  	v3 =	vadd.s32 v1, v3;
	s15 =	simm.s32 $0x12C00  }
0xa5: {  	[tilespmem:s15], [sflag:$0x2] =	stream.indirect_vreg.gather [hbm4b:s6+s3], $0x80, v4, vm0, $0xb8;
	[tilespmem:$0x1C400] =	vst v63  }
0xa6: {  	s15 =	simm.s32 $0x13400  }
0xa7: {  	[tilespmem:s15], [sflag:$0x2] =	stream.indirect_vreg.gather [hbm4b:s7+s3], $0x80, v4, vm1, $0xb8;
	[tilespmem:$0x1C400] =	vst v63  }
0xa8: {  	s15 =	simm.s32 $0x13800  }
0xa9: {  	[tilespmem:s15], [sflag:$0x2] =	stream.indirect_vreg.gather [hbm4b:s1+s3], $0x80, v3, vm0, $0xb8;
	[tilespmem:$0x1C400] =	vst v63  }
0xaa: {  	s15 =	simm.s32 $0x14000  }
0xab: {  	[tilespmem:s15], [sflag:$0x2] =	stream.indirect_vreg.gather [hbm4b:s5+s3], $0x80, v3, vm0, $0xb8;
	[tilespmem:$0x1C400] =	vst v63  }
0xac: {  	s15 =	simm.s32 $0x14800  }
0xad: {  	[tilespmem:s15], [sflag:$0x2] =	stream.indirect_vreg.gather [hbm4b:s6+s3], $0x80, v3, vm0, $0xb8;
	[tilespmem:$0x1C400] =	vst v63  }
0xae: {  	s15 =	simm.s32 $0x15000  }
0xaf: {  	[tilespmem:s15], [sflag:$0x2] =	stream.indirect_vreg.gather [hbm4b:s7+s3], $0x80, v3, vm1, $0xb8;
	[tilespmem:$0x1C400] =	vst v63  }
0xb0: {  	v3 =	vld [tilespmem:s13+$0x0];
	_ =	sdelay $0x4  }
0xb1: {  	v62 =	vshrl.u32 v3, $0x3  }
0xb2: {  	v4 =	vmul.u32 $0x38, v62  }
0xb3: {  	v3 =	vand.u32 $0x7, v3  }
0xb4: {  	v3 =	vor.u32 v3, v4  }
0xb5: {  	v4 =	vperm.xlane v3, v0;
	_ =	sdelay $0x1  }
0xb6: {  	v4 =	vadd.s32 v1, v4;
	_ =	sdelay $0x4  }
0xb7: {  	[tilespmem:s16], [sflag:$0x2] =	stream.indirect_vreg.gather [hbm4b:s1+s3], $0x80, v4, vm0, $0xb8;
	[tilespmem:$0x1C400] =	vst v63  }
0xb8: {  	v3 =	vperm.xlane v3, v2  }
0xb9: {  	[tilespmem:s17], [sflag:$0x2] =	stream.indirect_vreg.gather [hbm4b:s5+s3], $0x80, v4, vm0, $0xb8;
	[tilespmem:$0x1C400] =	vst v63  }
0xba: {  	v3 =	vadd.s32 v1, v3  }
0xbb: {  	[tilespmem:s18], [sflag:$0x2] =	stream.indirect_vreg.gather [hbm4b:s6+s3], $0x80, v4, vm0, $0xb8;
	[tilespmem:$0x1C400] =	vst v63  }
0xbc: {  	_ = 	snop  }
0xbd: {  	[tilespmem:s19], [sflag:$0x2] =	stream.indirect_vreg.gather [hbm4b:s7+s3], $0x80, v4, vm1, $0xb8;
	[tilespmem:$0x1C400] =	vst v63  }
0xbe: {  	_ = 	snop  }
0xbf: {  	[tilespmem:s20], [sflag:$0x2] =	stream.indirect_vreg.gather [hbm4b:s1+s3], $0x80, v3, vm0, $0xb8;
	[tilespmem:$0x1C400] =	vst v63  }
0xc0: {  	_ = 	snop  }
0xc1: {  	[tilespmem:s21], [sflag:$0x2] =	stream.indirect_vreg.gather [hbm4b:s5+s3], $0x80, v3, vm0, $0xb8;
	[tilespmem:$0x1C400] =	vst v63  }
0xc2: {  	_ = 	snop  }
0xc3: {  	[tilespmem:s23], [sflag:$0x2] =	stream.indirect_vreg.gather [hbm4b:s6+s3], $0x80, v3, vm0, $0xb8;
	[tilespmem:$0x1C400] =	vst v63  }
0xc4: {  	_ = 	snop  }
0xc5: {  	[tilespmem:s24], [sflag:$0x2] =	stream.indirect_vreg.gather [hbm4b:s7+s3], $0x80, v3, vm1, $0xb8;
	[tilespmem:$0x1C400] =	vst v63  }
0xc6: {  	v3 =	vld [tilespmem:s13+$0x10];
	_ =	sdelay $0x4  }
0xc7: {  	v63 =	vshrl.u32 v3, $0x3  }
0xc8: {  	v4 =	vmul.u32 $0x38, v63  }
0xc9: {  	v3 =	vand.u32 $0x7, v3  }
0xca: {  	v3 =	vor.u32 v3, v4  }
0xcb: {  	v4 =	vperm.xlane v3, v0;
	_ =	sdelay $0x1  }
0xcc: {  	v4 =	vadd.s32 v1, v4;
	_ =	sdelay $0x4  }
0xcd: {  	[tilespmem:s25], [sflag:$0x2] =	stream.indirect_vreg.gather [hbm4b:s1+s3], $0x80, v4, vm0, $0xb8;
	[tilespmem:$0x1C400] =	vst v63  }
0xce: {  	v3 =	vperm.xlane v3, v2  }
0xcf: {  	[tilespmem:s26], [sflag:$0x2] =	stream.indirect_vreg.gather [hbm4b:s5+s3], $0x80, v4, vm0, $0xb8;
	[tilespmem:$0x1C400] =	vst v63  }
0xd0: {  	v3 =	vadd.s32 v1, v3  }
0xd1: {  	[tilespmem:s28], [sflag:$0x2] =	stream.indirect_vreg.gather [hbm4b:s6+s3], $0x80, v4, vm0, $0xb8;
	[tilespmem:$0x1C400] =	vst v63  }
0xd2: {  	_ = 	snop  }
0xd3: {  	[tilespmem:s29], [sflag:$0x2] =	stream.indirect_vreg.gather [hbm4b:s7+s3], $0x80, v4, vm1, $0xb8;
	[tilespmem:$0x1C400] =	vst v63  }
0xd4: {  	_ = 	snop  }
0xd5: {  	[tilespmem:s30], [sflag:$0x2] =	stream.indirect_vreg.gather [hbm4b:s1+s3], $0x80, v3, vm0, $0xb8;
	[tilespmem:$0x1C400] =	vst v63  }
0xd6: {  	_ = 	snop  }
0xd7: {  	[tilespmem:s31], [sflag:$0x2] =	stream.indirect_vreg.gather [hbm4b:s5+s3], $0x80, v3, vm0, $0xb8;
	[tilespmem:$0x1C400] =	vst v63  }
0xd8: {  	_ = 	snop  }
0xd9: {  	[tilespmem:s0], [sflag:$0x2] =	stream.indirect_vreg.gather [hbm4b:s6+s3], $0x80, v3, vm0, $0xb8;
	[tilespmem:$0x1C400] =	vst v63  }
0xda: {  	_ = 	snop  }
0xdb: {  	[tilespmem:s2], [sflag:$0x2] =	stream.indirect_vreg.gather [hbm4b:s7+s3], $0x80, v3, vm1, $0xb8;
	[tilespmem:$0x1C400] =	vst v63  }
0xdc: {  	_ =	swait.ge [sflag:s4], $0xE000  }
0xdd: {  	p0 =	seq.s32 s14, $0xA800;
	[sflag:s4] =	ssyncset.done $0x0  }
.Ltmp4:
0xde: {  	s15 =	sadd.s32 s14, s10;
	[sflag:s4] =	ssyncadd.s32 $0xFFFF2000;
	(pc) =	sbr.rel @p0 .LBB2_4-.Ltmp4, $4  }
0xdf: {  	[hbm4b:s15+s3] =	stream.linear.scatter [tilespmem:s12], [sflag:$0x3], $0xE000, $0x38;
	[tilespmem:$0x1C400] =	vst v63  }
0xe0: {  	_ =	swait.ge [sflag:s11], $0xE000  }
0xe1: {  	[sflag:s11] =	ssyncset.done $0x0  }
0xe2: {  	[sflag:s11] =	ssyncadd.s32 $0xFFFF2000  }
0xe3: {  	v3 =	vld [tilespmem:s13+$0x60];
	_ =	sdelay $0x4  }
0xe4: {  	v4 =	vshrl.u32 v3, $0x3  }
0xe5: {  	v4 =	vmul.u32 $0x38, v4  }
0xe6: {  	v3 =	vand.u32 $0x7, v3  }
0xe7: {  	v3 =	vor.u32 v3, v4  }
0xe8: {  	v4 =	vperm.xlane v3, v0;
	_ =	sdelay $0x1  }
0xe9: {  	v4 =	vadd.s32 v1, v4;
	_ =	sdelay $0x4  }
0xea: {  	[tilespmem:s12], [sflag:$0x1] =	stream.indirect_vreg.gather [hbm4b:s1+s3], $0x80, v4, vm0, $0xb8;
	[tilespmem:$0x1C400] =	vst v63  }
0xeb: {  	s15 =	simm.s32 $0xC00;
	v3 =	vperm.xlane v3, v2  }
0xec: {  	[tilespmem:s15], [sflag:$0x1] =	stream.indirect_vreg.gather [hbm4b:s5+s3], $0x80, v4, vm0, $0xb8;
	[tilespmem:$0x1C400] =	vst v63  }
0xed: {  	v3 =	vadd.s32 v1, v3;
	s15 =	simm.s32 $0x1400  }
0xee: {  	[tilespmem:s15], [sflag:$0x1] =	stream.indirect_vreg.gather [hbm4b:s6+s3], $0x80, v4, vm0, $0xb8;
	[tilespmem:$0x1C400] =	vst v63  }
0xef: {  	s15 =	simm.s32 $0x1C00  }
0xf0: {  	[tilespmem:s15], [sflag:$0x1] =	stream.indirect_vreg.gather [hbm4b:s7+s3], $0x80, v4, vm1, $0xb8;
	[tilespmem:$0x1C400] =	vst v63  }
0xf1: {  	s15 =	simm.s32 $0x2000  }
0xf2: {  	[tilespmem:s15], [sflag:$0x1] =	stream.indirect_vreg.gather [hbm4b:s1+s3], $0x80, v3, vm0, $0xb8;
	[tilespmem:$0x1C400] =	vst v63  }
0xf3: {  	s15 =	simm.s32 $0x2800  }
0xf4: {  	[tilespmem:s15], [sflag:$0x1] =	stream.indirect_vreg.gather [hbm4b:s5+s3], $0x80, v3, vm0, $0xb8;
	[tilespmem:$0x1C400] =	vst v63  }
0xf5: {  	s15 =	simm.s32 $0x3000  }
0xf6: {  	[tilespmem:s15], [sflag:$0x1] =	stream.indirect_vreg.gather [hbm4b:s6+s3], $0x80, v3, vm0, $0xb8;
	[tilespmem:$0x1C400] =	vst v63  }
0xf7: {  	s15 =	simm.s32 $0x3800  }
0xf8: {  	[tilespmem:s15], [sflag:$0x1] =	stream.indirect_vreg.gather [hbm4b:s7+s3], $0x80, v3, vm1, $0xb8;
	[tilespmem:$0x1C400] =	vst v63  }
0xf9: {  	v3 =	vld [tilespmem:s13+$0x70];
	_ =	sdelay $0x4  }
0xfa: {  	v61 =	vshrl.u32 v3, $0x3  }
0xfb: {  	v4 =	vmul.u32 $0x38, v61  }
0xfc: {  	v3 =	vand.u32 $0x7, v3  }
0xfd: {  	v3 =	vor.u32 v3, v4  }
0xfe: {  	v4 =	vperm.xlane v3, v0;
	_ =	sdelay $0x1  }
0xff: {  	v4 =	vadd.s32 v1, v4;
	_ =	sdelay $0x3  }
0x100: {  	s15 =	simm.s32 $0x3C00  }
0x101: {  	[tilespmem:s15], [sflag:$0x1] =	stream.indirect_vreg.gather [hbm4b:s1+s3], $0x80, v4, vm0, $0xb8;
	[tilespmem:$0x1C400] =	vst v63  }
0x102: {  	v3 =	vperm.xlane v3, v2;
	s15 =	simm.s32 $0x4400  }
0x103: {  	[tilespmem:s15], [sflag:$0x1] =	stream.indirect_vreg.gather [hbm4b:s5+s3], $0x80, v4, vm0, $0xb8;
	[tilespmem:$0x1C400] =	vst v63  }
0x104: {  	v3 =	vadd.s32 v1, v3;
	s15 =	simm.s32 $0x4C00  }
0x105: {  	[tilespmem:s15], [sflag:$0x1] =	stream.indirect_vreg.gather [hbm4b:s6+s3], $0x80, v4, vm0, $0xb8;
	[tilespmem:$0x1C400] =	vst v63  }
0x106: {  	s15 =	simm.s32 $0x5400  }
0x107: {  	[tilespmem:s15], [sflag:$0x1] =	stream.indirect_vreg.gather [hbm4b:s7+s3], $0x80, v4, vm1, $0xb8;
	[tilespmem:$0x1C400] =	vst v63  }
0x108: {  	s15 =	simm.s32 $0x5800  }
0x109: {  	[tilespmem:s15], [sflag:$0x1] =	stream.indirect_vreg.gather [hbm4b:s1+s3], $0x80, v3, vm0, $0xb8;
	[tilespmem:$0x1C400] =	vst v63  }
0x10a: {  	s15 =	simm.s32 $0x6000  }
0x10b: {  	[tilespmem:s15], [sflag:$0x1] =	stream.indirect_vreg.gather [hbm4b:s5+s3], $0x80, v3, vm0, $0xb8;
	[tilespmem:$0x1C400] =	vst v63  }
0x10c: {  	s15 =	simm.s32 $0x6800  }
0x10d: {  	[tilespmem:s15], [sflag:$0x1] =	stream.indirect_vreg.gather [hbm4b:s6+s3], $0x80, v3, vm0, $0xb8;
	[tilespmem:$0x1C400] =	vst v63  }
0x10e: {  	s15 =	simm.s32 $0x7000  }
0x10f: {  	[tilespmem:s15], [sflag:$0x1] =	stream.indirect_vreg.gather [hbm4b:s7+s3], $0x80, v3, vm1, $0xb8;
	[tilespmem:$0x1C400] =	vst v63  }
0x110: {  	v3 =	vld [tilespmem:s13+$0x80];
	_ =	sdelay $0x4  }
0x111: {  	v62 =	vshrl.u32 v3, $0x3  }
0x112: {  	v4 =	vmul.u32 $0x38, v62  }
0x113: {  	v3 =	vand.u32 $0x7, v3  }
0x114: {  	v3 =	vor.u32 v3, v4  }
0x115: {  	v4 =	vperm.xlane v3, v0;
	_ =	sdelay $0x1  }
0x116: {  	v4 =	vadd.s32 v1, v4;
	_ =	sdelay $0x3  }
0x117: {  	s15 =	simm.s32 $0x7400  }
0x118: {  	[tilespmem:s15], [sflag:$0x1] =	stream.indirect_vreg.gather [hbm4b:s1+s3], $0x80, v4, vm0, $0xb8;
	[tilespmem:$0x1C400] =	vst v63  }
0x119: {  	v3 =	vperm.xlane v3, v2;
	s15 =	simm.s32 $0x7C00  }
0x11a: {  	[tilespmem:s15], [sflag:$0x1] =	stream.indirect_vreg.gather [hbm4b:s5+s3], $0x80, v4, vm0, $0xb8;
	[tilespmem:$0x1C400] =	vst v63  }
0x11b: {  	v3 =	vadd.s32 v1, v3;
	s15 =	simm.s32 $0x8400  }
0x11c: {  	[tilespmem:s15], [sflag:$0x1] =	stream.indirect_vreg.gather [hbm4b:s6+s3], $0x80, v4, vm0, $0xb8;
	[tilespmem:$0x1C400] =	vst v63  }
0x11d: {  	s15 =	simm.s32 $0x8C00  }
0x11e: {  	[tilespmem:s15], [sflag:$0x1] =	stream.indirect_vreg.gather [hbm4b:s7+s3], $0x80, v4, vm1, $0xb8;
	[tilespmem:$0x1C400] =	vst v63  }
0x11f: {  	s15 =	simm.s32 $0x9000  }
0x120: {  	[tilespmem:s15], [sflag:$0x1] =	stream.indirect_vreg.gather [hbm4b:s1+s3], $0x80, v3, vm0, $0xb8;
	[tilespmem:$0x1C400] =	vst v63  }
0x121: {  	s15 =	simm.s32 $0x9800  }
0x122: {  	[tilespmem:s15], [sflag:$0x1] =	stream.indirect_vreg.gather [hbm4b:s5+s3], $0x80, v3, vm0, $0xb8;
	[tilespmem:$0x1C400] =	vst v63  }
0x123: {  	s15 =	simm.s32 $0xA000  }
0x124: {  	[tilespmem:s15], [sflag:$0x1] =	stream.indirect_vreg.gather [hbm4b:s6+s3], $0x80, v3, vm0, $0xb8;
	[tilespmem:$0x1C400] =	vst v63  }
0x125: {  	s15 =	simm.s32 $0xA800  }
0x126: {  	[tilespmem:s15], [sflag:$0x1] =	stream.indirect_vreg.gather [hbm4b:s7+s3], $0x80, v3, vm1, $0xb8;
	[tilespmem:$0x1C400] =	vst v63  }
0x127: {  	v3 =	vld [tilespmem:s13+$0x90];
	_ =	sdelay $0x4  }
0x128: {  	v63 =	vshrl.u32 v3, $0x3  }
0x129: {  	v4 =	vmul.u32 $0x38, v63  }
0x12a: {  	v3 =	vand.u32 $0x7, v3  }
0x12b: {  	v3 =	vor.u32 v3, v4  }
0x12c: {  	v4 =	vperm.xlane v3, v0;
	_ =	sdelay $0x1  }
0x12d: {  	v4 =	vadd.s32 v1, v4;
	_ =	sdelay $0x3  }
0x12e: {  	s15 =	simm.s32 $0xAC00  }
0x12f: {  	[tilespmem:s15], [sflag:$0x1] =	stream.indirect_vreg.gather [hbm4b:s1+s3], $0x80, v4, vm0, $0xb8;
	[tilespmem:$0x1C400] =	vst v63  }
0x130: {  	v3 =	vperm.xlane v3, v2;
	s15 =	simm.s32 $0xB400  }
0x131: {  	[tilespmem:s15], [sflag:$0x1] =	stream.indirect_vreg.gather [hbm4b:s5+s3], $0x80, v4, vm0, $0xb8;
	[tilespmem:$0x1C400] =	vst v63  }
0x132: {  	v3 =	vadd.s32 v1, v3;
	s15 =	simm.s32 $0xBC00  }
0x133: {  	[tilespmem:s15], [sflag:$0x1] =	stream.indirect_vreg.gather [hbm4b:s6+s3], $0x80, v4, vm0, $0xb8;
	[tilespmem:$0x1C400] =	vst v63  }
0x134: {  	s15 =	simm.s32 $0xC400  }
0x135: {  	[tilespmem:s15], [sflag:$0x1] =	stream.indirect_vreg.gather [hbm4b:s7+s3], $0x80, v4, vm1, $0xb8;
	[tilespmem:$0x1C400] =	vst v63  }
0x136: {  	s15 =	simm.s32 $0xC800  }
0x137: {  	[tilespmem:s15], [sflag:$0x1] =	stream.indirect_vreg.gather [hbm4b:s1+s3], $0x80, v3, vm0, $0xb8;
	[tilespmem:$0x1C400] =	vst v63  }
0x138: {  	s15 =	simm.s32 $0xD000  }
0x139: {  	[tilespmem:s15], [sflag:$0x1] =	stream.indirect_vreg.gather [hbm4b:s5+s3], $0x80, v3, vm0, $0xb8;
	[tilespmem:$0x1C400] =	vst v63  }
.Ltmp5:
0x13a: {  	_ = 	snop;
	(pc) =	sbr.rel .LBB2_4-.Ltmp5, $4  }
0x13b: {  	s15 =	simm.s32 $0xD800  }
0x13c: {  	[tilespmem:s15], [sflag:$0x1] =	stream.indirect_vreg.gather [hbm4b:s6+s3], $0x80, v3, vm0, $0xb8;
	[tilespmem:$0x1C400] =	vst v63  }
0x13d: {  	s15 =	simm.s32 $0xE000  }
0x13e: {  	[tilespmem:s15], [sflag:$0x1] =	stream.indirect_vreg.gather [hbm4b:s7+s3], $0x80, v3, vm1, $0xb8;
	[tilespmem:$0x1C400] =	vst v63  }
.LBB2_6:
0x13f: {  	_ =	sfence.sel $0x180000  }
0x140: {  	[bflag:$0x0] =	sbarrier.arrive $0xFFFF  }
0x141: {  	_ =	strace $0x90000047  }
0x142: {  	s0 =	stileid.u32;
	[bflag:$0x2] =	sbarrier.arrive $0xFFFF  }
0x143: {  	p0 =	sne.s32 s0, $0x0;
	s0 =	rddreg [dreg:$0x2]  }
0x144: {  	s0 =	sadd.s32 @!p0 $0x100000, s0  }
0x145: {  	[sflag:s0] =	ssyncadd.tile.s32 @!p0 $0x1;
	_ =	shalt  }
.Lfunc_end2:
_tile_overlayer_lowered:
.L_overlay_start_2:
0x146: {  	(tag) =	ssettag $0x2  }
0x147: {  	s0 =	rddreg [dreg:$0x0];
	s2 =	stileid.u32  }
0x148: {  	s1 =	rddreg [dreg:$0x1];
	p0 =	sne.s32 s2, $0x0  }
0x149: {  	s3 =	rddreg [dreg:$0x2];
	[bflag:$0x3] =	sbarrier.arrive $0xFFFF;
	s2 =	simm.s32 @!p0 $0x1C03  }
0x14a: {  	[timem:s3], [sflag:s2] =	dma.local @!p0 [hbm:s0], s1  }
0x14b: {  	s0 =	simm.s32 @!p0 $0x3  }
0x14c: {  	_ =	swait.ge @!p0 [sflag:s0], s1  }
0x14d: {  	s1 =	ssub.s32 @!p0 $0x0, s1;
	[sflag:s0] =	ssyncset.done @!p0 $0x0  }
0x14e: {  	[sflag:s0] =	ssyncadd.s32 @!p0 s1  }
0x14f: {  	[bflag:$0x3] =	sbarrier.arrive $0xFFFF  }
0x150: {  	_ =	shalt  }

// kernel: kernel.13.cloned.1.call-start
scs
__scs_entry_jumppad:
0x0: {  	(pc) =	sbr.rel $0x88, $3  }
0x1: {  	(tag) =	ssettag $0x0;
	lr =	simm.s32 $0x1  }
0x2: {  	[smem:$0x3F9D] =	sst lr;
	_ =	strace $0xD0000000  }
0x3: {  	_ = 	snop  }
0x4: {  	_ = 	snop  }
0x5: {  	_ = 	snop  }
0x6: {  	_ = 	snop  }
0x7: {  	_ = 	snop  }
__scs_overlays_trampoline_lowered:
0x8: {  	[smem:$0x3FAC] =	sst s0  }
0x9: {  	[smem:$0x3FAD] =	sst s1  }
0xa: {  	[smem:$0x3FAE] =	sst s2  }
0xb: {  	[smem:$0x3FAF] =	sst s3  }
0xc: {  	[smem:$0x3FB0] =	sst s4  }
0xd: {  	[smem:$0x3FB1] =	sst s5  }
0xe: {  	[smem:$0x3FB2] =	sst s6  }
0xf: {  	[smem:$0x3FB3] =	sst s7  }
0x10: {  	[smem:$0x3FB4] =	sst s8  }
0x11: {  	[smem:$0x3FB5] =	sst s9;
	s0 =	simm.s32 @!p0 $0x0  }
0x12: {  	s1 =	sld [smem:$0x3F9B];
	s0 =	simm.s32 @p0 $0x1  }
0x13: {  	[smem:$0x3FB6] =	sst s0;
	s0 =	simm.s32 @!p1 $0x0  }
0x14: {  	s2 =	sld [smem:$0x3F9A];
	s0 =	simm.s32 @p1 $0x1  }
0x15: {  	[smem:$0x3FB7] =	sst s0;
	s0 =	simm.s32 @!p2 $0x0  }
0x16: {  	s3 =	sld [smem:$0x3FDB];
	s0 =	simm.s32 @p2 $0x1  }
0x17: {  	s4 =	simm.s32 $0x1BF5;
	[smem:$0x3FB9] =	sst s0  }
0x18: {  	s0 =	sld [smem:$0x3F9C];
	_ =	swait.ge [sflag:s4], $0x0  }
0x19: {  	s7 =	sld [smem:$0x3F9D]  }
0x1a: {  	s8 =	sadd.s32 $0xFFFFE003, lr  }
0x1b: {  	s9 =	sadd.s32 $0xFFFFFEF7, lr;
	s5 =	simm.s32 $0xFFFFFFFF;
	p2 =	slt.u32 s8, $0xFFFFF086  }
0x1c: {  	p1 =	slt.u32 s9, $0xF7A;
	s5 =	simm.s32 @!p2 $0x0  }
0x1d: {  	s5 =	simm.s32 @p1 $0x1;
	p0 =	seq.s32 s7, s2  }
0x1e: {  	s7 =	smul.u32 @!p0 $0xF7A, s2;
	p2 =	seq.s32 @!p0 s5, $0x0  }
0x1f: {  	s9 =	smul.u32 $0xF7A, s1;
	s8 =	simm.s32 @!p0 $0x1BF5;
	p2 =	por !p2, p0  }
0x20: {  	[sflag:s8] =	ssyncset.s32 @!p0 $0xFFFFF086;
	s6 =	sadd.s32 @!p0 s3, s7;
	s7 =	simm.s32 @!p0 $0x108  }
0x21: {  	s3 =	sadd.s32 s3, s9;
	s6 =	sadd.s32 @!p0 $0x88, s6;
	s7 =	simm.s32 @p2 $0x1082  }
0x22: {  	[simem:s7], [sflag:s8] =	dma.local @!p0 [hbm:s6], $0xF7A  }
0x23: {  	s9 =	sor.u32 $0xD0000000, s2;
	s6 =	simm.s32 $0x108;
	_ =	swait.ge @!p0 [sflag:s8], $0x0  }
0x24: {  	s3 =	sadd.s32 $0x88, s3;
	s6 =	simm.s32 @!p1 $0x1082;
	[sflag:s4] =	ssyncset.s32 $0xFFFFF086  }
0x25: {  	[simem:s6], [sflag:s4] =	dma.local [hbm:s3], $0xF7A  }
0x26: {  	[smem:$0x3F9D] =	sst s1;
	(tag) =	ssettag s2;
	_ =	strace s9  }
0x27: {  	s1 =	sld [smem:$0x3FAD]  }
0x28: {  	s2 =	sld [smem:$0x3FAE]  }
0x29: {  	s4 =	sld [smem:$0x3FB0]  }
0x2a: {  	p0 =	seq.s32 s5, $0x0;
	s5 =	sld [smem:$0x3FB1]  }
0x2b: {  	s6 =	sld [smem:$0x3FB2]  }
0x2c: {  	s7 =	sld [smem:$0x3FB3]  }
0x2d: {  	s3 =	simm.s32 $0x108;
	s8 =	sld [smem:$0x3FB4]  }
0x2e: {  	s3 =	simm.s32 @!p0 $0x1082;
	s9 =	sld [smem:$0x3FB5]  }
0x2f: {  	lr =	sadd.s32 s0, s3;
	s0 =	sld [smem:$0x3FAC]  }
0x30: {  	s3 =	sld [smem:$0x3FAF]  }
0x31: {  	[smem:$0x3FB8] =	sst s10  }
0x32: {  	s10 =	sld [smem:$0x3FB6];
	_ =	sdelay $0x3  }
0x33: {  	p0 =	seq.s32 s10, $0x1;
	s10 =	sld [smem:$0x3FB8];
	_ =	sdelay $0x3  }
0x34: {  	[smem:$0x3FB8] =	sst s10  }
0x35: {  	s10 =	sld [smem:$0x3FB7];
	_ =	sdelay $0x3  }
0x36: {  	p1 =	seq.s32 s10, $0x1;
	s10 =	sld [smem:$0x3FB8];
	_ =	sdelay $0x3  }
0x37: {  	[smem:$0x3FB8] =	sst s10  }
0x38: {  	s10 =	sld [smem:$0x3FB9]  }
0x39: {  	_ = 	snop;
	(pc) =	sbr.ind lr, $3  }
0x3a: {  	_ = 	snop  }
0x3b: {  	_ = 	snop  }
0x3c: {  	p2 =	seq.s32 s10, $0x1;
	s10 =	sld [smem:$0x3FB8]  }
0x3d: {  	_ =	shalt  }
0x3e: {  	_ =	shalt  }
0x3f: {  	_ =	shalt  }
0x40: {  	_ =	shalt  }
0x41: {  	_ =	shalt  }
0x42: {  	_ =	shalt  }
0x43: {  	_ =	shalt  }
0x44: {  	_ =	shalt  }
0x45: {  	_ =	shalt  }
0x46: {  	_ =	shalt  }
0x47: {  	_ =	shalt  }
0x48: {  	_ =	shalt  }
0x49: {  	_ =	shalt  }
0x4a: {  	_ =	shalt  }
0x4b: {  	_ =	shalt  }
0x4c: {  	_ =	shalt  }
0x4d: {  	_ =	shalt  }
0x4e: {  	_ =	shalt  }
0x4f: {  	_ =	shalt  }
0x50: {  	_ =	shalt  }
0x51: {  	_ =	shalt  }
0x52: {  	_ =	shalt  }
0x53: {  	_ =	shalt  }
0x54: {  	_ =	shalt  }
0x55: {  	_ =	shalt  }
0x56: {  	_ =	shalt  }
0x57: {  	_ =	shalt  }
0x58: {  	_ =	shalt  }
0x59: {  	_ =	shalt  }
0x5a: {  	_ =	shalt  }
0x5b: {  	_ =	shalt  }
0x5c: {  	_ =	shalt  }
0x5d: {  	_ =	shalt  }
0x5e: {  	_ =	shalt  }
0x5f: {  	_ =	shalt  }
0x60: {  	_ =	shalt  }
0x61: {  	_ =	shalt  }
0x62: {  	_ =	shalt  }
0x63: {  	_ =	shalt  }
0x64: {  	_ =	shalt  }
0x65: {  	_ =	shalt  }
0x66: {  	_ =	shalt  }
0x67: {  	_ =	shalt  }
0x68: {  	_ =	shalt  }
0x69: {  	_ =	shalt  }
0x6a: {  	_ =	shalt  }
0x6b: {  	_ =	shalt  }
0x6c: {  	_ =	shalt  }
0x6d: {  	_ =	shalt  }
0x6e: {  	_ =	shalt  }
0x6f: {  	_ =	shalt  }
0x70: {  	_ =	shalt  }
0x71: {  	_ =	shalt  }
0x72: {  	_ =	shalt  }
0x73: {  	_ =	shalt  }
0x74: {  	_ =	shalt  }
0x75: {  	_ =	shalt  }
0x76: {  	_ =	shalt  }
0x77: {  	_ =	shalt  }
0x78: {  	_ =	shalt  }
0x79: {  	_ =	shalt  }
0x7a: {  	_ =	shalt  }
0x7b: {  	_ =	shalt  }
0x7c: {  	_ =	shalt  }
0x7d: {  	_ =	shalt  }
0x7e: {  	_ =	shalt  }
0x7f: {  	_ =	shalt  }
0x80: {  	_ =	shalt  }
0x81: {  	_ =	shalt  }
0x82: {  	_ =	shalt  }
0x83: {  	_ =	shalt  }
0x84: {  	_ =	shalt  }
0x85: {  	_ =	shalt  }
0x86: {  	_ =	shalt  }
0x87: {  	_ =	shalt  }
.Lfunc_end0:
.L_simem_size_0:
called_computation.1_lowered:
.L_overlay_start_0:
0x88: {  	s2 =	sld [smem:$0x3FD9]  }
0x89: {  	s3 =	sld [smem:$0x3FFE];
	_ =	sdelay $0x1  }
0x8a: {  	s1 =	srdreg.scid  }
0x8b: {  	s0 =	sand.u32 $0x1, s1  }
0x8c: {  	s17 =	sshll.u32 s0, $0xA;
	s2 =	sadd.s32 s3, s2  }
0x8d: {  	s2 =	sadd.s32 s2, s17  }
0x8e: {  	[smem:$0x3FC4] =	sst s2  }
0x8f: {  	_ = 	snop  }
0x90: {  	s18 =	sld [smem:$0x3FC8];
	(tm) =	ssettm $0x1  }
0x91: {  	s19 =	sld [smem:$0x3FFB];
	_ =	sdelay $0x3  }
0x92: {  	_ =	strace s19  }
0x93: {  	s2 =	sld [smem:$0x3FFC];
	_ =	sdelay $0x3  }
0x94: {  	_ =	strace s2  }
0x95: {  	s2 =	sld [smem:$0x3FFD];
	_ =	sdelay $0x3  }
0x96: {  	_ =	strace s2  }
0x97: {  	_ =	strace $0x8FFFFFFF  }
0x98: {  	s20 =	sld [smem:$0x3FDB];
	_ =	sdelay $0x1  }
0x99: {  	s4 =	simm.s32 $_scs_section_size  }
0x9a: {  	s5 =	simm.s32 $_size__tile_overlayer_lowered;
	s6 =	simm.s32 $_tile_overlayer_lowered  }
0x9b: {  	s7 =	simm.s32 $0x1BFF;
	s21 =	sshll.u32 s6, $0x1;
	s4 =	sadd.s32 s4, s20  }
0x9c: {  	s22 =	simm.s32 $0x0;
	s5 =	sshll.u32 s5, $0x1;
	s6 =	sadd.s32 s21, s4  }
0x9d: {  	[timem:s22], [sflag:s7] =	dma.local [hbm:s6], s5  }
0x9e: {  	_ =	swait.ge [sflag:s7], s5  }
0x9f: {  	s5 =	ssub.s32 $0x0, s5;
	[sflag:s7] =	ssyncset.done $0x0  }
0xa0: {  	[sflag:s7] =	ssyncadd.s32 s5;
	_ =	sdelay $0x1  }
0xa1: {  	s23 =	simm.s32 $0x1B8B  }
0xa2: {  	_ =	swait.ge [sflag:s23], $0x1  }
0xa3: {  	[sflag:s23] =	ssyncset.done $0x0  }
0xa4: {  	[sflag:s23] =	ssyncadd.s32 $0xFFFFFFFF  }
0xa5: {  	s5 =	sld [smem:$0x0]  }
0xa6: {  	s6 =	sand.u32 $0xFFFFFFFE, s1  }
0xa7: {  	p0 =	sne.s32 s1, s6  }
0xa8: {  	s6 =	sshll.u32 @p0 s6, $0xE  }
0xa9: {  	s6 =	sadd.s32 @p0 $0x11B8D, s6;
	s7 =	sshll.u32 @p0 s5, $0x11  }
0xaa: {  	s6 =	sor.u32 @p0 s7, s6  }
0xab: {  	[sflag:s6] =	ssyncadd.remote.s32 @p0 $0x1;
	_ =	sdelay $0x1  }
0xac: {  	s6 =	simm.s32 @p0 $0x1B8D  }
0xad: {  	_ =	swait.eq @p0 [sflag:s6], $0x1  }
0xae: {  	[sflag:s6] =	ssyncadd.s32 @p0 $0xFFFFFFFF  }
0xaf: {  	s7 =	sshll.u32 @!p0 s1, $0xE  }
0xb0: {  	s7 =	sor.u32 @!p0 $0x4000, s7;
	s6 =	simm.s32 @!p0 $0x1B8D  }
0xb1: {  	s5 =	sshll.u32 @!p0 s5, $0x11;
	s7 =	sadd.s32 @!p0 $0x11B8D, s7;
	_ =	swait.eq @!p0 [sflag:s6], $0x1  }
0xb2: {  	s5 =	sor.u32 @!p0 s5, s7;
	[sflag:s6] =	ssyncadd.s32 @!p0 $0xFFFFFFFF  }
0xb3: {  	s25 =	simm.s32 $0x1B8E;
	s24 =	sld [smem:$0x3FFE];
	[sflag:s5] =	ssyncadd.remote.s32 @!p0 $0x1  }
0xb4: {  	s26 =	simm.s32 $execute0_lowered;
	[smem:$0x3FD2] =	sst s25  }
0xb5: {  	s6 =	sshll.u32 s26, $0x1;
	_ =	strace $0x80000049;
	[dreg:$0x1] =	wrdreg $0xFFFFFFFF  }
0xb6: {  	s28 =	simm.s32 $_size_execute0_lowered;
	s4 =	sadd.s32 s4, s6;
	[dreg:$0x0] =	wrdreg $0x0  }
0xb7: {  	s6 =	sshll.u32 s28, $0x1;
	[dreg:$0x2] =	wrdreg s4  }
0xb8: {  	[dreg:$0x3] =	wrdreg s6  }
0xb9: {  	[dreg:$0x4] =	wrdreg $0xC0  }
0xba: {  	_ =	task [dreg:s22], $0x5FFFF  }
0xbb: {  	[dreg:$0x1] =	wrdreg $0xFFFFFFFF  }
0xbc: {  	[dreg:$0x0] =	wrdreg $0x60  }
0xbd: {  	[dreg:$0x2] =	wrdreg s24  }
0xbe: {  	[dreg:$0x3] =	wrdreg s18  }
0xbf: {  	[dreg:$0x4] =	wrdreg $0xA  }
0xc0: {  	_ =	task.clear_ibuf [dreg:s22], $0x5FFFF;
	_ =	strace $0x90000049  }
0xc1: {  	s29 =	simm.s32 $0xA;
	_ =	strace $0x8000004B  }
0xc2: {  	_ =	swait.ge [sflag:s29], $0x1  }
0xc3: {  	[sflag:s29] =	ssyncadd.s32 $0xFFFFFFFF  }
0xc4: {  	_ =	strace $0x9000004B  }
0xc5: {  	_ =	sfence  }
0xc6: {  	s30 =	sld [smem:$0x0];
	_ =	sdelay $0x2  }
0xc7: {  	s31 =	sshll.u32 s1, $0xD;
	s1 =	sshrl.u32 s1, $0x2  }
0xc8: {  	s4 =	sand.u32 $0x4000, s31;
	s1 =	sadd.s32 s1, s30  }
0xc9: {  	s0 =	sor.u32 s4, s0;
	s1 =	sshll.u32 s1, $0x11  }
0xca: {  	s0 =	sor.u32 s1, s0  }
0xcb: {  	s0 =	sadd.s32 $0x8F2B, s0  }
0xcc: {  	[sflag:s0] =	ssyncadd.remote.s32 $0x1  }
0xcd: {  	_ =	sfence.sel $0xFFFF  }
0xce: {  	[dreg:$0x0] =	wrdreg $0xFFFFFFFF;
	(pc) =	sbr.abs _section_cstart, $3  }
0xcf: {  	[dreg:$0x1] =	wrdreg $0xFFFFFFFF  }
0xd0: {  	_ =	task.clear_ibuf [dreg:s22], $0x2FFFF;
	_ =	strace $0x9FFFFFFF  }
0xd1: {  	(tm) =	ssettm $0x7FFFFFFF  }
tec
execute0_lowered:
.L_overlay_start_1:
0x0: {  	(tag) =	ssettag $0x1  }
0x1: {  	s0 =	rddreg [dreg:$0x0]  }
0x2: {  	s2 =	rddreg [dreg:$0x1]  }
0x3: {  	s1 =	srdreg.scid;
	s3 =	stileid.u32;
	s11 =	simm.s32 $0x3  }
0x4: {  	s12 =	simm.s32 $0xC00;
	s22 =	simm.s32 $0xEC00;
	s16 =	simm.s32 $0x15C00  }
0x5: {  	s17 =	simm.s32 $0x16400;
	s18 =	simm.s32 $0x16C00;
	s19 =	simm.s32 $0x17400  }
0x6: {  	s20 =	simm.s32 $0x17800;
	s21 =	simm.s32 $0x18000;
	s28 =	simm.s32 $0x1A400  }
0x7: {  	s29 =	simm.s32 $0x1AC00;
	s30 =	simm.s32 $0x1B000;
	s31 =	simm.s32 $0x1B800  }
0x8: {  	s14 =	simm.s32 $0x0;
	s1 =	sand.u32 $0x1, s1;
	s4 =	sshll.u32 s3, $0x1  }
0x9: {  	s5 =	smul.u32 $0xA00, s3;
	s3 =	simm.s32 $0x0;
	s4 =	sor.u32 s1, s4  }
0xa: {  	s6 =	smul.u32 $0x500, s1;
	[smem:$0x7FF] =	sst s3;
	s1 =	ssub.s32 $0x2, s1  }
0xb: {  	s4 =	smul.u32 $0x180, s4;
	_ =	strace $0x8000004A;
	s23 =	sshrl.u32 s1, $0x1  }
0xc: {  	s5 =	sadd.s32 s6, s5;
	s1 =	ssub.s32 s1, s23;
	s6 =	sadd.s32 $0x200, s2  }
0xd: {  	s23 =	simm.s32 $0x18800;
	s4 =	sadd.s32 s4, s0;
	s7 =	sor.u32 $0x40, s5  }
0xe: {  	s0 =	sadd.s32 $0x1C5A00, s0;
	s26 =	sshrl.u32 s5, $0x3;
	s5 =	sadd.s32 $0x100, s2  }
0xf: {  	s1 =	smax.u32 s1, $0x1;
	s24 =	sshrl.u32 s7, $0x3;
	s8 =	smul.u32 $0x380, s26  }
.Ltmp0:
0x10: {  	s4 =	sadd.s32 $0x1C2A00, s4;
	s7 =	sadd.s32 $0x300, s2;
	(pc) =	sbr.rel .LBB2_1-.Ltmp0, $4  }
0x11: {  	[dreg:$0x4] =	wrdreg s1;
	s26 =	simm.s32 $0x19C00;
	s1 =	simm.s32 $0x1C800  }
0x12: {  	v2 =	vlaneseq.u32;
	[dreg:$0x3] =	wrdreg s4;
	s25 =	smul.u32 $0x380, s24;
	s24 =	simm.s32 $0x19000  }
0x13: {  	vm0 =	vmmov $0xffff;
	vm1 =	vmmov $0xff;
	v1 =	vshrl.u32 v2, $0x3;
	s4 =	simm.s32 $0x1;
	s10 =	sadd.s32 s8, s0;
	s8 =	simm.s32 $0x2  }
0x14: {  	v0 =	vand.u32 $0x7, v2;
	v2 =	vor.u32 $0x8, v2;
	v1 =	vmul.u32 $0x8, v1;
	s9 =	sadd.s32 s25, s0;
	s25 =	simm.s32 $0x19400;
	s0 =	simm.s32 $0x1C000  }
.LBB2_5:
0x15: {  	s14 =	rddreg [dreg:$0x5]  }
0x16: {  	s13 =	rddreg [dreg:$0x4];
	s14 =	sadd.s32 $0x1, s14  }
0x17: {  	p0 =	sne.s32 s14, s13  }
.Ltmp1:
0x18: {  	_ = 	snop;
	(pc) =	sbr.rel @!p0 .LBB2_6-.Ltmp1, $1  }
0x19: {  	_ =	sdelay $0x3  }
.LBB2_1:
0x1a: {  	[dreg:$0x5] =	wrdreg s14  }
0x1b: {  	s13 =	rddreg [dreg:$0x3]  }
0x1c: {  	[tilespmem:s3], [sflag:$0x3] =	stream.linear.gather [hbm4b:s13+s3], $0xA00, $0x38;
	[tilespmem:$0x1CC00] =	vst v63  }
0x1d: {  	_ =	swait.ge [sflag:s11], $0xA00  }
0x1e: {  	[sflag:s11] =	ssyncset.done $0x0  }
0x1f: {  	[sflag:s11] =	ssyncadd.s32 $0xFFFFF600  }
0x20: {  	v3 =	vld [tilespmem:$0x0];
	_ =	sdelay $0x4  }
0x21: {  	v4 =	vshrl.u32 v3, $0x3  }
0x22: {  	v4 =	vmul.u32 $0x38, v4  }
0x23: {  	v3 =	vand.u32 $0x7, v3  }
0x24: {  	v3 =	vor.u32 v3, v4  }
0x25: {  	v4 =	vperm.xlane v3, v0;
	_ =	sdelay $0x1  }
0x26: {  	v4 =	vadd.s32 v1, v4;
	_ =	sdelay $0x4  }
0x27: {  	[tilespmem:s12], [sflag:$0x1] =	stream.indirect_vreg.gather [hbm4b:s2+s3], $0x80, v4, vm0, $0xb8;
	[tilespmem:$0x1CC00] =	vst v63  }
0x28: {  	s15 =	simm.s32 $0x1400;
	v3 =	vperm.xlane v3, v2  }
0x29: {  	[tilespmem:s15], [sflag:$0x1] =	stream.indirect_vreg.gather [hbm4b:s5+s3], $0x80, v4, vm0, $0xb8;
	[tilespmem:$0x1CC00] =	vst v63  }
0x2a: {  	s14 =	simm.s32 $0x1C00;
	v3 =	vadd.s32 v1, v3  }
0x2b: {  	[tilespmem:s14], [sflag:$0x1] =	stream.indirect_vreg.gather [hbm4b:s6+s3], $0x80, v4, vm0, $0xb8;
	[tilespmem:$0x1CC00] =	vst v63  }
0x2c: {  	s15 =	simm.s32 $0x2400  }
0x2d: {  	[tilespmem:s15], [sflag:$0x1] =	stream.indirect_vreg.gather [hbm4b:s7+s3], $0x80, v4, vm1, $0xb8;
	[tilespmem:$0x1CC00] =	vst v63  }
0x2e: {  	s14 =	simm.s32 $0x2800  }
0x2f: {  	[tilespmem:s14], [sflag:$0x1] =	stream.indirect_vreg.gather [hbm4b:s2+s3], $0x80, v3, vm0, $0xb8;
	[tilespmem:$0x1CC00] =	vst v63  }
0x30: {  	s15 =	simm.s32 $0x3000  }
0x31: {  	[tilespmem:s15], [sflag:$0x1] =	stream.indirect_vreg.gather [hbm4b:s5+s3], $0x80, v3, vm0, $0xb8;
	[tilespmem:$0x1CC00] =	vst v63  }
0x32: {  	s14 =	simm.s32 $0x3800  }
0x33: {  	[tilespmem:s14], [sflag:$0x1] =	stream.indirect_vreg.gather [hbm4b:s6+s3], $0x80, v3, vm0, $0xb8;
	[tilespmem:$0x1CC00] =	vst v63  }
0x34: {  	s15 =	simm.s32 $0x4000  }
0x35: {  	[tilespmem:s15], [sflag:$0x1] =	stream.indirect_vreg.gather [hbm4b:s7+s3], $0x80, v3, vm1, $0xb8;
	[tilespmem:$0x1CC00] =	vst v63  }
0x36: {  	v3 =	vld [tilespmem:$0x10];
	_ =	sdelay $0x4  }
0x37: {  	v61 =	vshrl.u32 v3, $0x3  }
0x38: {  	v4 =	vmul.u32 $0x38, v61  }
0x39: {  	v3 =	vand.u32 $0x7, v3  }
0x3a: {  	v3 =	vor.u32 v3, v4  }
0x3b: {  	v4 =	vperm.xlane v3, v0;
	_ =	sdelay $0x1  }
0x3c: {  	v4 =	vadd.s32 v1, v4;
	_ =	sdelay $0x3  }
0x3d: {  	s14 =	simm.s32 $0x4400  }
0x3e: {  	[tilespmem:s14], [sflag:$0x1] =	stream.indirect_vreg.gather [hbm4b:s2+s3], $0x80, v4, vm0, $0xb8;
	[tilespmem:$0x1CC00] =	vst v63  }
0x3f: {  	s15 =	simm.s32 $0x4C00;
	v3 =	vperm.xlane v3, v2  }
0x40: {  	[tilespmem:s15], [sflag:$0x1] =	stream.indirect_vreg.gather [hbm4b:s5+s3], $0x80, v4, vm0, $0xb8;
	[tilespmem:$0x1CC00] =	vst v63  }
0x41: {  	v3 =	vadd.s32 v1, v3;
	s14 =	simm.s32 $0x5400  }
0x42: {  	[tilespmem:s14], [sflag:$0x1] =	stream.indirect_vreg.gather [hbm4b:s6+s3], $0x80, v4, vm0, $0xb8;
	[tilespmem:$0x1CC00] =	vst v63  }
0x43: {  	s15 =	simm.s32 $0x5C00  }
0x44: {  	[tilespmem:s15], [sflag:$0x1] =	stream.indirect_vreg.gather [hbm4b:s7+s3], $0x80, v4, vm1, $0xb8;
	[tilespmem:$0x1CC00] =	vst v63  }
0x45: {  	s14 =	simm.s32 $0x6000  }
0x46: {  	[tilespmem:s14], [sflag:$0x1] =	stream.indirect_vreg.gather [hbm4b:s2+s3], $0x80, v3, vm0, $0xb8;
	[tilespmem:$0x1CC00] =	vst v63  }
0x47: {  	s15 =	simm.s32 $0x6800  }
0x48: {  	[tilespmem:s15], [sflag:$0x1] =	stream.indirect_vreg.gather [hbm4b:s5+s3], $0x80, v3, vm0, $0xb8;
	[tilespmem:$0x1CC00] =	vst v63  }
0x49: {  	s14 =	simm.s32 $0x7000  }
0x4a: {  	[tilespmem:s14], [sflag:$0x1] =	stream.indirect_vreg.gather [hbm4b:s6+s3], $0x80, v3, vm0, $0xb8;
	[tilespmem:$0x1CC00] =	vst v63  }
0x4b: {  	s15 =	simm.s32 $0x7800  }
0x4c: {  	[tilespmem:s15], [sflag:$0x1] =	stream.indirect_vreg.gather [hbm4b:s7+s3], $0x80, v3, vm1, $0xb8;
	[tilespmem:$0x1CC00] =	vst v63  }
0x4d: {  	v3 =	vld [tilespmem:$0x20];
	_ =	sdelay $0x4  }
0x4e: {  	v62 =	vshrl.u32 v3, $0x3  }
0x4f: {  	v4 =	vmul.u32 $0x38, v62  }
0x50: {  	v3 =	vand.u32 $0x7, v3  }
0x51: {  	v3 =	vor.u32 v3, v4  }
0x52: {  	v4 =	vperm.xlane v3, v0;
	_ =	sdelay $0x1  }
0x53: {  	v4 =	vadd.s32 v1, v4;
	_ =	sdelay $0x3  }
0x54: {  	s14 =	simm.s32 $0x7C00  }
0x55: {  	[tilespmem:s14], [sflag:$0x1] =	stream.indirect_vreg.gather [hbm4b:s2+s3], $0x80, v4, vm0, $0xb8;
	[tilespmem:$0x1CC00] =	vst v63  }
0x56: {  	s15 =	simm.s32 $0x8400;
	v3 =	vperm.xlane v3, v2  }
0x57: {  	[tilespmem:s15], [sflag:$0x1] =	stream.indirect_vreg.gather [hbm4b:s5+s3], $0x80, v4, vm0, $0xb8;
	[tilespmem:$0x1CC00] =	vst v63  }
0x58: {  	v3 =	vadd.s32 v1, v3;
	s14 =	simm.s32 $0x8C00  }
0x59: {  	[tilespmem:s14], [sflag:$0x1] =	stream.indirect_vreg.gather [hbm4b:s6+s3], $0x80, v4, vm0, $0xb8;
	[tilespmem:$0x1CC00] =	vst v63  }
0x5a: {  	s15 =	simm.s32 $0x9400  }
0x5b: {  	[tilespmem:s15], [sflag:$0x1] =	stream.indirect_vreg.gather [hbm4b:s7+s3], $0x80, v4, vm1, $0xb8;
	[tilespmem:$0x1CC00] =	vst v63  }
0x5c: {  	s14 =	simm.s32 $0x9800  }
0x5d: {  	[tilespmem:s14], [sflag:$0x1] =	stream.indirect_vreg.gather [hbm4b:s2+s3], $0x80, v3, vm0, $0xb8;
	[tilespmem:$0x1CC00] =	vst v63  }
0x5e: {  	s15 =	simm.s32 $0xA000  }
0x5f: {  	[tilespmem:s15], [sflag:$0x1] =	stream.indirect_vreg.gather [hbm4b:s5+s3], $0x80, v3, vm0, $0xb8;
	[tilespmem:$0x1CC00] =	vst v63  }
0x60: {  	s14 =	simm.s32 $0xA800  }
0x61: {  	[tilespmem:s14], [sflag:$0x1] =	stream.indirect_vreg.gather [hbm4b:s6+s3], $0x80, v3, vm0, $0xb8;
	[tilespmem:$0x1CC00] =	vst v63  }
0x62: {  	s15 =	simm.s32 $0xB000  }
0x63: {  	[tilespmem:s15], [sflag:$0x1] =	stream.indirect_vreg.gather [hbm4b:s7+s3], $0x80, v3, vm1, $0xb8;
	[tilespmem:$0x1CC00] =	vst v63  }
0x64: {  	v3 =	vld [tilespmem:$0x30];
	_ =	sdelay $0x4  }
0x65: {  	v63 =	vshrl.u32 v3, $0x3  }
0x66: {  	v4 =	vmul.u32 $0x38, v63  }
0x67: {  	v3 =	vand.u32 $0x7, v3  }
0x68: {  	v3 =	vor.u32 v3, v4  }
0x69: {  	v4 =	vperm.xlane v3, v0;
	_ =	sdelay $0x1  }
0x6a: {  	v4 =	vadd.s32 v1, v4;
	_ =	sdelay $0x3  }
0x6b: {  	s14 =	simm.s32 $0xB400  }
0x6c: {  	[tilespmem:s14], [sflag:$0x1] =	stream.indirect_vreg.gather [hbm4b:s2+s3], $0x80, v4, vm0, $0xb8;
	[tilespmem:$0x1CC00] =	vst v63  }
0x6d: {  	s15 =	simm.s32 $0xBC00;
	v3 =	vperm.xlane v3, v2  }
0x6e: {  	[tilespmem:s15], [sflag:$0x1] =	stream.indirect_vreg.gather [hbm4b:s5+s3], $0x80, v4, vm0, $0xb8;
	[tilespmem:$0x1CC00] =	vst v63  }
0x6f: {  	v3 =	vadd.s32 v1, v3;
	s14 =	simm.s32 $0xC400  }
0x70: {  	[tilespmem:s14], [sflag:$0x1] =	stream.indirect_vreg.gather [hbm4b:s6+s3], $0x80, v4, vm0, $0xb8;
	[tilespmem:$0x1CC00] =	vst v63  }
0x71: {  	s15 =	simm.s32 $0xCC00  }
0x72: {  	[tilespmem:s15], [sflag:$0x1] =	stream.indirect_vreg.gather [hbm4b:s7+s3], $0x80, v4, vm1, $0xb8;
	[tilespmem:$0x1CC00] =	vst v63  }
0x73: {  	s14 =	simm.s32 $0xD000  }
0x74: {  	[tilespmem:s14], [sflag:$0x1] =	stream.indirect_vreg.gather [hbm4b:s2+s3], $0x80, v3, vm0, $0xb8;
	[tilespmem:$0x1CC00] =	vst v63  }
0x75: {  	s15 =	simm.s32 $0xD800  }
0x76: {  	[tilespmem:s15], [sflag:$0x1] =	stream.indirect_vreg.gather [hbm4b:s5+s3], $0x80, v3, vm0, $0xb8;
	[tilespmem:$0x1CC00] =	vst v63  }
.Ltmp2:
0x77: {  	_ = 	snop;
	(pc) =	sbr.rel .LBB2_2-.Ltmp2, $4  }
0x78: {  	s14 =	simm.s32 $0xE000  }
0x79: {  	[tilespmem:s14], [sflag:$0x1] =	stream.indirect_vreg.gather [hbm4b:s6+s3], $0x80, v3, vm0, $0xb8;
	[tilespmem:$0x1CC00] =	vst v63  }
0x7a: {  	s13 =	simm.s32 $0xA0;
	s15 =	simm.s32 $0xE800;
	s14 =	simm.s32 $0x0  }
0x7b: {  	[tilespmem:s15], [sflag:$0x1] =	stream.indirect_vreg.gather [hbm4b:s7+s3], $0x80, v3, vm1, $0xb8;
	[tilespmem:$0x1CC00] =	vst v63  }
.LBB2_4:
0x7c: {  	_ =	swait.ge [sflag:s8], $0xE000;
	s15 =	sadd.s32 s14, s9;
	s14 =	sadd.s32 $0x3800, s14  }
0x7d: {  	[sflag:s8] =	ssyncset.done $0x0;
	p0 =	sne.s32 s14, $0x23000  }
.Ltmp3:
0x7e: {  	[sflag:s8] =	ssyncadd.s32 $0xFFFF2000;
	(pc) =	sbr.rel @!p0 .LBB2_5-.Ltmp3, $4  }
0x7f: {  	[hbm4b:s15+s3] =	stream.linear.scatter [tilespmem:s22], [sflag:$0x3], $0xE000, $0x38;
	[tilespmem:$0x1CC00] =	vst v63  }
0x80: {  	_ =	swait.ge [sflag:s11], $0xE000  }
0x81: {  	[sflag:s11] =	ssyncset.done $0x0  }
0x82: {  	s13 =	sadd.s32 $0x100, s13;
	[sflag:s11] =	ssyncadd.s32 $0xFFFF2000  }
.LBB2_2:
0x83: {  	v3 =	vld [tilespmem:s13+$0xFFFFFFE0];
	_ =	sdelay $0x4  }
0x84: {  	v4 =	vshrl.u32 v3, $0x3  }
0x85: {  	v4 =	vmul.u32 $0x38, v4  }
0x86: {  	v3 =	vand.u32 $0x7, v3  }
0x87: {  	v3 =	vor.u32 v3, v4  }
0x88: {  	v4 =	vperm.xlane v3, v0;
	_ =	sdelay $0x1  }
0x89: {  	v4 =	vadd.s32 v1, v4;
	_ =	sdelay $0x4  }
0x8a: {  	[tilespmem:s22], [sflag:$0x2] =	stream.indirect_vreg.gather [hbm4b:s2+s3], $0x80, v4, vm0, $0xb8;
	[tilespmem:$0x1CC00] =	vst v63  }
0x8b: {  	s15 =	simm.s32 $0xF400;
	v3 =	vperm.xlane v3, v2  }
0x8c: {  	[tilespmem:s15], [sflag:$0x2] =	stream.indirect_vreg.gather [hbm4b:s5+s3], $0x80, v4, vm0, $0xb8;
	[tilespmem:$0x1CC00] =	vst v63  }
0x8d: {  	v3 =	vadd.s32 v1, v3;
	s15 =	simm.s32 $0xFC00  }
0x8e: {  	[tilespmem:s15], [sflag:$0x2] =	stream.indirect_vreg.gather [hbm4b:s6+s3], $0x80, v4, vm0, $0xb8;
	[tilespmem:$0x1CC00] =	vst v63  }
0x8f: {  	s15 =	simm.s32 $0x10400  }
0x90: {  	[tilespmem:s15], [sflag:$0x2] =	stream.indirect_vreg.gather [hbm4b:s7+s3], $0x80, v4, vm1, $0xb8;
	[tilespmem:$0x1CC00] =	vst v63  }
0x91: {  	s15 =	simm.s32 $0x10800  }
0x92: {  	[tilespmem:s15], [sflag:$0x2] =	stream.indirect_vreg.gather [hbm4b:s2+s3], $0x80, v3, vm0, $0xb8;
	[tilespmem:$0x1CC00] =	vst v63  }
0x93: {  	s15 =	simm.s32 $0x11000  }
0x94: {  	[tilespmem:s15], [sflag:$0x2] =	stream.indirect_vreg.gather [hbm4b:s5+s3], $0x80, v3, vm0, $0xb8;
	[tilespmem:$0x1CC00] =	vst v63  }
0x95: {  	s15 =	simm.s32 $0x11800  }
0x96: {  	[tilespmem:s15], [sflag:$0x2] =	stream.indirect_vreg.gather [hbm4b:s6+s3], $0x80, v3, vm0, $0xb8;
	[tilespmem:$0x1CC00] =	vst v63  }
0x97: {  	s15 =	simm.s32 $0x12000  }
0x98: {  	[tilespmem:s15], [sflag:$0x2] =	stream.indirect_vreg.gather [hbm4b:s7+s3], $0x80, v3, vm1, $0xb8;
	[tilespmem:$0x1CC00] =	vst v63  }
0x99: {  	v3 =	vld [tilespmem:s13+$0xFFFFFFF0];
	_ =	sdelay $0x4  }
0x9a: {  	v61 =	vshrl.u32 v3, $0x3  }
0x9b: {  	v4 =	vmul.u32 $0x38, v61  }
0x9c: {  	v3 =	vand.u32 $0x7, v3  }
0x9d: {  	v3 =	vor.u32 v3, v4  }
0x9e: {  	v4 =	vperm.xlane v3, v0;
	_ =	sdelay $0x1  }
0x9f: {  	v4 =	vadd.s32 v1, v4;
	_ =	sdelay $0x3  }
0xa0: {  	s15 =	simm.s32 $0x12400  }
0xa1: {  	[tilespmem:s15], [sflag:$0x2] =	stream.indirect_vreg.gather [hbm4b:s2+s3], $0x80, v4, vm0, $0xb8;
	[tilespmem:$0x1CC00] =	vst v63  }
0xa2: {  	v3 =	vperm.xlane v3, v2;
	s15 =	simm.s32 $0x12C00  }
0xa3: {  	[tilespmem:s15], [sflag:$0x2] =	stream.indirect_vreg.gather [hbm4b:s5+s3], $0x80, v4, vm0, $0xb8;
	[tilespmem:$0x1CC00] =	vst v63  }
0xa4: {  	v3 =	vadd.s32 v1, v3;
	s15 =	simm.s32 $0x13400  }
0xa5: {  	[tilespmem:s15], [sflag:$0x2] =	stream.indirect_vreg.gather [hbm4b:s6+s3], $0x80, v4, vm0, $0xb8;
	[tilespmem:$0x1CC00] =	vst v63  }
0xa6: {  	s15 =	simm.s32 $0x13C00  }
0xa7: {  	[tilespmem:s15], [sflag:$0x2] =	stream.indirect_vreg.gather [hbm4b:s7+s3], $0x80, v4, vm1, $0xb8;
	[tilespmem:$0x1CC00] =	vst v63  }
0xa8: {  	s15 =	simm.s32 $0x14000  }
0xa9: {  	[tilespmem:s15], [sflag:$0x2] =	stream.indirect_vreg.gather [hbm4b:s2+s3], $0x80, v3, vm0, $0xb8;
	[tilespmem:$0x1CC00] =	vst v63  }
0xaa: {  	s15 =	simm.s32 $0x14800  }
0xab: {  	[tilespmem:s15], [sflag:$0x2] =	stream.indirect_vreg.gather [hbm4b:s5+s3], $0x80, v3, vm0, $0xb8;
	[tilespmem:$0x1CC00] =	vst v63  }
0xac: {  	s15 =	simm.s32 $0x15000  }
0xad: {  	[tilespmem:s15], [sflag:$0x2] =	stream.indirect_vreg.gather [hbm4b:s6+s3], $0x80, v3, vm0, $0xb8;
	[tilespmem:$0x1CC00] =	vst v63  }
0xae: {  	s15 =	simm.s32 $0x15800  }
0xaf: {  	[tilespmem:s15], [sflag:$0x2] =	stream.indirect_vreg.gather [hbm4b:s7+s3], $0x80, v3, vm1, $0xb8;
	[tilespmem:$0x1CC00] =	vst v63  }
0xb0: {  	v3 =	vld [tilespmem:s13+$0x0];
	_ =	sdelay $0x4  }
0xb1: {  	v62 =	vshrl.u32 v3, $0x3  }
0xb2: {  	v4 =	vmul.u32 $0x38, v62  }
0xb3: {  	v3 =	vand.u32 $0x7, v3  }
0xb4: {  	v3 =	vor.u32 v3, v4  }
0xb5: {  	v4 =	vperm.xlane v3, v0;
	_ =	sdelay $0x1  }
0xb6: {  	v4 =	vadd.s32 v1, v4;
	_ =	sdelay $0x4  }
0xb7: {  	[tilespmem:s16], [sflag:$0x2] =	stream.indirect_vreg.gather [hbm4b:s2+s3], $0x80, v4, vm0, $0xb8;
	[tilespmem:$0x1CC00] =	vst v63  }
0xb8: {  	v3 =	vperm.xlane v3, v2  }
0xb9: {  	[tilespmem:s17], [sflag:$0x2] =	stream.indirect_vreg.gather [hbm4b:s5+s3], $0x80, v4, vm0, $0xb8;
	[tilespmem:$0x1CC00] =	vst v63  }
0xba: {  	v3 =	vadd.s32 v1, v3  }
0xbb: {  	[tilespmem:s18], [sflag:$0x2] =	stream.indirect_vreg.gather [hbm4b:s6+s3], $0x80, v4, vm0, $0xb8;
	[tilespmem:$0x1CC00] =	vst v63  }
0xbc: {  	_ = 	snop  }
0xbd: {  	[tilespmem:s19], [sflag:$0x2] =	stream.indirect_vreg.gather [hbm4b:s7+s3], $0x80, v4, vm1, $0xb8;
	[tilespmem:$0x1CC00] =	vst v63  }
0xbe: {  	_ = 	snop  }
0xbf: {  	[tilespmem:s20], [sflag:$0x2] =	stream.indirect_vreg.gather [hbm4b:s2+s3], $0x80, v3, vm0, $0xb8;
	[tilespmem:$0x1CC00] =	vst v63  }
0xc0: {  	_ = 	snop  }
0xc1: {  	[tilespmem:s21], [sflag:$0x2] =	stream.indirect_vreg.gather [hbm4b:s5+s3], $0x80, v3, vm0, $0xb8;
	[tilespmem:$0x1CC00] =	vst v63  }
0xc2: {  	_ = 	snop  }
0xc3: {  	[tilespmem:s23], [sflag:$0x2] =	stream.indirect_vreg.gather [hbm4b:s6+s3], $0x80, v3, vm0, $0xb8;
	[tilespmem:$0x1CC00] =	vst v63  }
0xc4: {  	_ = 	snop  }
0xc5: {  	[tilespmem:s24], [sflag:$0x2] =	stream.indirect_vreg.gather [hbm4b:s7+s3], $0x80, v3, vm1, $0xb8;
	[tilespmem:$0x1CC00] =	vst v63  }
0xc6: {  	v3 =	vld [tilespmem:s13+$0x10];
	_ =	sdelay $0x4  }
0xc7: {  	v63 =	vshrl.u32 v3, $0x3  }
0xc8: {  	v4 =	vmul.u32 $0x38, v63  }
0xc9: {  	v3 =	vand.u32 $0x7, v3  }
0xca: {  	v3 =	vor.u32 v3, v4  }
0xcb: {  	v4 =	vperm.xlane v3, v0;
	_ =	sdelay $0x1  }
0xcc: {  	v4 =	vadd.s32 v1, v4;
	_ =	sdelay $0x4  }
0xcd: {  	[tilespmem:s25], [sflag:$0x2] =	stream.indirect_vreg.gather [hbm4b:s2+s3], $0x80, v4, vm0, $0xb8;
	[tilespmem:$0x1CC00] =	vst v63  }
0xce: {  	v3 =	vperm.xlane v3, v2  }
0xcf: {  	[tilespmem:s26], [sflag:$0x2] =	stream.indirect_vreg.gather [hbm4b:s5+s3], $0x80, v4, vm0, $0xb8;
	[tilespmem:$0x1CC00] =	vst v63  }
0xd0: {  	v3 =	vadd.s32 v1, v3  }
0xd1: {  	[tilespmem:s28], [sflag:$0x2] =	stream.indirect_vreg.gather [hbm4b:s6+s3], $0x80, v4, vm0, $0xb8;
	[tilespmem:$0x1CC00] =	vst v63  }
0xd2: {  	_ = 	snop  }
0xd3: {  	[tilespmem:s29], [sflag:$0x2] =	stream.indirect_vreg.gather [hbm4b:s7+s3], $0x80, v4, vm1, $0xb8;
	[tilespmem:$0x1CC00] =	vst v63  }
0xd4: {  	_ = 	snop  }
0xd5: {  	[tilespmem:s30], [sflag:$0x2] =	stream.indirect_vreg.gather [hbm4b:s2+s3], $0x80, v3, vm0, $0xb8;
	[tilespmem:$0x1CC00] =	vst v63  }
0xd6: {  	_ = 	snop  }
0xd7: {  	[tilespmem:s31], [sflag:$0x2] =	stream.indirect_vreg.gather [hbm4b:s5+s3], $0x80, v3, vm0, $0xb8;
	[tilespmem:$0x1CC00] =	vst v63  }
0xd8: {  	_ = 	snop  }
0xd9: {  	[tilespmem:s0], [sflag:$0x2] =	stream.indirect_vreg.gather [hbm4b:s6+s3], $0x80, v3, vm0, $0xb8;
	[tilespmem:$0x1CC00] =	vst v63  }
0xda: {  	_ = 	snop  }
0xdb: {  	[tilespmem:s1], [sflag:$0x2] =	stream.indirect_vreg.gather [hbm4b:s7+s3], $0x80, v3, vm1, $0xb8;
	[tilespmem:$0x1CC00] =	vst v63  }
0xdc: {  	_ =	swait.ge [sflag:s4], $0xE000  }
0xdd: {  	p0 =	seq.s32 s14, $0x1F800;
	[sflag:s4] =	ssyncset.done $0x0  }
.Ltmp4:
0xde: {  	s15 =	sadd.s32 s14, s10;
	[sflag:s4] =	ssyncadd.s32 $0xFFFF2000;
	(pc) =	sbr.rel @p0 .LBB2_4-.Ltmp4, $4  }
0xdf: {  	[hbm4b:s15+s3] =	stream.linear.scatter [tilespmem:s12], [sflag:$0x3], $0xE000, $0x38;
	[tilespmem:$0x1CC00] =	vst v63  }
0xe0: {  	_ =	swait.ge [sflag:s11], $0xE000  }
0xe1: {  	[sflag:s11] =	ssyncset.done $0x0  }
0xe2: {  	[sflag:s11] =	ssyncadd.s32 $0xFFFF2000  }
0xe3: {  	v3 =	vld [tilespmem:s13+$0x60];
	_ =	sdelay $0x4  }
0xe4: {  	v4 =	vshrl.u32 v3, $0x3  }
0xe5: {  	v4 =	vmul.u32 $0x38, v4  }
0xe6: {  	v3 =	vand.u32 $0x7, v3  }
0xe7: {  	v3 =	vor.u32 v3, v4  }
0xe8: {  	v4 =	vperm.xlane v3, v0;
	_ =	sdelay $0x1  }
0xe9: {  	v4 =	vadd.s32 v1, v4;
	_ =	sdelay $0x4  }
0xea: {  	[tilespmem:s12], [sflag:$0x1] =	stream.indirect_vreg.gather [hbm4b:s2+s3], $0x80, v4, vm0, $0xb8;
	[tilespmem:$0x1CC00] =	vst v63  }
0xeb: {  	s15 =	simm.s32 $0x1400;
	v3 =	vperm.xlane v3, v2  }
0xec: {  	[tilespmem:s15], [sflag:$0x1] =	stream.indirect_vreg.gather [hbm4b:s5+s3], $0x80, v4, vm0, $0xb8;
	[tilespmem:$0x1CC00] =	vst v63  }
0xed: {  	v3 =	vadd.s32 v1, v3;
	s15 =	simm.s32 $0x1C00  }
0xee: {  	[tilespmem:s15], [sflag:$0x1] =	stream.indirect_vreg.gather [hbm4b:s6+s3], $0x80, v4, vm0, $0xb8;
	[tilespmem:$0x1CC00] =	vst v63  }
0xef: {  	s15 =	simm.s32 $0x2400  }
0xf0: {  	[tilespmem:s15], [sflag:$0x1] =	stream.indirect_vreg.gather [hbm4b:s7+s3], $0x80, v4, vm1, $0xb8;
	[tilespmem:$0x1CC00] =	vst v63  }
0xf1: {  	s15 =	simm.s32 $0x2800  }
0xf2: {  	[tilespmem:s15], [sflag:$0x1] =	stream.indirect_vreg.gather [hbm4b:s2+s3], $0x80, v3, vm0, $0xb8;
	[tilespmem:$0x1CC00] =	vst v63  }
0xf3: {  	s15 =	simm.s32 $0x3000  }
0xf4: {  	[tilespmem:s15], [sflag:$0x1] =	stream.indirect_vreg.gather [hbm4b:s5+s3], $0x80, v3, vm0, $0xb8;
	[tilespmem:$0x1CC00] =	vst v63  }
0xf5: {  	s15 =	simm.s32 $0x3800  }
0xf6: {  	[tilespmem:s15], [sflag:$0x1] =	stream.indirect_vreg.gather [hbm4b:s6+s3], $0x80, v3, vm0, $0xb8;
	[tilespmem:$0x1CC00] =	vst v63  }
0xf7: {  	s15 =	simm.s32 $0x4000  }
0xf8: {  	[tilespmem:s15], [sflag:$0x1] =	stream.indirect_vreg.gather [hbm4b:s7+s3], $0x80, v3, vm1, $0xb8;
	[tilespmem:$0x1CC00] =	vst v63  }
0xf9: {  	v3 =	vld [tilespmem:s13+$0x70];
	_ =	sdelay $0x4  }
0xfa: {  	v61 =	vshrl.u32 v3, $0x3  }
0xfb: {  	v4 =	vmul.u32 $0x38, v61  }
0xfc: {  	v3 =	vand.u32 $0x7, v3  }
0xfd: {  	v3 =	vor.u32 v3, v4  }
0xfe: {  	v4 =	vperm.xlane v3, v0;
	_ =	sdelay $0x1  }
0xff: {  	v4 =	vadd.s32 v1, v4;
	_ =	sdelay $0x3  }
0x100: {  	s15 =	simm.s32 $0x4400  }
0x101: {  	[tilespmem:s15], [sflag:$0x1] =	stream.indirect_vreg.gather [hbm4b:s2+s3], $0x80, v4, vm0, $0xb8;
	[tilespmem:$0x1CC00] =	vst v63  }
0x102: {  	v3 =	vperm.xlane v3, v2;
	s15 =	simm.s32 $0x4C00  }
0x103: {  	[tilespmem:s15], [sflag:$0x1] =	stream.indirect_vreg.gather [hbm4b:s5+s3], $0x80, v4, vm0, $0xb8;
	[tilespmem:$0x1CC00] =	vst v63  }
0x104: {  	v3 =	vadd.s32 v1, v3;
	s15 =	simm.s32 $0x5400  }
0x105: {  	[tilespmem:s15], [sflag:$0x1] =	stream.indirect_vreg.gather [hbm4b:s6+s3], $0x80, v4, vm0, $0xb8;
	[tilespmem:$0x1CC00] =	vst v63  }
0x106: {  	s15 =	simm.s32 $0x5C00  }
0x107: {  	[tilespmem:s15], [sflag:$0x1] =	stream.indirect_vreg.gather [hbm4b:s7+s3], $0x80, v4, vm1, $0xb8;
	[tilespmem:$0x1CC00] =	vst v63  }
0x108: {  	s15 =	simm.s32 $0x6000  }
0x109: {  	[tilespmem:s15], [sflag:$0x1] =	stream.indirect_vreg.gather [hbm4b:s2+s3], $0x80, v3, vm0, $0xb8;
	[tilespmem:$0x1CC00] =	vst v63  }
0x10a: {  	s15 =	simm.s32 $0x6800  }
0x10b: {  	[tilespmem:s15], [sflag:$0x1] =	stream.indirect_vreg.gather [hbm4b:s5+s3], $0x80, v3, vm0, $0xb8;
	[tilespmem:$0x1CC00] =	vst v63  }
0x10c: {  	s15 =	simm.s32 $0x7000  }
0x10d: {  	[tilespmem:s15], [sflag:$0x1] =	stream.indirect_vreg.gather [hbm4b:s6+s3], $0x80, v3, vm0, $0xb8;
	[tilespmem:$0x1CC00] =	vst v63  }
0x10e: {  	s15 =	simm.s32 $0x7800  }
0x10f: {  	[tilespmem:s15], [sflag:$0x1] =	stream.indirect_vreg.gather [hbm4b:s7+s3], $0x80, v3, vm1, $0xb8;
	[tilespmem:$0x1CC00] =	vst v63  }
0x110: {  	v3 =	vld [tilespmem:s13+$0x80];
	_ =	sdelay $0x4  }
0x111: {  	v62 =	vshrl.u32 v3, $0x3  }
0x112: {  	v4 =	vmul.u32 $0x38, v62  }
0x113: {  	v3 =	vand.u32 $0x7, v3  }
0x114: {  	v3 =	vor.u32 v3, v4  }
0x115: {  	v4 =	vperm.xlane v3, v0;
	_ =	sdelay $0x1  }
0x116: {  	v4 =	vadd.s32 v1, v4;
	_ =	sdelay $0x3  }
0x117: {  	s15 =	simm.s32 $0x7C00  }
0x118: {  	[tilespmem:s15], [sflag:$0x1] =	stream.indirect_vreg.gather [hbm4b:s2+s3], $0x80, v4, vm0, $0xb8;
	[tilespmem:$0x1CC00] =	vst v63  }
0x119: {  	v3 =	vperm.xlane v3, v2;
	s15 =	simm.s32 $0x8400  }
0x11a: {  	[tilespmem:s15], [sflag:$0x1] =	stream.indirect_vreg.gather [hbm4b:s5+s3], $0x80, v4, vm0, $0xb8;
	[tilespmem:$0x1CC00] =	vst v63  }
0x11b: {  	v3 =	vadd.s32 v1, v3;
	s15 =	simm.s32 $0x8C00  }
0x11c: {  	[tilespmem:s15], [sflag:$0x1] =	stream.indirect_vreg.gather [hbm4b:s6+s3], $0x80, v4, vm0, $0xb8;
	[tilespmem:$0x1CC00] =	vst v63  }
0x11d: {  	s15 =	simm.s32 $0x9400  }
0x11e: {  	[tilespmem:s15], [sflag:$0x1] =	stream.indirect_vreg.gather [hbm4b:s7+s3], $0x80, v4, vm1, $0xb8;
	[tilespmem:$0x1CC00] =	vst v63  }
0x11f: {  	s15 =	simm.s32 $0x9800  }
0x120: {  	[tilespmem:s15], [sflag:$0x1] =	stream.indirect_vreg.gather [hbm4b:s2+s3], $0x80, v3, vm0, $0xb8;
	[tilespmem:$0x1CC00] =	vst v63  }
0x121: {  	s15 =	simm.s32 $0xA000  }
0x122: {  	[tilespmem:s15], [sflag:$0x1] =	stream.indirect_vreg.gather [hbm4b:s5+s3], $0x80, v3, vm0, $0xb8;
	[tilespmem:$0x1CC00] =	vst v63  }
0x123: {  	s15 =	simm.s32 $0xA800  }
0x124: {  	[tilespmem:s15], [sflag:$0x1] =	stream.indirect_vreg.gather [hbm4b:s6+s3], $0x80, v3, vm0, $0xb8;
	[tilespmem:$0x1CC00] =	vst v63  }
0x125: {  	s15 =	simm.s32 $0xB000  }
0x126: {  	[tilespmem:s15], [sflag:$0x1] =	stream.indirect_vreg.gather [hbm4b:s7+s3], $0x80, v3, vm1, $0xb8;
	[tilespmem:$0x1CC00] =	vst v63  }
0x127: {  	v3 =	vld [tilespmem:s13+$0x90];
	_ =	sdelay $0x4  }
0x128: {  	v63 =	vshrl.u32 v3, $0x3  }
0x129: {  	v4 =	vmul.u32 $0x38, v63  }
0x12a: {  	v3 =	vand.u32 $0x7, v3  }
0x12b: {  	v3 =	vor.u32 v3, v4  }
0x12c: {  	v4 =	vperm.xlane v3, v0;
	_ =	sdelay $0x1  }
0x12d: {  	v4 =	vadd.s32 v1, v4;
	_ =	sdelay $0x3  }
0x12e: {  	s15 =	simm.s32 $0xB400  }
0x12f: {  	[tilespmem:s15], [sflag:$0x1] =	stream.indirect_vreg.gather [hbm4b:s2+s3], $0x80, v4, vm0, $0xb8;
	[tilespmem:$0x1CC00] =	vst v63  }
0x130: {  	v3 =	vperm.xlane v3, v2;
	s15 =	simm.s32 $0xBC00  }
0x131: {  	[tilespmem:s15], [sflag:$0x1] =	stream.indirect_vreg.gather [hbm4b:s5+s3], $0x80, v4, vm0, $0xb8;
	[tilespmem:$0x1CC00] =	vst v63  }
0x132: {  	v3 =	vadd.s32 v1, v3;
	s15 =	simm.s32 $0xC400  }
0x133: {  	[tilespmem:s15], [sflag:$0x1] =	stream.indirect_vreg.gather [hbm4b:s6+s3], $0x80, v4, vm0, $0xb8;
	[tilespmem:$0x1CC00] =	vst v63  }
0x134: {  	s15 =	simm.s32 $0xCC00  }
0x135: {  	[tilespmem:s15], [sflag:$0x1] =	stream.indirect_vreg.gather [hbm4b:s7+s3], $0x80, v4, vm1, $0xb8;
	[tilespmem:$0x1CC00] =	vst v63  }
0x136: {  	s15 =	simm.s32 $0xD000  }
0x137: {  	[tilespmem:s15], [sflag:$0x1] =	stream.indirect_vreg.gather [hbm4b:s2+s3], $0x80, v3, vm0, $0xb8;
	[tilespmem:$0x1CC00] =	vst v63  }
0x138: {  	s15 =	simm.s32 $0xD800  }
0x139: {  	[tilespmem:s15], [sflag:$0x1] =	stream.indirect_vreg.gather [hbm4b:s5+s3], $0x80, v3, vm0, $0xb8;
	[tilespmem:$0x1CC00] =	vst v63  }
.Ltmp5:
0x13a: {  	_ = 	snop;
	(pc) =	sbr.rel .LBB2_4-.Ltmp5, $4  }
0x13b: {  	s15 =	simm.s32 $0xE000  }
0x13c: {  	[tilespmem:s15], [sflag:$0x1] =	stream.indirect_vreg.gather [hbm4b:s6+s3], $0x80, v3, vm0, $0xb8;
	[tilespmem:$0x1CC00] =	vst v63  }
0x13d: {  	s15 =	simm.s32 $0xE800  }
0x13e: {  	[tilespmem:s15], [sflag:$0x1] =	stream.indirect_vreg.gather [hbm4b:s7+s3], $0x80, v3, vm1, $0xb8;
	[tilespmem:$0x1CC00] =	vst v63  }
.LBB2_6:
0x13f: {  	_ =	sfence.sel $0x180000  }
0x140: {  	[bflag:$0x0] =	sbarrier.arrive $0xFFFF  }
0x141: {  	_ =	strace $0x9000004A  }
0x142: {  	s0 =	stileid.u32;
	[bflag:$0x2] =	sbarrier.arrive $0xFFFF  }
0x143: {  	p0 =	sne.s32 s0, $0x0;
	s0 =	rddreg [dreg:$0x2]  }
0x144: {  	s0 =	sadd.s32 @!p0 $0x100000, s0  }
0x145: {  	[sflag:s0] =	ssyncadd.tile.s32 @!p0 $0x1;
	_ =	shalt  }
.Lfunc_end2:
_tile_overlayer_lowered:
.L_overlay_start_2:
0x146: {  	(tag) =	ssettag $0x2  }
0x147: {  	s0 =	rddreg [dreg:$0x0];
	s2 =	stileid.u32  }
0x148: {  	s1 =	rddreg [dreg:$0x1];
	p0 =	sne.s32 s2, $0x0  }
0x149: {  	s3 =	rddreg [dreg:$0x2];
	[bflag:$0x3] =	sbarrier.arrive $0xFFFF;
	s2 =	simm.s32 @!p0 $0x1C03  }
0x14a: {  	[timem:s3], [sflag:s2] =	dma.local @!p0 [hbm:s0], s1  }
0x14b: {  	s0 =	simm.s32 @!p0 $0x3  }
0x14c: {  	_ =	swait.ge @!p0 [sflag:s0], s1  }
0x14d: {  	s1 =	ssub.s32 @!p0 $0x0, s1;
	[sflag:s0] =	ssyncset.done @!p0 $0x0  }
0x14e: {  	[sflag:s0] =	ssyncadd.s32 @!p0 s1  }
0x14f: {  	[bflag:$0x3] =	sbarrier.arrive $0xFFFF  }
0x150: {  	_ =	shalt  }

// kernel: kernel.16.cloned.1.call-start
scs
__scs_entry_jumppad:
0x0: {  	(pc) =	sbr.rel $0x88, $3  }
0x1: {  	(tag) =	ssettag $0x0;
	lr =	simm.s32 $0x1  }
0x2: {  	[smem:$0x3F9D] =	sst lr;
	_ =	strace $0xD0000000  }
0x3: {  	_ = 	snop  }
0x4: {  	_ = 	snop  }
0x5: {  	_ = 	snop  }
0x6: {  	_ = 	snop  }
0x7: {  	_ = 	snop  }
__scs_overlays_trampoline_lowered:
0x8: {  	[smem:$0x3FAC] =	sst s0  }
0x9: {  	[smem:$0x3FAD] =	sst s1  }
0xa: {  	[smem:$0x3FAE] =	sst s2  }
0xb: {  	[smem:$0x3FAF] =	sst s3  }
0xc: {  	[smem:$0x3FB0] =	sst s4  }
0xd: {  	[smem:$0x3FB1] =	sst s5  }
0xe: {  	[smem:$0x3FB2] =	sst s6  }
0xf: {  	[smem:$0x3FB3] =	sst s7  }
0x10: {  	[smem:$0x3FB4] =	sst s8  }
0x11: {  	[smem:$0x3FB5] =	sst s9;
	s0 =	simm.s32 @!p0 $0x0  }
0x12: {  	s1 =	sld [smem:$0x3F9B];
	s0 =	simm.s32 @p0 $0x1  }
0x13: {  	[smem:$0x3FB6] =	sst s0;
	s0 =	simm.s32 @!p1 $0x0  }
0x14: {  	s2 =	sld [smem:$0x3F9A];
	s0 =	simm.s32 @p1 $0x1  }
0x15: {  	[smem:$0x3FB7] =	sst s0;
	s0 =	simm.s32 @!p2 $0x0  }
0x16: {  	s3 =	sld [smem:$0x3FDB];
	s0 =	simm.s32 @p2 $0x1  }
0x17: {  	s4 =	simm.s32 $0x1BF5;
	[smem:$0x3FB9] =	sst s0  }
0x18: {  	s0 =	sld [smem:$0x3F9C];
	_ =	swait.ge [sflag:s4], $0x0  }
0x19: {  	s7 =	sld [smem:$0x3F9D]  }
0x1a: {  	s8 =	sadd.s32 $0xFFFFE003, lr  }
0x1b: {  	s9 =	sadd.s32 $0xFFFFFEF7, lr;
	s5 =	simm.s32 $0xFFFFFFFF;
	p2 =	slt.u32 s8, $0xFFFFF086  }
0x1c: {  	p1 =	slt.u32 s9, $0xF7A;
	s5 =	simm.s32 @!p2 $0x0  }
0x1d: {  	s5 =	simm.s32 @p1 $0x1;
	p0 =	seq.s32 s7, s2  }
0x1e: {  	s7 =	smul.u32 @!p0 $0xF7A, s2;
	p2 =	seq.s32 @!p0 s5, $0x0  }
0x1f: {  	s9 =	smul.u32 $0xF7A, s1;
	s8 =	simm.s32 @!p0 $0x1BF5;
	p2 =	por !p2, p0  }
0x20: {  	[sflag:s8] =	ssyncset.s32 @!p0 $0xFFFFF086;
	s6 =	sadd.s32 @!p0 s3, s7;
	s7 =	simm.s32 @!p0 $0x108  }
0x21: {  	s3 =	sadd.s32 s3, s9;
	s6 =	sadd.s32 @!p0 $0x88, s6;
	s7 =	simm.s32 @p2 $0x1082  }
0x22: {  	[simem:s7], [sflag:s8] =	dma.local @!p0 [hbm:s6], $0xF7A  }
0x23: {  	s9 =	sor.u32 $0xD0000000, s2;
	s6 =	simm.s32 $0x108;
	_ =	swait.ge @!p0 [sflag:s8], $0x0  }
0x24: {  	s3 =	sadd.s32 $0x88, s3;
	s6 =	simm.s32 @!p1 $0x1082;
	[sflag:s4] =	ssyncset.s32 $0xFFFFF086  }
0x25: {  	[simem:s6], [sflag:s4] =	dma.local [hbm:s3], $0xF7A  }
0x26: {  	[smem:$0x3F9D] =	sst s1;
	(tag) =	ssettag s2;
	_ =	strace s9  }
0x27: {  	s1 =	sld [smem:$0x3FAD]  }
0x28: {  	s2 =	sld [smem:$0x3FAE]  }
0x29: {  	s4 =	sld [smem:$0x3FB0]  }
0x2a: {  	p0 =	seq.s32 s5, $0x0;
	s5 =	sld [smem:$0x3FB1]  }
0x2b: {  	s6 =	sld [smem:$0x3FB2]  }
0x2c: {  	s7 =	sld [smem:$0x3FB3]  }
0x2d: {  	s3 =	simm.s32 $0x108;
	s8 =	sld [smem:$0x3FB4]  }
0x2e: {  	s3 =	simm.s32 @!p0 $0x1082;
	s9 =	sld [smem:$0x3FB5]  }
0x2f: {  	lr =	sadd.s32 s0, s3;
	s0 =	sld [smem:$0x3FAC]  }
0x30: {  	s3 =	sld [smem:$0x3FAF]  }
0x31: {  	[smem:$0x3FB8] =	sst s10  }
0x32: {  	s10 =	sld [smem:$0x3FB6];
	_ =	sdelay $0x3  }
0x33: {  	p0 =	seq.s32 s10, $0x1;
	s10 =	sld [smem:$0x3FB8];
	_ =	sdelay $0x3  }
0x34: {  	[smem:$0x3FB8] =	sst s10  }
0x35: {  	s10 =	sld [smem:$0x3FB7];
	_ =	sdelay $0x3  }
0x36: {  	p1 =	seq.s32 s10, $0x1;
	s10 =	sld [smem:$0x3FB8];
	_ =	sdelay $0x3  }
0x37: {  	[smem:$0x3FB8] =	sst s10  }
0x38: {  	s10 =	sld [smem:$0x3FB9]  }
0x39: {  	_ = 	snop;
	(pc) =	sbr.ind lr, $3  }
0x3a: {  	_ = 	snop  }
0x3b: {  	_ = 	snop  }
0x3c: {  	p2 =	seq.s32 s10, $0x1;
	s10 =	sld [smem:$0x3FB8]  }
0x3d: {  	_ =	shalt  }
0x3e: {  	_ =	shalt  }
0x3f: {  	_ =	shalt  }
0x40: {  	_ =	shalt  }
0x41: {  	_ =	shalt  }
0x42: {  	_ =	shalt  }
0x43: {  	_ =	shalt  }
0x44: {  	_ =	shalt  }
0x45: {  	_ =	shalt  }
0x46: {  	_ =	shalt  }
0x47: {  	_ =	shalt  }
0x48: {  	_ =	shalt  }
0x49: {  	_ =	shalt  }
0x4a: {  	_ =	shalt  }
0x4b: {  	_ =	shalt  }
0x4c: {  	_ =	shalt  }
0x4d: {  	_ =	shalt  }
0x4e: {  	_ =	shalt  }
0x4f: {  	_ =	shalt  }
0x50: {  	_ =	shalt  }
0x51: {  	_ =	shalt  }
0x52: {  	_ =	shalt  }
0x53: {  	_ =	shalt  }
0x54: {  	_ =	shalt  }
0x55: {  	_ =	shalt  }
0x56: {  	_ =	shalt  }
0x57: {  	_ =	shalt  }
0x58: {  	_ =	shalt  }
0x59: {  	_ =	shalt  }
0x5a: {  	_ =	shalt  }
0x5b: {  	_ =	shalt  }
0x5c: {  	_ =	shalt  }
0x5d: {  	_ =	shalt  }
0x5e: {  	_ =	shalt  }
0x5f: {  	_ =	shalt  }
0x60: {  	_ =	shalt  }
0x61: {  	_ =	shalt  }
0x62: {  	_ =	shalt  }
0x63: {  	_ =	shalt  }
0x64: {  	_ =	shalt  }
0x65: {  	_ =	shalt  }
0x66: {  	_ =	shalt  }
0x67: {  	_ =	shalt  }
0x68: {  	_ =	shalt  }
0x69: {  	_ =	shalt  }
0x6a: {  	_ =	shalt  }
0x6b: {  	_ =	shalt  }
0x6c: {  	_ =	shalt  }
0x6d: {  	_ =	shalt  }
0x6e: {  	_ =	shalt  }
0x6f: {  	_ =	shalt  }
0x70: {  	_ =	shalt  }
0x71: {  	_ =	shalt  }
0x72: {  	_ =	shalt  }
0x73: {  	_ =	shalt  }
0x74: {  	_ =	shalt  }
0x75: {  	_ =	shalt  }
0x76: {  	_ =	shalt  }
0x77: {  	_ =	shalt  }
0x78: {  	_ =	shalt  }
0x79: {  	_ =	shalt  }
0x7a: {  	_ =	shalt  }
0x7b: {  	_ =	shalt  }
0x7c: {  	_ =	shalt  }
0x7d: {  	_ =	shalt  }
0x7e: {  	_ =	shalt  }
0x7f: {  	_ =	shalt  }
0x80: {  	_ =	shalt  }
0x81: {  	_ =	shalt  }
0x82: {  	_ =	shalt  }
0x83: {  	_ =	shalt  }
0x84: {  	_ =	shalt  }
0x85: {  	_ =	shalt  }
0x86: {  	_ =	shalt  }
0x87: {  	_ =	shalt  }
.Lfunc_end0:
.L_simem_size_0:
called_computation.2_lowered:
.L_overlay_start_0:
0x88: {  	s2 =	sld [smem:$0x3FD9]  }
0x89: {  	s3 =	sld [smem:$0x3FFE];
	_ =	sdelay $0x1  }
0x8a: {  	s1 =	srdreg.scid  }
0x8b: {  	s0 =	sand.u32 $0x1, s1  }
0x8c: {  	s17 =	sshll.u32 s0, $0xA;
	s2 =	sadd.s32 s3, s2  }
0x8d: {  	s2 =	sadd.s32 s2, s17  }
0x8e: {  	[smem:$0x3FC4] =	sst s2  }
0x8f: {  	_ = 	snop  }
0x90: {  	s18 =	sld [smem:$0x3FC8];
	(tm) =	ssettm $0x1  }
0x91: {  	s19 =	sld [smem:$0x3FFB];
	_ =	sdelay $0x3  }
0x92: {  	_ =	strace s19  }
0x93: {  	s2 =	sld [smem:$0x3FFC];
	_ =	sdelay $0x3  }
0x94: {  	_ =	strace s2  }
0x95: {  	s2 =	sld [smem:$0x3FFD];
	_ =	sdelay $0x3  }
0x96: {  	_ =	strace s2  }
0x97: {  	_ =	strace $0x8FFFFFFF  }
0x98: {  	s20 =	sld [smem:$0x3FDB];
	_ =	sdelay $0x1  }
0x99: {  	s4 =	simm.s32 $_scs_section_size  }
0x9a: {  	s5 =	simm.s32 $_size__tile_overlayer_lowered;
	s6 =	simm.s32 $_tile_overlayer_lowered  }
0x9b: {  	s7 =	simm.s32 $0x1BFF;
	s21 =	sshll.u32 s6, $0x1;
	s4 =	sadd.s32 s4, s20  }
0x9c: {  	s22 =	simm.s32 $0x0;
	s5 =	sshll.u32 s5, $0x1;
	s6 =	sadd.s32 s21, s4  }
0x9d: {  	[timem:s22], [sflag:s7] =	dma.local [hbm:s6], s5  }
0x9e: {  	_ =	swait.ge [sflag:s7], s5  }
0x9f: {  	s5 =	ssub.s32 $0x0, s5;
	[sflag:s7] =	ssyncset.done $0x0  }
0xa0: {  	[sflag:s7] =	ssyncadd.s32 s5;
	_ =	sdelay $0x1  }
0xa1: {  	s23 =	simm.s32 $0x1B8B  }
0xa2: {  	_ =	swait.ge [sflag:s23], $0x1  }
0xa3: {  	[sflag:s23] =	ssyncset.done $0x0  }
0xa4: {  	[sflag:s23] =	ssyncadd.s32 $0xFFFFFFFF  }
0xa5: {  	s5 =	sld [smem:$0x0]  }
0xa6: {  	s6 =	sand.u32 $0xFFFFFFFE, s1  }
0xa7: {  	p0 =	sne.s32 s1, s6  }
0xa8: {  	s6 =	sshll.u32 @p0 s6, $0xE  }
0xa9: {  	s6 =	sadd.s32 @p0 $0x11B8D, s6;
	s7 =	sshll.u32 @p0 s5, $0x11  }
0xaa: {  	s6 =	sor.u32 @p0 s7, s6  }
0xab: {  	[sflag:s6] =	ssyncadd.remote.s32 @p0 $0x1;
	_ =	sdelay $0x1  }
0xac: {  	s6 =	simm.s32 @p0 $0x1B8D  }
0xad: {  	_ =	swait.eq @p0 [sflag:s6], $0x1  }
0xae: {  	[sflag:s6] =	ssyncadd.s32 @p0 $0xFFFFFFFF  }
0xaf: {  	s7 =	sshll.u32 @!p0 s1, $0xE  }
0xb0: {  	s7 =	sor.u32 @!p0 $0x4000, s7;
	s6 =	simm.s32 @!p0 $0x1B8D  }
0xb1: {  	s5 =	sshll.u32 @!p0 s5, $0x11;
	s7 =	sadd.s32 @!p0 $0x11B8D, s7;
	_ =	swait.eq @!p0 [sflag:s6], $0x1  }
0xb2: {  	s5 =	sor.u32 @!p0 s5, s7;
	[sflag:s6] =	ssyncadd.s32 @!p0 $0xFFFFFFFF  }
0xb3: {  	s25 =	simm.s32 $0x1B8E;
	s24 =	sld [smem:$0x3FFE];
	[sflag:s5] =	ssyncadd.remote.s32 @!p0 $0x1  }
0xb4: {  	s26 =	simm.s32 $execute0_lowered;
	[smem:$0x3FD2] =	sst s25  }
0xb5: {  	s6 =	sshll.u32 s26, $0x1;
	_ =	strace $0x8000004C;
	[dreg:$0x1] =	wrdreg $0xFFFFFFFF  }
0xb6: {  	s28 =	simm.s32 $_size_execute0_lowered;
	s4 =	sadd.s32 s4, s6;
	[dreg:$0x0] =	wrdreg $0x0  }
0xb7: {  	s6 =	sshll.u32 s28, $0x1;
	[dreg:$0x2] =	wrdreg s4  }
0xb8: {  	[dreg:$0x3] =	wrdreg s6  }
0xb9: {  	[dreg:$0x4] =	wrdreg $0xC0  }
0xba: {  	_ =	task [dreg:s22], $0x5FFFF  }
0xbb: {  	[dreg:$0x1] =	wrdreg $0xFFFFFFFF  }
0xbc: {  	[dreg:$0x0] =	wrdreg $0x60  }
0xbd: {  	[dreg:$0x2] =	wrdreg s24  }
0xbe: {  	[dreg:$0x3] =	wrdreg s18  }
0xbf: {  	[dreg:$0x4] =	wrdreg $0xB  }
0xc0: {  	_ =	task.clear_ibuf [dreg:s22], $0x5FFFF;
	_ =	strace $0x9000004C  }
0xc1: {  	s29 =	simm.s32 $0xB;
	_ =	strace $0x8000004E  }
0xc2: {  	_ =	swait.ge [sflag:s29], $0x1  }
0xc3: {  	[sflag:s29] =	ssyncadd.s32 $0xFFFFFFFF  }
0xc4: {  	_ =	strace $0x9000004E  }
0xc5: {  	_ =	sfence  }
0xc6: {  	s30 =	sld [smem:$0x0];
	_ =	sdelay $0x2  }
0xc7: {  	s31 =	sshll.u32 s1, $0xD;
	s1 =	sshrl.u32 s1, $0x2  }
0xc8: {  	s4 =	sand.u32 $0x4000, s31;
	s1 =	sadd.s32 s1, s30  }
0xc9: {  	s0 =	sor.u32 s4, s0;
	s1 =	sshll.u32 s1, $0x11  }
0xca: {  	s0 =	sor.u32 s1, s0  }
0xcb: {  	s0 =	sadd.s32 $0x8F2B, s0  }
0xcc: {  	[sflag:s0] =	ssyncadd.remote.s32 $0x1  }
0xcd: {  	_ =	sfence.sel $0xFFFF  }
0xce: {  	[dreg:$0x0] =	wrdreg $0xFFFFFFFF;
	(pc) =	sbr.abs _section_cstart, $3  }
0xcf: {  	[dreg:$0x1] =	wrdreg $0xFFFFFFFF  }
0xd0: {  	_ =	task.clear_ibuf [dreg:s22], $0x2FFFF;
	_ =	strace $0x9FFFFFFF  }
0xd1: {  	(tm) =	ssettm $0x7FFFFFFF  }
tec
execute0_lowered:
.L_overlay_start_1:
0x0: {  	(tag) =	ssettag $0x1  }
0x1: {  	s0 =	rddreg [dreg:$0x0]  }
0x2: {  	s2 =	rddreg [dreg:$0x1]  }
0x3: {  	s1 =	srdreg.scid;
	s3 =	stileid.u32;
	s11 =	simm.s32 $0x3  }
0x4: {  	s12 =	simm.s32 $0xC00;
	s22 =	simm.s32 $0xEC00;
	s16 =	simm.s32 $0x15C00  }
0x5: {  	s17 =	simm.s32 $0x16400;
	s18 =	simm.s32 $0x16C00;
	s19 =	simm.s32 $0x17400  }
0x6: {  	s20 =	simm.s32 $0x17800;
	s21 =	simm.s32 $0x18000;
	s28 =	simm.s32 $0x1A400  }
0x7: {  	s29 =	simm.s32 $0x1AC00;
	s30 =	simm.s32 $0x1B000;
	s31 =	simm.s32 $0x1B800  }
0x8: {  	s14 =	simm.s32 $0x0;
	s1 =	sand.u32 $0x1, s1;
	s4 =	sshll.u32 s3, $0x1  }
0x9: {  	s5 =	smul.u32 $0x900, s3;
	s3 =	simm.s32 $0x0;
	s4 =	sor.u32 s1, s4  }
0xa: {  	s6 =	smul.u32 $0x480, s1;
	[smem:$0x7FF] =	sst s3;
	s1 =	ssub.s32 $0x2, s1  }
0xb: {  	s4 =	smul.u32 $0x180, s4;
	_ =	strace $0x8000004D;
	s23 =	sshrl.u32 s1, $0x1  }
0xc: {  	s5 =	sadd.s32 s6, s5;
	s1 =	ssub.s32 s1, s23;
	s6 =	sadd.s32 $0x200, s2  }
0xd: {  	s23 =	simm.s32 $0x18800;
	s4 =	sadd.s32 s4, s0;
	s7 =	sor.u32 $0x40, s5  }
0xe: {  	s0 =	sadd.s32 $0x628A00, s0;
	s26 =	sshrl.u32 s5, $0x3;
	s5 =	sadd.s32 $0x100, s2  }
0xf: {  	s1 =	smax.u32 s1, $0x1;
	s24 =	sshrl.u32 s7, $0x3;
	s8 =	smul.u32 $0x380, s26  }
.Ltmp0:
0x10: {  	s4 =	sadd.s32 $0x625A00, s4;
	s7 =	sadd.s32 $0x300, s2;
	(pc) =	sbr.rel .LBB2_1-.Ltmp0, $4  }
0x11: {  	[dreg:$0x4] =	wrdreg s1;
	s26 =	simm.s32 $0x19C00;
	s1 =	simm.s32 $0x1C800  }
0x12: {  	v2 =	vlaneseq.u32;
	[dreg:$0x3] =	wrdreg s4;
	s25 =	smul.u32 $0x380, s24;
	s24 =	simm.s32 $0x19000  }
0x13: {  	vm0 =	vmmov $0xffff;
	vm1 =	vmmov $0xff;
	v1 =	vshrl.u32 v2, $0x3;
	s4 =	simm.s32 $0x1;
	s10 =	sadd.s32 s8, s0;
	s8 =	simm.s32 $0x2  }
0x14: {  	v0 =	vand.u32 $0x7, v2;
	v2 =	vor.u32 $0x8, v2;
	v1 =	vmul.u32 $0x8, v1;
	s9 =	sadd.s32 s25, s0;
	s25 =	simm.s32 $0x19400;
	s0 =	simm.s32 $0x1C000  }
.LBB2_5:
0x15: {  	s14 =	rddreg [dreg:$0x5]  }
0x16: {  	s13 =	rddreg [dreg:$0x4];
	s14 =	sadd.s32 $0x1, s14  }
0x17: {  	p0 =	sne.s32 s14, s13  }
.Ltmp1:
0x18: {  	_ = 	snop;
	(pc) =	sbr.rel @!p0 .LBB2_6-.Ltmp1, $1  }
0x19: {  	_ =	sdelay $0x3  }
.LBB2_1:
0x1a: {  	[dreg:$0x5] =	wrdreg s14  }
0x1b: {  	s13 =	rddreg [dreg:$0x3]  }
0x1c: {  	[tilespmem:s3], [sflag:$0x3] =	stream.linear.gather [hbm4b:s13+s3], $0x900, $0x38;
	[tilespmem:$0x1CC00] =	vst v63  }
0x1d: {  	_ =	swait.ge [sflag:s11], $0x900  }
0x1e: {  	[sflag:s11] =	ssyncset.done $0x0  }
0x1f: {  	[sflag:s11] =	ssyncadd.s32 $0xFFFFF700  }
0x20: {  	v3 =	vld [tilespmem:$0x0];
	_ =	sdelay $0x4  }
0x21: {  	v4 =	vshrl.u32 v3, $0x3  }
0x22: {  	v4 =	vmul.u32 $0x38, v4  }
0x23: {  	v3 =	vand.u32 $0x7, v3  }
0x24: {  	v3 =	vor.u32 v3, v4  }
0x25: {  	v4 =	vperm.xlane v3, v0;
	_ =	sdelay $0x1  }
0x26: {  	v4 =	vadd.s32 v1, v4;
	_ =	sdelay $0x4  }
0x27: {  	[tilespmem:s12], [sflag:$0x1] =	stream.indirect_vreg.gather [hbm4b:s2+s3], $0x80, v4, vm0, $0xb8;
	[tilespmem:$0x1CC00] =	vst v63  }
0x28: {  	s15 =	simm.s32 $0x1400;
	v3 =	vperm.xlane v3, v2  }
0x29: {  	[tilespmem:s15], [sflag:$0x1] =	stream.indirect_vreg.gather [hbm4b:s5+s3], $0x80, v4, vm0, $0xb8;
	[tilespmem:$0x1CC00] =	vst v63  }
0x2a: {  	s14 =	simm.s32 $0x1C00;
	v3 =	vadd.s32 v1, v3  }
0x2b: {  	[tilespmem:s14], [sflag:$0x1] =	stream.indirect_vreg.gather [hbm4b:s6+s3], $0x80, v4, vm0, $0xb8;
	[tilespmem:$0x1CC00] =	vst v63  }
0x2c: {  	s15 =	simm.s32 $0x2400  }
0x2d: {  	[tilespmem:s15], [sflag:$0x1] =	stream.indirect_vreg.gather [hbm4b:s7+s3], $0x80, v4, vm1, $0xb8;
	[tilespmem:$0x1CC00] =	vst v63  }
0x2e: {  	s14 =	simm.s32 $0x2800  }
0x2f: {  	[tilespmem:s14], [sflag:$0x1] =	stream.indirect_vreg.gather [hbm4b:s2+s3], $0x80, v3, vm0, $0xb8;
	[tilespmem:$0x1CC00] =	vst v63  }
0x30: {  	s15 =	simm.s32 $0x3000  }
0x31: {  	[tilespmem:s15], [sflag:$0x1] =	stream.indirect_vreg.gather [hbm4b:s5+s3], $0x80, v3, vm0, $0xb8;
	[tilespmem:$0x1CC00] =	vst v63  }
0x32: {  	s14 =	simm.s32 $0x3800  }
0x33: {  	[tilespmem:s14], [sflag:$0x1] =	stream.indirect_vreg.gather [hbm4b:s6+s3], $0x80, v3, vm0, $0xb8;
	[tilespmem:$0x1CC00] =	vst v63  }
0x34: {  	s15 =	simm.s32 $0x4000  }
0x35: {  	[tilespmem:s15], [sflag:$0x1] =	stream.indirect_vreg.gather [hbm4b:s7+s3], $0x80, v3, vm1, $0xb8;
	[tilespmem:$0x1CC00] =	vst v63  }
0x36: {  	v3 =	vld [tilespmem:$0x10];
	_ =	sdelay $0x4  }
0x37: {  	v61 =	vshrl.u32 v3, $0x3  }
0x38: {  	v4 =	vmul.u32 $0x38, v61  }
0x39: {  	v3 =	vand.u32 $0x7, v3  }
0x3a: {  	v3 =	vor.u32 v3, v4  }
0x3b: {  	v4 =	vperm.xlane v3, v0;
	_ =	sdelay $0x1  }
0x3c: {  	v4 =	vadd.s32 v1, v4;
	_ =	sdelay $0x3  }
0x3d: {  	s14 =	simm.s32 $0x4400  }
0x3e: {  	[tilespmem:s14], [sflag:$0x1] =	stream.indirect_vreg.gather [hbm4b:s2+s3], $0x80, v4, vm0, $0xb8;
	[tilespmem:$0x1CC00] =	vst v63  }
0x3f: {  	s15 =	simm.s32 $0x4C00;
	v3 =	vperm.xlane v3, v2  }
0x40: {  	[tilespmem:s15], [sflag:$0x1] =	stream.indirect_vreg.gather [hbm4b:s5+s3], $0x80, v4, vm0, $0xb8;
	[tilespmem:$0x1CC00] =	vst v63  }
0x41: {  	v3 =	vadd.s32 v1, v3;
	s14 =	simm.s32 $0x5400  }
0x42: {  	[tilespmem:s14], [sflag:$0x1] =	stream.indirect_vreg.gather [hbm4b:s6+s3], $0x80, v4, vm0, $0xb8;
	[tilespmem:$0x1CC00] =	vst v63  }
0x43: {  	s15 =	simm.s32 $0x5C00  }
0x44: {  	[tilespmem:s15], [sflag:$0x1] =	stream.indirect_vreg.gather [hbm4b:s7+s3], $0x80, v4, vm1, $0xb8;
	[tilespmem:$0x1CC00] =	vst v63  }
0x45: {  	s14 =	simm.s32 $0x6000  }
0x46: {  	[tilespmem:s14], [sflag:$0x1] =	stream.indirect_vreg.gather [hbm4b:s2+s3], $0x80, v3, vm0, $0xb8;
	[tilespmem:$0x1CC00] =	vst v63  }
0x47: {  	s15 =	simm.s32 $0x6800  }
0x48: {  	[tilespmem:s15], [sflag:$0x1] =	stream.indirect_vreg.gather [hbm4b:s5+s3], $0x80, v3, vm0, $0xb8;
	[tilespmem:$0x1CC00] =	vst v63  }
0x49: {  	s14 =	simm.s32 $0x7000  }
0x4a: {  	[tilespmem:s14], [sflag:$0x1] =	stream.indirect_vreg.gather [hbm4b:s6+s3], $0x80, v3, vm0, $0xb8;
	[tilespmem:$0x1CC00] =	vst v63  }
0x4b: {  	s15 =	simm.s32 $0x7800  }
0x4c: {  	[tilespmem:s15], [sflag:$0x1] =	stream.indirect_vreg.gather [hbm4b:s7+s3], $0x80, v3, vm1, $0xb8;
	[tilespmem:$0x1CC00] =	vst v63  }
0x4d: {  	v3 =	vld [tilespmem:$0x20];
	_ =	sdelay $0x4  }
0x4e: {  	v62 =	vshrl.u32 v3, $0x3  }
0x4f: {  	v4 =	vmul.u32 $0x38, v62  }
0x50: {  	v3 =	vand.u32 $0x7, v3  }
0x51: {  	v3 =	vor.u32 v3, v4  }
0x52: {  	v4 =	vperm.xlane v3, v0;
	_ =	sdelay $0x1  }
0x53: {  	v4 =	vadd.s32 v1, v4;
	_ =	sdelay $0x3  }
0x54: {  	s14 =	simm.s32 $0x7C00  }
0x55: {  	[tilespmem:s14], [sflag:$0x1] =	stream.indirect_vreg.gather [hbm4b:s2+s3], $0x80, v4, vm0, $0xb8;
	[tilespmem:$0x1CC00] =	vst v63  }
0x56: {  	s15 =	simm.s32 $0x8400;
	v3 =	vperm.xlane v3, v2  }
0x57: {  	[tilespmem:s15], [sflag:$0x1] =	stream.indirect_vreg.gather [hbm4b:s5+s3], $0x80, v4, vm0, $0xb8;
	[tilespmem:$0x1CC00] =	vst v63  }
0x58: {  	v3 =	vadd.s32 v1, v3;
	s14 =	simm.s32 $0x8C00  }
0x59: {  	[tilespmem:s14], [sflag:$0x1] =	stream.indirect_vreg.gather [hbm4b:s6+s3], $0x80, v4, vm0, $0xb8;
	[tilespmem:$0x1CC00] =	vst v63  }
0x5a: {  	s15 =	simm.s32 $0x9400  }
0x5b: {  	[tilespmem:s15], [sflag:$0x1] =	stream.indirect_vreg.gather [hbm4b:s7+s3], $0x80, v4, vm1, $0xb8;
	[tilespmem:$0x1CC00] =	vst v63  }
0x5c: {  	s14 =	simm.s32 $0x9800  }
0x5d: {  	[tilespmem:s14], [sflag:$0x1] =	stream.indirect_vreg.gather [hbm4b:s2+s3], $0x80, v3, vm0, $0xb8;
	[tilespmem:$0x1CC00] =	vst v63  }
0x5e: {  	s15 =	simm.s32 $0xA000  }
0x5f: {  	[tilespmem:s15], [sflag:$0x1] =	stream.indirect_vreg.gather [hbm4b:s5+s3], $0x80, v3, vm0, $0xb8;
	[tilespmem:$0x1CC00] =	vst v63  }
0x60: {  	s14 =	simm.s32 $0xA800  }
0x61: {  	[tilespmem:s14], [sflag:$0x1] =	stream.indirect_vreg.gather [hbm4b:s6+s3], $0x80, v3, vm0, $0xb8;
	[tilespmem:$0x1CC00] =	vst v63  }
0x62: {  	s15 =	simm.s32 $0xB000  }
0x63: {  	[tilespmem:s15], [sflag:$0x1] =	stream.indirect_vreg.gather [hbm4b:s7+s3], $0x80, v3, vm1, $0xb8;
	[tilespmem:$0x1CC00] =	vst v63  }
0x64: {  	v3 =	vld [tilespmem:$0x30];
	_ =	sdelay $0x4  }
0x65: {  	v63 =	vshrl.u32 v3, $0x3  }
0x66: {  	v4 =	vmul.u32 $0x38, v63  }
0x67: {  	v3 =	vand.u32 $0x7, v3  }
0x68: {  	v3 =	vor.u32 v3, v4  }
0x69: {  	v4 =	vperm.xlane v3, v0;
	_ =	sdelay $0x1  }
0x6a: {  	v4 =	vadd.s32 v1, v4;
	_ =	sdelay $0x3  }
0x6b: {  	s14 =	simm.s32 $0xB400  }
0x6c: {  	[tilespmem:s14], [sflag:$0x1] =	stream.indirect_vreg.gather [hbm4b:s2+s3], $0x80, v4, vm0, $0xb8;
	[tilespmem:$0x1CC00] =	vst v63  }
0x6d: {  	s15 =	simm.s32 $0xBC00;
	v3 =	vperm.xlane v3, v2  }
0x6e: {  	[tilespmem:s15], [sflag:$0x1] =	stream.indirect_vreg.gather [hbm4b:s5+s3], $0x80, v4, vm0, $0xb8;
	[tilespmem:$0x1CC00] =	vst v63  }
0x6f: {  	v3 =	vadd.s32 v1, v3;
	s14 =	simm.s32 $0xC400  }
0x70: {  	[tilespmem:s14], [sflag:$0x1] =	stream.indirect_vreg.gather [hbm4b:s6+s3], $0x80, v4, vm0, $0xb8;
	[tilespmem:$0x1CC00] =	vst v63  }
0x71: {  	s15 =	simm.s32 $0xCC00  }
0x72: {  	[tilespmem:s15], [sflag:$0x1] =	stream.indirect_vreg.gather [hbm4b:s7+s3], $0x80, v4, vm1, $0xb8;
	[tilespmem:$0x1CC00] =	vst v63  }
0x73: {  	s14 =	simm.s32 $0xD000  }
0x74: {  	[tilespmem:s14], [sflag:$0x1] =	stream.indirect_vreg.gather [hbm4b:s2+s3], $0x80, v3, vm0, $0xb8;
	[tilespmem:$0x1CC00] =	vst v63  }
0x75: {  	s15 =	simm.s32 $0xD800  }
0x76: {  	[tilespmem:s15], [sflag:$0x1] =	stream.indirect_vreg.gather [hbm4b:s5+s3], $0x80, v3, vm0, $0xb8;
	[tilespmem:$0x1CC00] =	vst v63  }
.Ltmp2:
0x77: {  	_ = 	snop;
	(pc) =	sbr.rel .LBB2_2-.Ltmp2, $4  }
0x78: {  	s14 =	simm.s32 $0xE000  }
0x79: {  	[tilespmem:s14], [sflag:$0x1] =	stream.indirect_vreg.gather [hbm4b:s6+s3], $0x80, v3, vm0, $0xb8;
	[tilespmem:$0x1CC00] =	vst v63  }
0x7a: {  	s13 =	simm.s32 $0xA0;
	s15 =	simm.s32 $0xE800;
	s14 =	simm.s32 $0x0  }
0x7b: {  	[tilespmem:s15], [sflag:$0x1] =	stream.indirect_vreg.gather [hbm4b:s7+s3], $0x80, v3, vm1, $0xb8;
	[tilespmem:$0x1CC00] =	vst v63  }
.LBB2_4:
0x7c: {  	_ =	swait.ge [sflag:s8], $0xE000;
	s15 =	sadd.s32 s14, s9;
	s14 =	sadd.s32 $0x3800, s14  }
0x7d: {  	[sflag:s8] =	ssyncset.done $0x0;
	p0 =	sne.s32 s14, $0x1F800  }
.Ltmp3:
0x7e: {  	[sflag:s8] =	ssyncadd.s32 $0xFFFF2000;
	(pc) =	sbr.rel @!p0 .LBB2_5-.Ltmp3, $4  }
0x7f: {  	[hbm4b:s15+s3] =	stream.linear.scatter [tilespmem:s22], [sflag:$0x3], $0xE000, $0x38;
	[tilespmem:$0x1CC00] =	vst v63  }
0x80: {  	_ =	swait.ge [sflag:s11], $0xE000  }
0x81: {  	[sflag:s11] =	ssyncset.done $0x0  }
0x82: {  	s13 =	sadd.s32 $0x100, s13;
	[sflag:s11] =	ssyncadd.s32 $0xFFFF2000  }
.LBB2_2:
0x83: {  	v3 =	vld [tilespmem:s13+$0xFFFFFFE0];
	_ =	sdelay $0x4  }
0x84: {  	v4 =	vshrl.u32 v3, $0x3  }
0x85: {  	v4 =	vmul.u32 $0x38, v4  }
0x86: {  	v3 =	vand.u32 $0x7, v3  }
0x87: {  	v3 =	vor.u32 v3, v4  }
0x88: {  	v4 =	vperm.xlane v3, v0;
	_ =	sdelay $0x1  }
0x89: {  	v4 =	vadd.s32 v1, v4;
	_ =	sdelay $0x4  }
0x8a: {  	[tilespmem:s22], [sflag:$0x2] =	stream.indirect_vreg.gather [hbm4b:s2+s3], $0x80, v4, vm0, $0xb8;
	[tilespmem:$0x1CC00] =	vst v63  }
0x8b: {  	s15 =	simm.s32 $0xF400;
	v3 =	vperm.xlane v3, v2  }
0x8c: {  	[tilespmem:s15], [sflag:$0x2] =	stream.indirect_vreg.gather [hbm4b:s5+s3], $0x80, v4, vm0, $0xb8;
	[tilespmem:$0x1CC00] =	vst v63  }
0x8d: {  	v3 =	vadd.s32 v1, v3;
	s15 =	simm.s32 $0xFC00  }
0x8e: {  	[tilespmem:s15], [sflag:$0x2] =	stream.indirect_vreg.gather [hbm4b:s6+s3], $0x80, v4, vm0, $0xb8;
	[tilespmem:$0x1CC00] =	vst v63  }
0x8f: {  	s15 =	simm.s32 $0x10400  }
0x90: {  	[tilespmem:s15], [sflag:$0x2] =	stream.indirect_vreg.gather [hbm4b:s7+s3], $0x80, v4, vm1, $0xb8;
	[tilespmem:$0x1CC00] =	vst v63  }
0x91: {  	s15 =	simm.s32 $0x10800  }
0x92: {  	[tilespmem:s15], [sflag:$0x2] =	stream.indirect_vreg.gather [hbm4b:s2+s3], $0x80, v3, vm0, $0xb8;
	[tilespmem:$0x1CC00] =	vst v63  }
0x93: {  	s15 =	simm.s32 $0x11000  }
0x94: {  	[tilespmem:s15], [sflag:$0x2] =	stream.indirect_vreg.gather [hbm4b:s5+s3], $0x80, v3, vm0, $0xb8;
	[tilespmem:$0x1CC00] =	vst v63  }
0x95: {  	s15 =	simm.s32 $0x11800  }
0x96: {  	[tilespmem:s15], [sflag:$0x2] =	stream.indirect_vreg.gather [hbm4b:s6+s3], $0x80, v3, vm0, $0xb8;
	[tilespmem:$0x1CC00] =	vst v63  }
0x97: {  	s15 =	simm.s32 $0x12000  }
0x98: {  	[tilespmem:s15], [sflag:$0x2] =	stream.indirect_vreg.gather [hbm4b:s7+s3], $0x80, v3, vm1, $0xb8;
	[tilespmem:$0x1CC00] =	vst v63  }
0x99: {  	v3 =	vld [tilespmem:s13+$0xFFFFFFF0];
	_ =	sdelay $0x4  }
0x9a: {  	v61 =	vshrl.u32 v3, $0x3  }
0x9b: {  	v4 =	vmul.u32 $0x38, v61  }
0x9c: {  	v3 =	vand.u32 $0x7, v3  }
0x9d: {  	v3 =	vor.u32 v3, v4  }
0x9e: {  	v4 =	vperm.xlane v3, v0;
	_ =	sdelay $0x1  }
0x9f: {  	v4 =	vadd.s32 v1, v4;
	_ =	sdelay $0x3  }
0xa0: {  	s15 =	simm.s32 $0x12400  }
0xa1: {  	[tilespmem:s15], [sflag:$0x2] =	stream.indirect_vreg.gather [hbm4b:s2+s3], $0x80, v4, vm0, $0xb8;
	[tilespmem:$0x1CC00] =	vst v63  }
0xa2: {  	v3 =	vperm.xlane v3, v2;
	s15 =	simm.s32 $0x12C00  }
0xa3: {  	[tilespmem:s15], [sflag:$0x2] =	stream.indirect_vreg.gather [hbm4b:s5+s3], $0x80, v4, vm0, $0xb8;
	[tilespmem:$0x1CC00] =	vst v63  }
0xa4: {  	v3 =	vadd.s32 v1, v3;
	s15 =	simm.s32 $0x13400  }
0xa5: {  	[tilespmem:s15], [sflag:$0x2] =	stream.indirect_vreg.gather [hbm4b:s6+s3], $0x80, v4, vm0, $0xb8;
	[tilespmem:$0x1CC00] =	vst v63  }
0xa6: {  	s15 =	simm.s32 $0x13C00  }
0xa7: {  	[tilespmem:s15], [sflag:$0x2] =	stream.indirect_vreg.gather [hbm4b:s7+s3], $0x80, v4, vm1, $0xb8;
	[tilespmem:$0x1CC00] =	vst v63  }
0xa8: {  	s15 =	simm.s32 $0x14000  }
0xa9: {  	[tilespmem:s15], [sflag:$0x2] =	stream.indirect_vreg.gather [hbm4b:s2+s3], $0x80, v3, vm0, $0xb8;
	[tilespmem:$0x1CC00] =	vst v63  }
0xaa: {  	s15 =	simm.s32 $0x14800  }
0xab: {  	[tilespmem:s15], [sflag:$0x2] =	stream.indirect_vreg.gather [hbm4b:s5+s3], $0x80, v3, vm0, $0xb8;
	[tilespmem:$0x1CC00] =	vst v63  }
0xac: {  	s15 =	simm.s32 $0x15000  }
0xad: {  	[tilespmem:s15], [sflag:$0x2] =	stream.indirect_vreg.gather [hbm4b:s6+s3], $0x80, v3, vm0, $0xb8;
	[tilespmem:$0x1CC00] =	vst v63  }
0xae: {  	s15 =	simm.s32 $0x15800  }
0xaf: {  	[tilespmem:s15], [sflag:$0x2] =	stream.indirect_vreg.gather [hbm4b:s7+s3], $0x80, v3, vm1, $0xb8;
	[tilespmem:$0x1CC00] =	vst v63  }
0xb0: {  	v3 =	vld [tilespmem:s13+$0x0];
	_ =	sdelay $0x4  }
0xb1: {  	v62 =	vshrl.u32 v3, $0x3  }
0xb2: {  	v4 =	vmul.u32 $0x38, v62  }
0xb3: {  	v3 =	vand.u32 $0x7, v3  }
0xb4: {  	v3 =	vor.u32 v3, v4  }
0xb5: {  	v4 =	vperm.xlane v3, v0;
	_ =	sdelay $0x1  }
0xb6: {  	v4 =	vadd.s32 v1, v4;
	_ =	sdelay $0x4  }
0xb7: {  	[tilespmem:s16], [sflag:$0x2] =	stream.indirect_vreg.gather [hbm4b:s2+s3], $0x80, v4, vm0, $0xb8;
	[tilespmem:$0x1CC00] =	vst v63  }
0xb8: {  	v3 =	vperm.xlane v3, v2  }
0xb9: {  	[tilespmem:s17], [sflag:$0x2] =	stream.indirect_vreg.gather [hbm4b:s5+s3], $0x80, v4, vm0, $0xb8;
	[tilespmem:$0x1CC00] =	vst v63  }
0xba: {  	v3 =	vadd.s32 v1, v3  }
0xbb: {  	[tilespmem:s18], [sflag:$0x2] =	stream.indirect_vreg.gather [hbm4b:s6+s3], $0x80, v4, vm0, $0xb8;
	[tilespmem:$0x1CC00] =	vst v63  }
0xbc: {  	_ = 	snop  }
0xbd: {  	[tilespmem:s19], [sflag:$0x2] =	stream.indirect_vreg.gather [hbm4b:s7+s3], $0x80, v4, vm1, $0xb8;
	[tilespmem:$0x1CC00] =	vst v63  }
0xbe: {  	_ = 	snop  }
0xbf: {  	[tilespmem:s20], [sflag:$0x2] =	stream.indirect_vreg.gather [hbm4b:s2+s3], $0x80, v3, vm0, $0xb8;
	[tilespmem:$0x1CC00] =	vst v63  }
0xc0: {  	_ = 	snop  }
0xc1: {  	[tilespmem:s21], [sflag:$0x2] =	stream.indirect_vreg.gather [hbm4b:s5+s3], $0x80, v3, vm0, $0xb8;
	[tilespmem:$0x1CC00] =	vst v63  }
0xc2: {  	_ = 	snop  }
0xc3: {  	[tilespmem:s23], [sflag:$0x2] =	stream.indirect_vreg.gather [hbm4b:s6+s3], $0x80, v3, vm0, $0xb8;
	[tilespmem:$0x1CC00] =	vst v63  }
0xc4: {  	_ = 	snop  }
0xc5: {  	[tilespmem:s24], [sflag:$0x2] =	stream.indirect_vreg.gather [hbm4b:s7+s3], $0x80, v3, vm1, $0xb8;
	[tilespmem:$0x1CC00] =	vst v63  }
0xc6: {  	v3 =	vld [tilespmem:s13+$0x10];
	_ =	sdelay $0x4  }
0xc7: {  	v63 =	vshrl.u32 v3, $0x3  }
0xc8: {  	v4 =	vmul.u32 $0x38, v63  }
0xc9: {  	v3 =	vand.u32 $0x7, v3  }
0xca: {  	v3 =	vor.u32 v3, v4  }
0xcb: {  	v4 =	vperm.xlane v3, v0;
	_ =	sdelay $0x1  }
0xcc: {  	v4 =	vadd.s32 v1, v4;
	_ =	sdelay $0x4  }
0xcd: {  	[tilespmem:s25], [sflag:$0x2] =	stream.indirect_vreg.gather [hbm4b:s2+s3], $0x80, v4, vm0, $0xb8;
	[tilespmem:$0x1CC00] =	vst v63  }
0xce: {  	v3 =	vperm.xlane v3, v2  }
0xcf: {  	[tilespmem:s26], [sflag:$0x2] =	stream.indirect_vreg.gather [hbm4b:s5+s3], $0x80, v4, vm0, $0xb8;
	[tilespmem:$0x1CC00] =	vst v63  }
0xd0: {  	v3 =	vadd.s32 v1, v3  }
0xd1: {  	[tilespmem:s28], [sflag:$0x2] =	stream.indirect_vreg.gather [hbm4b:s6+s3], $0x80, v4, vm0, $0xb8;
	[tilespmem:$0x1CC00] =	vst v63  }
0xd2: {  	_ = 	snop  }
0xd3: {  	[tilespmem:s29], [sflag:$0x2] =	stream.indirect_vreg.gather [hbm4b:s7+s3], $0x80, v4, vm1, $0xb8;
	[tilespmem:$0x1CC00] =	vst v63  }
0xd4: {  	_ = 	snop  }
0xd5: {  	[tilespmem:s30], [sflag:$0x2] =	stream.indirect_vreg.gather [hbm4b:s2+s3], $0x80, v3, vm0, $0xb8;
	[tilespmem:$0x1CC00] =	vst v63  }
0xd6: {  	_ = 	snop  }
0xd7: {  	[tilespmem:s31], [sflag:$0x2] =	stream.indirect_vreg.gather [hbm4b:s5+s3], $0x80, v3, vm0, $0xb8;
	[tilespmem:$0x1CC00] =	vst v63  }
0xd8: {  	_ = 	snop  }
0xd9: {  	[tilespmem:s0], [sflag:$0x2] =	stream.indirect_vreg.gather [hbm4b:s6+s3], $0x80, v3, vm0, $0xb8;
	[tilespmem:$0x1CC00] =	vst v63  }
0xda: {  	_ = 	snop  }
0xdb: {  	[tilespmem:s1], [sflag:$0x2] =	stream.indirect_vreg.gather [hbm4b:s7+s3], $0x80, v3, vm1, $0xb8;
	[tilespmem:$0x1CC00] =	vst v63  }
0xdc: {  	_ =	swait.ge [sflag:s4], $0xE000  }
0xdd: {  	p0 =	seq.s32 s14, $0x1C000;
	[sflag:s4] =	ssyncset.done $0x0  }
.Ltmp4:
0xde: {  	s15 =	sadd.s32 s14, s10;
	[sflag:s4] =	ssyncadd.s32 $0xFFFF2000;
	(pc) =	sbr.rel @p0 .LBB2_4-.Ltmp4, $4  }
0xdf: {  	[hbm4b:s15+s3] =	stream.linear.scatter [tilespmem:s12], [sflag:$0x3], $0xE000, $0x38;
	[tilespmem:$0x1CC00] =	vst v63  }
0xe0: {  	_ =	swait.ge [sflag:s11], $0xE000  }
0xe1: {  	[sflag:s11] =	ssyncset.done $0x0  }
0xe2: {  	[sflag:s11] =	ssyncadd.s32 $0xFFFF2000  }
0xe3: {  	v3 =	vld [tilespmem:s13+$0x60];
	_ =	sdelay $0x4  }
0xe4: {  	v4 =	vshrl.u32 v3, $0x3  }
0xe5: {  	v4 =	vmul.u32 $0x38, v4  }
0xe6: {  	v3 =	vand.u32 $0x7, v3  }
0xe7: {  	v3 =	vor.u32 v3, v4  }
0xe8: {  	v4 =	vperm.xlane v3, v0;
	_ =	sdelay $0x1  }
0xe9: {  	v4 =	vadd.s32 v1, v4;
	_ =	sdelay $0x4  }
0xea: {  	[tilespmem:s12], [sflag:$0x1] =	stream.indirect_vreg.gather [hbm4b:s2+s3], $0x80, v4, vm0, $0xb8;
	[tilespmem:$0x1CC00] =	vst v63  }
0xeb: {  	s15 =	simm.s32 $0x1400;
	v3 =	vperm.xlane v3, v2  }
0xec: {  	[tilespmem:s15], [sflag:$0x1] =	stream.indirect_vreg.gather [hbm4b:s5+s3], $0x80, v4, vm0, $0xb8;
	[tilespmem:$0x1CC00] =	vst v63  }
0xed: {  	v3 =	vadd.s32 v1, v3;
	s15 =	simm.s32 $0x1C00  }
0xee: {  	[tilespmem:s15], [sflag:$0x1] =	stream.indirect_vreg.gather [hbm4b:s6+s3], $0x80, v4, vm0, $0xb8;
	[tilespmem:$0x1CC00] =	vst v63  }
0xef: {  	s15 =	simm.s32 $0x2400  }
0xf0: {  	[tilespmem:s15], [sflag:$0x1] =	stream.indirect_vreg.gather [hbm4b:s7+s3], $0x80, v4, vm1, $0xb8;
	[tilespmem:$0x1CC00] =	vst v63  }
0xf1: {  	s15 =	simm.s32 $0x2800  }
0xf2: {  	[tilespmem:s15], [sflag:$0x1] =	stream.indirect_vreg.gather [hbm4b:s2+s3], $0x80, v3, vm0, $0xb8;
	[tilespmem:$0x1CC00] =	vst v63  }
0xf3: {  	s15 =	simm.s32 $0x3000  }
0xf4: {  	[tilespmem:s15], [sflag:$0x1] =	stream.indirect_vreg.gather [hbm4b:s5+s3], $0x80, v3, vm0, $0xb8;
	[tilespmem:$0x1CC00] =	vst v63  }
0xf5: {  	s15 =	simm.s32 $0x3800  }
0xf6: {  	[tilespmem:s15], [sflag:$0x1] =	stream.indirect_vreg.gather [hbm4b:s6+s3], $0x80, v3, vm0, $0xb8;
	[tilespmem:$0x1CC00] =	vst v63  }
0xf7: {  	s15 =	simm.s32 $0x4000  }
0xf8: {  	[tilespmem:s15], [sflag:$0x1] =	stream.indirect_vreg.gather [hbm4b:s7+s3], $0x80, v3, vm1, $0xb8;
	[tilespmem:$0x1CC00] =	vst v63  }
0xf9: {  	v3 =	vld [tilespmem:s13+$0x70];
	_ =	sdelay $0x4  }
0xfa: {  	v61 =	vshrl.u32 v3, $0x3  }
0xfb: {  	v4 =	vmul.u32 $0x38, v61  }
0xfc: {  	v3 =	vand.u32 $0x7, v3  }
0xfd: {  	v3 =	vor.u32 v3, v4  }
0xfe: {  	v4 =	vperm.xlane v3, v0;
	_ =	sdelay $0x1  }
0xff: {  	v4 =	vadd.s32 v1, v4;
	_ =	sdelay $0x3  }
0x100: {  	s15 =	simm.s32 $0x4400  }
0x101: {  	[tilespmem:s15], [sflag:$0x1] =	stream.indirect_vreg.gather [hbm4b:s2+s3], $0x80, v4, vm0, $0xb8;
	[tilespmem:$0x1CC00] =	vst v63  }
0x102: {  	v3 =	vperm.xlane v3, v2;
	s15 =	simm.s32 $0x4C00  }
0x103: {  	[tilespmem:s15], [sflag:$0x1] =	stream.indirect_vreg.gather [hbm4b:s5+s3], $0x80, v4, vm0, $0xb8;
	[tilespmem:$0x1CC00] =	vst v63  }
0x104: {  	v3 =	vadd.s32 v1, v3;
	s15 =	simm.s32 $0x5400  }
0x105: {  	[tilespmem:s15], [sflag:$0x1] =	stream.indirect_vreg.gather [hbm4b:s6+s3], $0x80, v4, vm0, $0xb8;
	[tilespmem:$0x1CC00] =	vst v63  }
0x106: {  	s15 =	simm.s32 $0x5C00  }
0x107: {  	[tilespmem:s15], [sflag:$0x1] =	stream.indirect_vreg.gather [hbm4b:s7+s3], $0x80, v4, vm1, $0xb8;
	[tilespmem:$0x1CC00] =	vst v63  }
0x108: {  	s15 =	simm.s32 $0x6000  }
0x109: {  	[tilespmem:s15], [sflag:$0x1] =	stream.indirect_vreg.gather [hbm4b:s2+s3], $0x80, v3, vm0, $0xb8;
	[tilespmem:$0x1CC00] =	vst v63  }
0x10a: {  	s15 =	simm.s32 $0x6800  }
0x10b: {  	[tilespmem:s15], [sflag:$0x1] =	stream.indirect_vreg.gather [hbm4b:s5+s3], $0x80, v3, vm0, $0xb8;
	[tilespmem:$0x1CC00] =	vst v63  }
0x10c: {  	s15 =	simm.s32 $0x7000  }
0x10d: {  	[tilespmem:s15], [sflag:$0x1] =	stream.indirect_vreg.gather [hbm4b:s6+s3], $0x80, v3, vm0, $0xb8;
	[tilespmem:$0x1CC00] =	vst v63  }
0x10e: {  	s15 =	simm.s32 $0x7800  }
0x10f: {  	[tilespmem:s15], [sflag:$0x1] =	stream.indirect_vreg.gather [hbm4b:s7+s3], $0x80, v3, vm1, $0xb8;
	[tilespmem:$0x1CC00] =	vst v63  }
0x110: {  	v3 =	vld [tilespmem:s13+$0x80];
	_ =	sdelay $0x4  }
0x111: {  	v62 =	vshrl.u32 v3, $0x3  }
0x112: {  	v4 =	vmul.u32 $0x38, v62  }
0x113: {  	v3 =	vand.u32 $0x7, v3  }
0x114: {  	v3 =	vor.u32 v3, v4  }
0x115: {  	v4 =	vperm.xlane v3, v0;
	_ =	sdelay $0x1  }
0x116: {  	v4 =	vadd.s32 v1, v4;
	_ =	sdelay $0x3  }
0x117: {  	s15 =	simm.s32 $0x7C00  }
0x118: {  	[tilespmem:s15], [sflag:$0x1] =	stream.indirect_vreg.gather [hbm4b:s2+s3], $0x80, v4, vm0, $0xb8;
	[tilespmem:$0x1CC00] =	vst v63  }
0x119: {  	v3 =	vperm.xlane v3, v2;
	s15 =	simm.s32 $0x8400  }
0x11a: {  	[tilespmem:s15], [sflag:$0x1] =	stream.indirect_vreg.gather [hbm4b:s5+s3], $0x80, v4, vm0, $0xb8;
	[tilespmem:$0x1CC00] =	vst v63  }
0x11b: {  	v3 =	vadd.s32 v1, v3;
	s15 =	simm.s32 $0x8C00  }
0x11c: {  	[tilespmem:s15], [sflag:$0x1] =	stream.indirect_vreg.gather [hbm4b:s6+s3], $0x80, v4, vm0, $0xb8;
	[tilespmem:$0x1CC00] =	vst v63  }
0x11d: {  	s15 =	simm.s32 $0x9400  }
0x11e: {  	[tilespmem:s15], [sflag:$0x1] =	stream.indirect_vreg.gather [hbm4b:s7+s3], $0x80, v4, vm1, $0xb8;
	[tilespmem:$0x1CC00] =	vst v63  }
0x11f: {  	s15 =	simm.s32 $0x9800  }
0x120: {  	[tilespmem:s15], [sflag:$0x1] =	stream.indirect_vreg.gather [hbm4b:s2+s3], $0x80, v3, vm0, $0xb8;
	[tilespmem:$0x1CC00] =	vst v63  }
0x121: {  	s15 =	simm.s32 $0xA000  }
0x122: {  	[tilespmem:s15], [sflag:$0x1] =	stream.indirect_vreg.gather [hbm4b:s5+s3], $0x80, v3, vm0, $0xb8;
	[tilespmem:$0x1CC00] =	vst v63  }
0x123: {  	s15 =	simm.s32 $0xA800  }
0x124: {  	[tilespmem:s15], [sflag:$0x1] =	stream.indirect_vreg.gather [hbm4b:s6+s3], $0x80, v3, vm0, $0xb8;
	[tilespmem:$0x1CC00] =	vst v63  }
0x125: {  	s15 =	simm.s32 $0xB000  }
0x126: {  	[tilespmem:s15], [sflag:$0x1] =	stream.indirect_vreg.gather [hbm4b:s7+s3], $0x80, v3, vm1, $0xb8;
	[tilespmem:$0x1CC00] =	vst v63  }
0x127: {  	v3 =	vld [tilespmem:s13+$0x90];
	_ =	sdelay $0x4  }
0x128: {  	v63 =	vshrl.u32 v3, $0x3  }
0x129: {  	v4 =	vmul.u32 $0x38, v63  }
0x12a: {  	v3 =	vand.u32 $0x7, v3  }
0x12b: {  	v3 =	vor.u32 v3, v4  }
0x12c: {  	v4 =	vperm.xlane v3, v0;
	_ =	sdelay $0x1  }
0x12d: {  	v4 =	vadd.s32 v1, v4;
	_ =	sdelay $0x3  }
0x12e: {  	s15 =	simm.s32 $0xB400  }
0x12f: {  	[tilespmem:s15], [sflag:$0x1] =	stream.indirect_vreg.gather [hbm4b:s2+s3], $0x80, v4, vm0, $0xb8;
	[tilespmem:$0x1CC00] =	vst v63  }
0x130: {  	v3 =	vperm.xlane v3, v2;
	s15 =	simm.s32 $0xBC00  }
0x131: {  	[tilespmem:s15], [sflag:$0x1] =	stream.indirect_vreg.gather [hbm4b:s5+s3], $0x80, v4, vm0, $0xb8;
	[tilespmem:$0x1CC00] =	vst v63  }
0x132: {  	v3 =	vadd.s32 v1, v3;
	s15 =	simm.s32 $0xC400  }
0x133: {  	[tilespmem:s15], [sflag:$0x1] =	stream.indirect_vreg.gather [hbm4b:s6+s3], $0x80, v4, vm0, $0xb8;
	[tilespmem:$0x1CC00] =	vst v63  }
0x134: {  	s15 =	simm.s32 $0xCC00  }
0x135: {  	[tilespmem:s15], [sflag:$0x1] =	stream.indirect_vreg.gather [hbm4b:s7+s3], $0x80, v4, vm1, $0xb8;
	[tilespmem:$0x1CC00] =	vst v63  }
0x136: {  	s15 =	simm.s32 $0xD000  }
0x137: {  	[tilespmem:s15], [sflag:$0x1] =	stream.indirect_vreg.gather [hbm4b:s2+s3], $0x80, v3, vm0, $0xb8;
	[tilespmem:$0x1CC00] =	vst v63  }
0x138: {  	s15 =	simm.s32 $0xD800  }
0x139: {  	[tilespmem:s15], [sflag:$0x1] =	stream.indirect_vreg.gather [hbm4b:s5+s3], $0x80, v3, vm0, $0xb8;
	[tilespmem:$0x1CC00] =	vst v63  }
.Ltmp5:
0x13a: {  	_ = 	snop;
	(pc) =	sbr.rel .LBB2_4-.Ltmp5, $4  }
0x13b: {  	s15 =	simm.s32 $0xE000  }
0x13c: {  	[tilespmem:s15], [sflag:$0x1] =	stream.indirect_vreg.gather [hbm4b:s6+s3], $0x80, v3, vm0, $0xb8;
	[tilespmem:$0x1CC00] =	vst v63  }
0x13d: {  	s15 =	simm.s32 $0xE800  }
0x13e: {  	[tilespmem:s15], [sflag:$0x1] =	stream.indirect_vreg.gather [hbm4b:s7+s3], $0x80, v3, vm1, $0xb8;
	[tilespmem:$0x1CC00] =	vst v63  }
.LBB2_6:
0x13f: {  	_ =	sfence.sel $0x180000  }
0x140: {  	[bflag:$0x0] =	sbarrier.arrive $0xFFFF  }
0x141: {  	_ =	strace $0x9000004D  }
0x142: {  	s0 =	stileid.u32;
	[bflag:$0x2] =	sbarrier.arrive $0xFFFF  }
0x143: {  	p0 =	sne.s32 s0, $0x0;
	s0 =	rddreg [dreg:$0x2]  }
0x144: {  	s0 =	sadd.s32 @!p0 $0x100000, s0  }
0x145: {  	[sflag:s0] =	ssyncadd.tile.s32 @!p0 $0x1;
	_ =	shalt  }
.Lfunc_end2:
_tile_overlayer_lowered:
.L_overlay_start_2:
0x146: {  	(tag) =	ssettag $0x2  }
0x147: {  	s0 =	rddreg [dreg:$0x0];
	s2 =	stileid.u32  }
0x148: {  	s1 =	rddreg [dreg:$0x1];
	p0 =	sne.s32 s2, $0x0  }
0x149: {  	s3 =	rddreg [dreg:$0x2];
	[bflag:$0x3] =	sbarrier.arrive $0xFFFF;
	s2 =	simm.s32 @!p0 $0x1C03  }
0x14a: {  	[timem:s3], [sflag:s2] =	dma.local @!p0 [hbm:s0], s1  }
0x14b: {  	s0 =	simm.s32 @!p0 $0x3  }
0x14c: {  	_ =	swait.ge @!p0 [sflag:s0], s1  }
0x14d: {  	s1 =	ssub.s32 @!p0 $0x0, s1;
	[sflag:s0] =	ssyncset.done @!p0 $0x0  }
0x14e: {  	[sflag:s0] =	ssyncadd.s32 @!p0 s1  }
0x14f: {  	[bflag:$0x3] =	sbarrier.arrive $0xFFFF  }
0x150: {  	_ =	shalt  }

// kernel: kernel.19.cloned.1.call-start
scs
__scs_entry_jumppad:
0x0: {  	(pc) =	sbr.rel $0x88, $3  }
0x1: {  	(tag) =	ssettag $0x0;
	lr =	simm.s32 $0x1  }
0x2: {  	[smem:$0x3F9D] =	sst lr;
	_ =	strace $0xD0000000  }
0x3: {  	_ = 	snop  }
0x4: {  	_ = 	snop  }
0x5: {  	_ = 	snop  }
0x6: {  	_ = 	snop  }
0x7: {  	_ = 	snop  }
__scs_overlays_trampoline_lowered:
0x8: {  	[smem:$0x3FAC] =	sst s0  }
0x9: {  	[smem:$0x3FAD] =	sst s1  }
0xa: {  	[smem:$0x3FAE] =	sst s2  }
0xb: {  	[smem:$0x3FAF] =	sst s3  }
0xc: {  	[smem:$0x3FB0] =	sst s4  }
0xd: {  	[smem:$0x3FB1] =	sst s5  }
0xe: {  	[smem:$0x3FB2] =	sst s6  }
0xf: {  	[smem:$0x3FB3] =	sst s7  }
0x10: {  	[smem:$0x3FB4] =	sst s8  }
0x11: {  	[smem:$0x3FB5] =	sst s9;
	s0 =	simm.s32 @!p0 $0x0  }
0x12: {  	s1 =	sld [smem:$0x3F9B];
	s0 =	simm.s32 @p0 $0x1  }
0x13: {  	[smem:$0x3FB6] =	sst s0;
	s0 =	simm.s32 @!p1 $0x0  }
0x14: {  	s2 =	sld [smem:$0x3F9A];
	s0 =	simm.s32 @p1 $0x1  }
0x15: {  	[smem:$0x3FB7] =	sst s0;
	s0 =	simm.s32 @!p2 $0x0  }
0x16: {  	s3 =	sld [smem:$0x3FDB];
	s0 =	simm.s32 @p2 $0x1  }
0x17: {  	s4 =	simm.s32 $0x1BF5;
	[smem:$0x3FB9] =	sst s0  }
0x18: {  	s0 =	sld [smem:$0x3F9C];
	_ =	swait.ge [sflag:s4], $0x0  }
0x19: {  	s7 =	sld [smem:$0x3F9D]  }
0x1a: {  	s8 =	sadd.s32 $0xFFFFE003, lr  }
0x1b: {  	s9 =	sadd.s32 $0xFFFFFEF7, lr;
	s5 =	simm.s32 $0xFFFFFFFF;
	p2 =	slt.u32 s8, $0xFFFFF086  }
0x1c: {  	p1 =	slt.u32 s9, $0xF7A;
	s5 =	simm.s32 @!p2 $0x0  }
0x1d: {  	s5 =	simm.s32 @p1 $0x1;
	p0 =	seq.s32 s7, s2  }
0x1e: {  	s7 =	smul.u32 @!p0 $0xF7A, s2;
	p2 =	seq.s32 @!p0 s5, $0x0  }
0x1f: {  	s9 =	smul.u32 $0xF7A, s1;
	s8 =	simm.s32 @!p0 $0x1BF5;
	p2 =	por !p2, p0  }
0x20: {  	[sflag:s8] =	ssyncset.s32 @!p0 $0xFFFFF086;
	s6 =	sadd.s32 @!p0 s3, s7;
	s7 =	simm.s32 @!p0 $0x108  }
0x21: {  	s3 =	sadd.s32 s3, s9;
	s6 =	sadd.s32 @!p0 $0x88, s6;
	s7 =	simm.s32 @p2 $0x1082  }
0x22: {  	[simem:s7], [sflag:s8] =	dma.local @!p0 [hbm:s6], $0xF7A  }
0x23: {  	s9 =	sor.u32 $0xD0000000, s2;
	s6 =	simm.s32 $0x108;
	_ =	swait.ge @!p0 [sflag:s8], $0x0  }
0x24: {  	s3 =	sadd.s32 $0x88, s3;
	s6 =	simm.s32 @!p1 $0x1082;
	[sflag:s4] =	ssyncset.s32 $0xFFFFF086  }
0x25: {  	[simem:s6], [sflag:s4] =	dma.local [hbm:s3], $0xF7A  }
0x26: {  	[smem:$0x3F9D] =	sst s1;
	(tag) =	ssettag s2;
	_ =	strace s9  }
0x27: {  	s1 =	sld [smem:$0x3FAD]  }
0x28: {  	s2 =	sld [smem:$0x3FAE]  }
0x29: {  	s4 =	sld [smem:$0x3FB0]  }
0x2a: {  	p0 =	seq.s32 s5, $0x0;
	s5 =	sld [smem:$0x3FB1]  }
0x2b: {  	s6 =	sld [smem:$0x3FB2]  }
0x2c: {  	s7 =	sld [smem:$0x3FB3]  }
0x2d: {  	s3 =	simm.s32 $0x108;
	s8 =	sld [smem:$0x3FB4]  }
0x2e: {  	s3 =	simm.s32 @!p0 $0x1082;
	s9 =	sld [smem:$0x3FB5]  }
0x2f: {  	lr =	sadd.s32 s0, s3;
	s0 =	sld [smem:$0x3FAC]  }
0x30: {  	s3 =	sld [smem:$0x3FAF]  }
0x31: {  	[smem:$0x3FB8] =	sst s10  }
0x32: {  	s10 =	sld [smem:$0x3FB6];
	_ =	sdelay $0x3  }
0x33: {  	p0 =	seq.s32 s10, $0x1;
	s10 =	sld [smem:$0x3FB8];
	_ =	sdelay $0x3  }
0x34: {  	[smem:$0x3FB8] =	sst s10  }
0x35: {  	s10 =	sld [smem:$0x3FB7];
	_ =	sdelay $0x3  }
0x36: {  	p1 =	seq.s32 s10, $0x1;
	s10 =	sld [smem:$0x3FB8];
	_ =	sdelay $0x3  }
0x37: {  	[smem:$0x3FB8] =	sst s10  }
0x38: {  	s10 =	sld [smem:$0x3FB9]  }
0x39: {  	_ = 	snop;
	(pc) =	sbr.ind lr, $3  }
0x3a: {  	_ = 	snop  }
0x3b: {  	_ = 	snop  }
0x3c: {  	p2 =	seq.s32 s10, $0x1;
	s10 =	sld [smem:$0x3FB8]  }
0x3d: {  	_ =	shalt  }
0x3e: {  	_ =	shalt  }
0x3f: {  	_ =	shalt  }
0x40: {  	_ =	shalt  }
0x41: {  	_ =	shalt  }
0x42: {  	_ =	shalt  }
0x43: {  	_ =	shalt  }
0x44: {  	_ =	shalt  }
0x45: {  	_ =	shalt  }
0x46: {  	_ =	shalt  }
0x47: {  	_ =	shalt  }
0x48: {  	_ =	shalt  }
0x49: {  	_ =	shalt  }
0x4a: {  	_ =	shalt  }
0x4b: {  	_ =	shalt  }
0x4c: {  	_ =	shalt  }
0x4d: {  	_ =	shalt  }
0x4e: {  	_ =	shalt  }
0x4f: {  	_ =	shalt  }
0x50: {  	_ =	shalt  }
0x51: {  	_ =	shalt  }
0x52: {  	_ =	shalt  }
0x53: {  	_ =	shalt  }
0x54: {  	_ =	shalt  }
0x55: {  	_ =	shalt  }
0x56: {  	_ =	shalt  }
0x57: {  	_ =	shalt  }
0x58: {  	_ =	shalt  }
0x59: {  	_ =	shalt  }
0x5a: {  	_ =	shalt  }
0x5b: {  	_ =	shalt  }
0x5c: {  	_ =	shalt  }
0x5d: {  	_ =	shalt  }
0x5e: {  	_ =	shalt  }
0x5f: {  	_ =	shalt  }
0x60: {  	_ =	shalt  }
0x61: {  	_ =	shalt  }
0x62: {  	_ =	shalt  }
0x63: {  	_ =	shalt  }
0x64: {  	_ =	shalt  }
0x65: {  	_ =	shalt  }
0x66: {  	_ =	shalt  }
0x67: {  	_ =	shalt  }
0x68: {  	_ =	shalt  }
0x69: {  	_ =	shalt  }
0x6a: {  	_ =	shalt  }
0x6b: {  	_ =	shalt  }
0x6c: {  	_ =	shalt  }
0x6d: {  	_ =	shalt  }
0x6e: {  	_ =	shalt  }
0x6f: {  	_ =	shalt  }
0x70: {  	_ =	shalt  }
0x71: {  	_ =	shalt  }
0x72: {  	_ =	shalt  }
0x73: {  	_ =	shalt  }
0x74: {  	_ =	shalt  }
0x75: {  	_ =	shalt  }
0x76: {  	_ =	shalt  }
0x77: {  	_ =	shalt  }
0x78: {  	_ =	shalt  }
0x79: {  	_ =	shalt  }
0x7a: {  	_ =	shalt  }
0x7b: {  	_ =	shalt  }
0x7c: {  	_ =	shalt  }
0x7d: {  	_ =	shalt  }
0x7e: {  	_ =	shalt  }
0x7f: {  	_ =	shalt  }
0x80: {  	_ =	shalt  }
0x81: {  	_ =	shalt  }
0x82: {  	_ =	shalt  }
0x83: {  	_ =	shalt  }
0x84: {  	_ =	shalt  }
0x85: {  	_ =	shalt  }
0x86: {  	_ =	shalt  }
0x87: {  	_ =	shalt  }
.Lfunc_end0:
.L_simem_size_0:
called_computation.3_lowered:
.L_overlay_start_0:
0x88: {  	s2 =	sld [smem:$0x3FD9]  }
0x89: {  	s3 =	sld [smem:$0x3FFE];
	_ =	sdelay $0x1  }
0x8a: {  	s1 =	srdreg.scid  }
0x8b: {  	s0 =	sand.u32 $0x1, s1  }
0x8c: {  	s17 =	sshll.u32 s0, $0xA;
	s2 =	sadd.s32 s3, s2  }
0x8d: {  	s2 =	sadd.s32 s2, s17  }
0x8e: {  	[smem:$0x3FC4] =	sst s2  }
0x8f: {  	_ = 	snop  }
0x90: {  	s18 =	sld [smem:$0x3FC8];
	(tm) =	ssettm $0x1  }
0x91: {  	s19 =	sld [smem:$0x3FFB];
	_ =	sdelay $0x3  }
0x92: {  	_ =	strace s19  }
0x93: {  	s2 =	sld [smem:$0x3FFC];
	_ =	sdelay $0x3  }
0x94: {  	_ =	strace s2  }
0x95: {  	s2 =	sld [smem:$0x3FFD];
	_ =	sdelay $0x3  }
0x96: {  	_ =	strace s2  }
0x97: {  	_ =	strace $0x8FFFFFFF  }
0x98: {  	s20 =	sld [smem:$0x3FDB];
	_ =	sdelay $0x1  }
0x99: {  	s4 =	simm.s32 $_scs_section_size  }
0x9a: {  	s5 =	simm.s32 $_size__tile_overlayer_lowered;
	s6 =	simm.s32 $_tile_overlayer_lowered  }
0x9b: {  	s7 =	simm.s32 $0x1BFF;
	s21 =	sshll.u32 s6, $0x1;
	s4 =	sadd.s32 s4, s20  }
0x9c: {  	s22 =	simm.s32 $0x0;
	s5 =	sshll.u32 s5, $0x1;
	s6 =	sadd.s32 s21, s4  }
0x9d: {  	[timem:s22], [sflag:s7] =	dma.local [hbm:s6], s5  }
0x9e: {  	_ =	swait.ge [sflag:s7], s5  }
0x9f: {  	s5 =	ssub.s32 $0x0, s5;
	[sflag:s7] =	ssyncset.done $0x0  }
0xa0: {  	[sflag:s7] =	ssyncadd.s32 s5;
	_ =	sdelay $0x1  }
0xa1: {  	s23 =	simm.s32 $0x1B8B  }
0xa2: {  	_ =	swait.ge [sflag:s23], $0x1  }
0xa3: {  	[sflag:s23] =	ssyncset.done $0x0  }
0xa4: {  	[sflag:s23] =	ssyncadd.s32 $0xFFFFFFFF  }
0xa5: {  	s5 =	sld [smem:$0x0]  }
0xa6: {  	s6 =	sand.u32 $0xFFFFFFFE, s1  }
0xa7: {  	p0 =	sne.s32 s1, s6  }
0xa8: {  	s6 =	sshll.u32 @p0 s6, $0xE  }
0xa9: {  	s6 =	sadd.s32 @p0 $0x11B8D, s6;
	s7 =	sshll.u32 @p0 s5, $0x11  }
0xaa: {  	s6 =	sor.u32 @p0 s7, s6  }
0xab: {  	[sflag:s6] =	ssyncadd.remote.s32 @p0 $0x1;
	_ =	sdelay $0x1  }
0xac: {  	s6 =	simm.s32 @p0 $0x1B8D  }
0xad: {  	_ =	swait.eq @p0 [sflag:s6], $0x1  }
0xae: {  	[sflag:s6] =	ssyncadd.s32 @p0 $0xFFFFFFFF  }
0xaf: {  	s7 =	sshll.u32 @!p0 s1, $0xE  }
0xb0: {  	s7 =	sor.u32 @!p0 $0x4000, s7;
	s6 =	simm.s32 @!p0 $0x1B8D  }
0xb1: {  	s5 =	sshll.u32 @!p0 s5, $0x11;
	s7 =	sadd.s32 @!p0 $0x11B8D, s7;
	_ =	swait.eq @!p0 [sflag:s6], $0x1  }
0xb2: {  	s5 =	sor.u32 @!p0 s5, s7;
	[sflag:s6] =	ssyncadd.s32 @!p0 $0xFFFFFFFF  }
0xb3: {  	s25 =	simm.s32 $0x1B8E;
	s24 =	sld [smem:$0x3FFE];
	[sflag:s5] =	ssyncadd.remote.s32 @!p0 $0x1  }
0xb4: {  	s26 =	simm.s32 $execute0_lowered;
	[smem:$0x3FD2] =	sst s25  }
0xb5: {  	s6 =	sshll.u32 s26, $0x1;
	_ =	strace $0x8000004F;
	[dreg:$0x1] =	wrdreg $0xFFFFFFFF  }
0xb6: {  	s28 =	simm.s32 $_size_execute0_lowered;
	s4 =	sadd.s32 s4, s6;
	[dreg:$0x0] =	wrdreg $0x0  }
0xb7: {  	s6 =	sshll.u32 s28, $0x1;
	[dreg:$0x2] =	wrdreg s4  }
0xb8: {  	[dreg:$0x3] =	wrdreg s6  }
0xb9: {  	[dreg:$0x4] =	wrdreg $0xC0  }
0xba: {  	_ =	task [dreg:s22], $0x5FFFF  }
0xbb: {  	[dreg:$0x1] =	wrdreg $0xFFFFFFFF  }
0xbc: {  	[dreg:$0x0] =	wrdreg $0x60  }
0xbd: {  	[dreg:$0x2] =	wrdreg s24  }
0xbe: {  	[dreg:$0x3] =	wrdreg s18  }
0xbf: {  	[dreg:$0x4] =	wrdreg $0xC  }
0xc0: {  	_ =	task.clear_ibuf [dreg:s22], $0x5FFFF;
	_ =	strace $0x9000004F  }
0xc1: {  	s29 =	simm.s32 $0xC;
	_ =	strace $0x80000051  }
0xc2: {  	_ =	swait.ge [sflag:s29], $0x1  }
0xc3: {  	[sflag:s29] =	ssyncadd.s32 $0xFFFFFFFF  }
0xc4: {  	_ =	strace $0x90000051  }
0xc5: {  	_ =	sfence  }
0xc6: {  	s30 =	sld [smem:$0x0];
	_ =	sdelay $0x2  }
0xc7: {  	s31 =	sshll.u32 s1, $0xD;
	s1 =	sshrl.u32 s1, $0x2  }
0xc8: {  	s4 =	sand.u32 $0x4000, s31;
	s1 =	sadd.s32 s1, s30  }
0xc9: {  	s0 =	sor.u32 s4, s0;
	s1 =	sshll.u32 s1, $0x11  }
0xca: {  	s0 =	sor.u32 s1, s0  }
0xcb: {  	s0 =	sadd.s32 $0x8F2B, s0  }
0xcc: {  	[sflag:s0] =	ssyncadd.remote.s32 $0x1  }
0xcd: {  	_ =	sfence.sel $0xFFFF  }
0xce: {  	[dreg:$0x0] =	wrdreg $0xFFFFFFFF;
	(pc) =	sbr.abs _section_cstart, $3  }
0xcf: {  	[dreg:$0x1] =	wrdreg $0xFFFFFFFF  }
0xd0: {  	_ =	task.clear_ibuf [dreg:s22], $0x2FFFF;
	_ =	strace $0x9FFFFFFF  }
0xd1: {  	(tm) =	ssettm $0x7FFFFFFF  }
tec
execute0_lowered:
.L_overlay_start_1:
0x0: {  	(tag) =	ssettag $0x1  }
0x1: {  	s0 =	rddreg [dreg:$0x0]  }
0x2: {  	s2 =	rddreg [dreg:$0x1]  }
0x3: {  	s1 =	srdreg.scid;
	s3 =	stileid.u32;
	s11 =	simm.s32 $0x3  }
0x4: {  	s12 =	simm.s32 $0xC00;
	s22 =	simm.s32 $0xEC00;
	s16 =	simm.s32 $0x15C00  }
0x5: {  	s17 =	simm.s32 $0x16400;
	s18 =	simm.s32 $0x16C00;
	s19 =	simm.s32 $0x17400  }
0x6: {  	s20 =	simm.s32 $0x17800;
	s21 =	simm.s32 $0x18000;
	s28 =	simm.s32 $0x1A400  }
0x7: {  	s29 =	simm.s32 $0x1AC00;
	s30 =	simm.s32 $0x1B000;
	s31 =	simm.s32 $0x1B800  }
0x8: {  	s14 =	simm.s32 $0x0;
	s1 =	sand.u32 $0x1, s1;
	s4 =	sshll.u32 s3, $0x1  }
0x9: {  	s5 =	smul.u32 $0x900, s3;
	s3 =	simm.s32 $0x0;
	s4 =	sor.u32 s1, s4  }
0xa: {  	s6 =	smul.u32 $0x480, s1;
	[smem:$0x7FF] =	sst s3;
	s1 =	ssub.s32 $0x2, s1  }
0xb: {  	s4 =	smul.u32 $0x180, s4;
	_ =	strace $0x80000050;
	s23 =	sshrl.u32 s1, $0x1  }
0xc: {  	s5 =	sadd.s32 s6, s5;
	s1 =	ssub.s32 s1, s23;
	s6 =	sadd.s32 $0x200, s2  }
0xd: {  	s23 =	simm.s32 $0x18800;
	s4 =	sadd.s32 s4, s0;
	s7 =	sor.u32 $0x40, s5  }
0xe: {  	s0 =	sadd.s32 $0xA1BA00, s0;
	s26 =	sshrl.u32 s5, $0x3;
	s5 =	sadd.s32 $0x100, s2  }
0xf: {  	s1 =	smax.u32 s1, $0x1;
	s24 =	sshrl.u32 s7, $0x3;
	s8 =	smul.u32 $0x380, s26  }
.Ltmp0:
0x10: {  	s4 =	sadd.s32 $0xA18A00, s4;
	s7 =	sadd.s32 $0x300, s2;
	(pc) =	sbr.rel .LBB2_1-.Ltmp0, $4  }
0x11: {  	[dreg:$0x4] =	wrdreg s1;
	s26 =	simm.s32 $0x19C00;
	s1 =	simm.s32 $0x1C800  }
0x12: {  	v2 =	vlaneseq.u32;
	[dreg:$0x3] =	wrdreg s4;
	s25 =	smul.u32 $0x380, s24;
	s24 =	simm.s32 $0x19000  }
0x13: {  	vm0 =	vmmov $0xffff;
	vm1 =	vmmov $0xff;
	v1 =	vshrl.u32 v2, $0x3;
	s4 =	simm.s32 $0x1;
	s10 =	sadd.s32 s8, s0;
	s8 =	simm.s32 $0x2  }
0x14: {  	v0 =	vand.u32 $0x7, v2;
	v2 =	vor.u32 $0x8, v2;
	v1 =	vmul.u32 $0x8, v1;
	s9 =	sadd.s32 s25, s0;
	s25 =	simm.s32 $0x19400;
	s0 =	simm.s32 $0x1C000  }
.LBB2_5:
0x15: {  	s14 =	rddreg [dreg:$0x5]  }
0x16: {  	s13 =	rddreg [dreg:$0x4];
	s14 =	sadd.s32 $0x1, s14  }
0x17: {  	p0 =	sne.s32 s14, s13  }
.Ltmp1:
0x18: {  	_ = 	snop;
	(pc) =	sbr.rel @!p0 .LBB2_6-.Ltmp1, $1  }
0x19: {  	_ =	sdelay $0x3  }
.LBB2_1:
0x1a: {  	[dreg:$0x5] =	wrdreg s14  }
0x1b: {  	s13 =	rddreg [dreg:$0x3]  }
0x1c: {  	[tilespmem:s3], [sflag:$0x3] =	stream.linear.gather [hbm4b:s13+s3], $0x900, $0x38;
	[tilespmem:$0x1CC00] =	vst v63  }
0x1d: {  	_ =	swait.ge [sflag:s11], $0x900  }
0x1e: {  	[sflag:s11] =	ssyncset.done $0x0  }
0x1f: {  	[sflag:s11] =	ssyncadd.s32 $0xFFFFF700  }
0x20: {  	v3 =	vld [tilespmem:$0x0];
	_ =	sdelay $0x4  }
0x21: {  	v4 =	vshrl.u32 v3, $0x3  }
0x22: {  	v4 =	vmul.u32 $0x38, v4  }
0x23: {  	v3 =	vand.u32 $0x7, v3  }
0x24: {  	v3 =	vor.u32 v3, v4  }
0x25: {  	v4 =	vperm.xlane v3, v0;
	_ =	sdelay $0x1  }
0x26: {  	v4 =	vadd.s32 v1, v4;
	_ =	sdelay $0x4  }
0x27: {  	[tilespmem:s12], [sflag:$0x1] =	stream.indirect_vreg.gather [hbm4b:s2+s3], $0x80, v4, vm0, $0xb8;
	[tilespmem:$0x1CC00] =	vst v63  }
0x28: {  	s15 =	simm.s32 $0x1400;
	v3 =	vperm.xlane v3, v2  }
0x29: {  	[tilespmem:s15], [sflag:$0x1] =	stream.indirect_vreg.gather [hbm4b:s5+s3], $0x80, v4, vm0, $0xb8;
	[tilespmem:$0x1CC00] =	vst v63  }
0x2a: {  	s14 =	simm.s32 $0x1C00;
	v3 =	vadd.s32 v1, v3  }
0x2b: {  	[tilespmem:s14], [sflag:$0x1] =	stream.indirect_vreg.gather [hbm4b:s6+s3], $0x80, v4, vm0, $0xb8;
	[tilespmem:$0x1CC00] =	vst v63  }
0x2c: {  	s15 =	simm.s32 $0x2400  }
0x2d: {  	[tilespmem:s15], [sflag:$0x1] =	stream.indirect_vreg.gather [hbm4b:s7+s3], $0x80, v4, vm1, $0xb8;
	[tilespmem:$0x1CC00] =	vst v63  }
0x2e: {  	s14 =	simm.s32 $0x2800  }
0x2f: {  	[tilespmem:s14], [sflag:$0x1] =	stream.indirect_vreg.gather [hbm4b:s2+s3], $0x80, v3, vm0, $0xb8;
	[tilespmem:$0x1CC00] =	vst v63  }
0x30: {  	s15 =	simm.s32 $0x3000  }
0x31: {  	[tilespmem:s15], [sflag:$0x1] =	stream.indirect_vreg.gather [hbm4b:s5+s3], $0x80, v3, vm0, $0xb8;
	[tilespmem:$0x1CC00] =	vst v63  }
0x32: {  	s14 =	simm.s32 $0x3800  }
0x33: {  	[tilespmem:s14], [sflag:$0x1] =	stream.indirect_vreg.gather [hbm4b:s6+s3], $0x80, v3, vm0, $0xb8;
	[tilespmem:$0x1CC00] =	vst v63  }
0x34: {  	s15 =	simm.s32 $0x4000  }
0x35: {  	[tilespmem:s15], [sflag:$0x1] =	stream.indirect_vreg.gather [hbm4b:s7+s3], $0x80, v3, vm1, $0xb8;
	[tilespmem:$0x1CC00] =	vst v63  }
0x36: {  	v3 =	vld [tilespmem:$0x10];
	_ =	sdelay $0x4  }
0x37: {  	v61 =	vshrl.u32 v3, $0x3  }
0x38: {  	v4 =	vmul.u32 $0x38, v61  }
0x39: {  	v3 =	vand.u32 $0x7, v3  }
0x3a: {  	v3 =	vor.u32 v3, v4  }
0x3b: {  	v4 =	vperm.xlane v3, v0;
	_ =	sdelay $0x1  }
0x3c: {  	v4 =	vadd.s32 v1, v4;
	_ =	sdelay $0x3  }
0x3d: {  	s14 =	simm.s32 $0x4400  }
0x3e: {  	[tilespmem:s14], [sflag:$0x1] =	stream.indirect_vreg.gather [hbm4b:s2+s3], $0x80, v4, vm0, $0xb8;
	[tilespmem:$0x1CC00] =	vst v63  }
0x3f: {  	s15 =	simm.s32 $0x4C00;
	v3 =	vperm.xlane v3, v2  }
0x40: {  	[tilespmem:s15], [sflag:$0x1] =	stream.indirect_vreg.gather [hbm4b:s5+s3], $0x80, v4, vm0, $0xb8;
	[tilespmem:$0x1CC00] =	vst v63  }
0x41: {  	v3 =	vadd.s32 v1, v3;
	s14 =	simm.s32 $0x5400  }
0x42: {  	[tilespmem:s14], [sflag:$0x1] =	stream.indirect_vreg.gather [hbm4b:s6+s3], $0x80, v4, vm0, $0xb8;
	[tilespmem:$0x1CC00] =	vst v63  }
0x43: {  	s15 =	simm.s32 $0x5C00  }
0x44: {  	[tilespmem:s15], [sflag:$0x1] =	stream.indirect_vreg.gather [hbm4b:s7+s3], $0x80, v4, vm1, $0xb8;
	[tilespmem:$0x1CC00] =	vst v63  }
0x45: {  	s14 =	simm.s32 $0x6000  }
0x46: {  	[tilespmem:s14], [sflag:$0x1] =	stream.indirect_vreg.gather [hbm4b:s2+s3], $0x80, v3, vm0, $0xb8;
	[tilespmem:$0x1CC00] =	vst v63  }
0x47: {  	s15 =	simm.s32 $0x6800  }
0x48: {  	[tilespmem:s15], [sflag:$0x1] =	stream.indirect_vreg.gather [hbm4b:s5+s3], $0x80, v3, vm0, $0xb8;
	[tilespmem:$0x1CC00] =	vst v63  }
0x49: {  	s14 =	simm.s32 $0x7000  }
0x4a: {  	[tilespmem:s14], [sflag:$0x1] =	stream.indirect_vreg.gather [hbm4b:s6+s3], $0x80, v3, vm0, $0xb8;
	[tilespmem:$0x1CC00] =	vst v63  }
0x4b: {  	s15 =	simm.s32 $0x7800  }
0x4c: {  	[tilespmem:s15], [sflag:$0x1] =	stream.indirect_vreg.gather [hbm4b:s7+s3], $0x80, v3, vm1, $0xb8;
	[tilespmem:$0x1CC00] =	vst v63  }
0x4d: {  	v3 =	vld [tilespmem:$0x20];
	_ =	sdelay $0x4  }
0x4e: {  	v62 =	vshrl.u32 v3, $0x3  }
0x4f: {  	v4 =	vmul.u32 $0x38, v62  }
0x50: {  	v3 =	vand.u32 $0x7, v3  }
0x51: {  	v3 =	vor.u32 v3, v4  }
0x52: {  	v4 =	vperm.xlane v3, v0;
	_ =	sdelay $0x1  }
0x53: {  	v4 =	vadd.s32 v1, v4;
	_ =	sdelay $0x3  }
0x54: {  	s14 =	simm.s32 $0x7C00  }
0x55: {  	[tilespmem:s14], [sflag:$0x1] =	stream.indirect_vreg.gather [hbm4b:s2+s3], $0x80, v4, vm0, $0xb8;
	[tilespmem:$0x1CC00] =	vst v63  }
0x56: {  	s15 =	simm.s32 $0x8400;
	v3 =	vperm.xlane v3, v2  }
0x57: {  	[tilespmem:s15], [sflag:$0x1] =	stream.indirect_vreg.gather [hbm4b:s5+s3], $0x80, v4, vm0, $0xb8;
	[tilespmem:$0x1CC00] =	vst v63  }
0x58: {  	v3 =	vadd.s32 v1, v3;
	s14 =	simm.s32 $0x8C00  }
0x59: {  	[tilespmem:s14], [sflag:$0x1] =	stream.indirect_vreg.gather [hbm4b:s6+s3], $0x80, v4, vm0, $0xb8;
	[tilespmem:$0x1CC00] =	vst v63  }
0x5a: {  	s15 =	simm.s32 $0x9400  }
0x5b: {  	[tilespmem:s15], [sflag:$0x1] =	stream.indirect_vreg.gather [hbm4b:s7+s3], $0x80, v4, vm1, $0xb8;
	[tilespmem:$0x1CC00] =	vst v63  }
0x5c: {  	s14 =	simm.s32 $0x9800  }
0x5d: {  	[tilespmem:s14], [sflag:$0x1] =	stream.indirect_vreg.gather [hbm4b:s2+s3], $0x80, v3, vm0, $0xb8;
	[tilespmem:$0x1CC00] =	vst v63  }
0x5e: {  	s15 =	simm.s32 $0xA000  }
0x5f: {  	[tilespmem:s15], [sflag:$0x1] =	stream.indirect_vreg.gather [hbm4b:s5+s3], $0x80, v3, vm0, $0xb8;
	[tilespmem:$0x1CC00] =	vst v63  }
0x60: {  	s14 =	simm.s32 $0xA800  }
0x61: {  	[tilespmem:s14], [sflag:$0x1] =	stream.indirect_vreg.gather [hbm4b:s6+s3], $0x80, v3, vm0, $0xb8;
	[tilespmem:$0x1CC00] =	vst v63  }
0x62: {  	s15 =	simm.s32 $0xB000  }
0x63: {  	[tilespmem:s15], [sflag:$0x1] =	stream.indirect_vreg.gather [hbm4b:s7+s3], $0x80, v3, vm1, $0xb8;
	[tilespmem:$0x1CC00] =	vst v63  }
0x64: {  	v3 =	vld [tilespmem:$0x30];
	_ =	sdelay $0x4  }
0x65: {  	v63 =	vshrl.u32 v3, $0x3  }
0x66: {  	v4 =	vmul.u32 $0x38, v63  }
0x67: {  	v3 =	vand.u32 $0x7, v3  }
0x68: {  	v3 =	vor.u32 v3, v4  }
0x69: {  	v4 =	vperm.xlane v3, v0;
	_ =	sdelay $0x1  }
0x6a: {  	v4 =	vadd.s32 v1, v4;
	_ =	sdelay $0x3  }
0x6b: {  	s14 =	simm.s32 $0xB400  }
0x6c: {  	[tilespmem:s14], [sflag:$0x1] =	stream.indirect_vreg.gather [hbm4b:s2+s3], $0x80, v4, vm0, $0xb8;
	[tilespmem:$0x1CC00] =	vst v63  }
0x6d: {  	s15 =	simm.s32 $0xBC00;
	v3 =	vperm.xlane v3, v2  }
0x6e: {  	[tilespmem:s15], [sflag:$0x1] =	stream.indirect_vreg.gather [hbm4b:s5+s3], $0x80, v4, vm0, $0xb8;
	[tilespmem:$0x1CC00] =	vst v63  }
0x6f: {  	v3 =	vadd.s32 v1, v3;
	s14 =	simm.s32 $0xC400  }
0x70: {  	[tilespmem:s14], [sflag:$0x1] =	stream.indirect_vreg.gather [hbm4b:s6+s3], $0x80, v4, vm0, $0xb8;
	[tilespmem:$0x1CC00] =	vst v63  }
0x71: {  	s15 =	simm.s32 $0xCC00  }
0x72: {  	[tilespmem:s15], [sflag:$0x1] =	stream.indirect_vreg.gather [hbm4b:s7+s3], $0x80, v4, vm1, $0xb8;
	[tilespmem:$0x1CC00] =	vst v63  }
0x73: {  	s14 =	simm.s32 $0xD000  }
0x74: {  	[tilespmem:s14], [sflag:$0x1] =	stream.indirect_vreg.gather [hbm4b:s2+s3], $0x80, v3, vm0, $0xb8;
	[tilespmem:$0x1CC00] =	vst v63  }
0x75: {  	s15 =	simm.s32 $0xD800  }
0x76: {  	[tilespmem:s15], [sflag:$0x1] =	stream.indirect_vreg.gather [hbm4b:s5+s3], $0x80, v3, vm0, $0xb8;
	[tilespmem:$0x1CC00] =	vst v63  }
.Ltmp2:
0x77: {  	_ = 	snop;
	(pc) =	sbr.rel .LBB2_2-.Ltmp2, $4  }
0x78: {  	s14 =	simm.s32 $0xE000  }
0x79: {  	[tilespmem:s14], [sflag:$0x1] =	stream.indirect_vreg.gather [hbm4b:s6+s3], $0x80, v3, vm0, $0xb8;
	[tilespmem:$0x1CC00] =	vst v63  }
0x7a: {  	s13 =	simm.s32 $0xA0;
	s15 =	simm.s32 $0xE800;
	s14 =	simm.s32 $0x0  }
0x7b: {  	[tilespmem:s15], [sflag:$0x1] =	stream.indirect_vreg.gather [hbm4b:s7+s3], $0x80, v3, vm1, $0xb8;
	[tilespmem:$0x1CC00] =	vst v63  }
.LBB2_4:
0x7c: {  	_ =	swait.ge [sflag:s8], $0xE000;
	s15 =	sadd.s32 s14, s9;
	s14 =	sadd.s32 $0x3800, s14  }
0x7d: {  	[sflag:s8] =	ssyncset.done $0x0;
	p0 =	sne.s32 s14, $0x1F800  }
.Ltmp3:
0x7e: {  	[sflag:s8] =	ssyncadd.s32 $0xFFFF2000;
	(pc) =	sbr.rel @!p0 .LBB2_5-.Ltmp3, $4  }
0x7f: {  	[hbm4b:s15+s3] =	stream.linear.scatter [tilespmem:s22], [sflag:$0x3], $0xE000, $0x38;
	[tilespmem:$0x1CC00] =	vst v63  }
0x80: {  	_ =	swait.ge [sflag:s11], $0xE000  }
0x81: {  	[sflag:s11] =	ssyncset.done $0x0  }
0x82: {  	s13 =	sadd.s32 $0x100, s13;
	[sflag:s11] =	ssyncadd.s32 $0xFFFF2000  }
.LBB2_2:
0x83: {  	v3 =	vld [tilespmem:s13+$0xFFFFFFE0];
	_ =	sdelay $0x4  }
0x84: {  	v4 =	vshrl.u32 v3, $0x3  }
0x85: {  	v4 =	vmul.u32 $0x38, v4  }
0x86: {  	v3 =	vand.u32 $0x7, v3  }
0x87: {  	v3 =	vor.u32 v3, v4  }
0x88: {  	v4 =	vperm.xlane v3, v0;
	_ =	sdelay $0x1  }
0x89: {  	v4 =	vadd.s32 v1, v4;
	_ =	sdelay $0x4  }
0x8a: {  	[tilespmem:s22], [sflag:$0x2] =	stream.indirect_vreg.gather [hbm4b:s2+s3], $0x80, v4, vm0, $0xb8;
	[tilespmem:$0x1CC00] =	vst v63  }
0x8b: {  	s15 =	simm.s32 $0xF400;
	v3 =	vperm.xlane v3, v2  }
0x8c: {  	[tilespmem:s15], [sflag:$0x2] =	stream.indirect_vreg.gather [hbm4b:s5+s3], $0x80, v4, vm0, $0xb8;
	[tilespmem:$0x1CC00] =	vst v63  }
0x8d: {  	v3 =	vadd.s32 v1, v3;
	s15 =	simm.s32 $0xFC00  }
0x8e: {  	[tilespmem:s15], [sflag:$0x2] =	stream.indirect_vreg.gather [hbm4b:s6+s3], $0x80, v4, vm0, $0xb8;
	[tilespmem:$0x1CC00] =	vst v63  }
0x8f: {  	s15 =	simm.s32 $0x10400  }
0x90: {  	[tilespmem:s15], [sflag:$0x2] =	stream.indirect_vreg.gather [hbm4b:s7+s3], $0x80, v4, vm1, $0xb8;
	[tilespmem:$0x1CC00] =	vst v63  }
0x91: {  	s15 =	simm.s32 $0x10800  }
0x92: {  	[tilespmem:s15], [sflag:$0x2] =	stream.indirect_vreg.gather [hbm4b:s2+s3], $0x80, v3, vm0, $0xb8;
	[tilespmem:$0x1CC00] =	vst v63  }
0x93: {  	s15 =	simm.s32 $0x11000  }
0x94: {  	[tilespmem:s15], [sflag:$0x2] =	stream.indirect_vreg.gather [hbm4b:s5+s3], $0x80, v3, vm0, $0xb8;
	[tilespmem:$0x1CC00] =	vst v63  }
0x95: {  	s15 =	simm.s32 $0x11800  }
0x96: {  	[tilespmem:s15], [sflag:$0x2] =	stream.indirect_vreg.gather [hbm4b:s6+s3], $0x80, v3, vm0, $0xb8;
	[tilespmem:$0x1CC00] =	vst v63  }
0x97: {  	s15 =	simm.s32 $0x12000  }
0x98: {  	[tilespmem:s15], [sflag:$0x2] =	stream.indirect_vreg.gather [hbm4b:s7+s3], $0x80, v3, vm1, $0xb8;
	[tilespmem:$0x1CC00] =	vst v63  }
0x99: {  	v3 =	vld [tilespmem:s13+$0xFFFFFFF0];
	_ =	sdelay $0x4  }
0x9a: {  	v61 =	vshrl.u32 v3, $0x3  }
0x9b: {  	v4 =	vmul.u32 $0x38, v61  }
0x9c: {  	v3 =	vand.u32 $0x7, v3  }
0x9d: {  	v3 =	vor.u32 v3, v4  }
0x9e: {  	v4 =	vperm.xlane v3, v0;
	_ =	sdelay $0x1  }
0x9f: {  	v4 =	vadd.s32 v1, v4;
	_ =	sdelay $0x3  }
0xa0: {  	s15 =	simm.s32 $0x12400  }
0xa1: {  	[tilespmem:s15], [sflag:$0x2] =	stream.indirect_vreg.gather [hbm4b:s2+s3], $0x80, v4, vm0, $0xb8;
	[tilespmem:$0x1CC00] =	vst v63  }
0xa2: {  	v3 =	vperm.xlane v3, v2;
	s15 =	simm.s32 $0x12C00  }
0xa3: {  	[tilespmem:s15], [sflag:$0x2] =	stream.indirect_vreg.gather [hbm4b:s5+s3], $0x80, v4, vm0, $0xb8;
	[tilespmem:$0x1CC00] =	vst v63  }
0xa4: {  	v3 =	vadd.s32 v1, v3;
	s15 =	simm.s32 $0x13400  }
0xa5: {  	[tilespmem:s15], [sflag:$0x2] =	stream.indirect_vreg.gather [hbm4b:s6+s3], $0x80, v4, vm0, $0xb8;
	[tilespmem:$0x1CC00] =	vst v63  }
0xa6: {  	s15 =	simm.s32 $0x13C00  }
0xa7: {  	[tilespmem:s15], [sflag:$0x2] =	stream.indirect_vreg.gather [hbm4b:s7+s3], $0x80, v4, vm1, $0xb8;
	[tilespmem:$0x1CC00] =	vst v63  }
0xa8: {  	s15 =	simm.s32 $0x14000  }
0xa9: {  	[tilespmem:s15], [sflag:$0x2] =	stream.indirect_vreg.gather [hbm4b:s2+s3], $0x80, v3, vm0, $0xb8;
	[tilespmem:$0x1CC00] =	vst v63  }
0xaa: {  	s15 =	simm.s32 $0x14800  }
0xab: {  	[tilespmem:s15], [sflag:$0x2] =	stream.indirect_vreg.gather [hbm4b:s5+s3], $0x80, v3, vm0, $0xb8;
	[tilespmem:$0x1CC00] =	vst v63  }
0xac: {  	s15 =	simm.s32 $0x15000  }
0xad: {  	[tilespmem:s15], [sflag:$0x2] =	stream.indirect_vreg.gather [hbm4b:s6+s3], $0x80, v3, vm0, $0xb8;
	[tilespmem:$0x1CC00] =	vst v63  }
0xae: {  	s15 =	simm.s32 $0x15800  }
0xaf: {  	[tilespmem:s15], [sflag:$0x2] =	stream.indirect_vreg.gather [hbm4b:s7+s3], $0x80, v3, vm1, $0xb8;
	[tilespmem:$0x1CC00] =	vst v63  }
0xb0: {  	v3 =	vld [tilespmem:s13+$0x0];
	_ =	sdelay $0x4  }
0xb1: {  	v62 =	vshrl.u32 v3, $0x3  }
0xb2: {  	v4 =	vmul.u32 $0x38, v62  }
0xb3: {  	v3 =	vand.u32 $0x7, v3  }
0xb4: {  	v3 =	vor.u32 v3, v4  }
0xb5: {  	v4 =	vperm.xlane v3, v0;
	_ =	sdelay $0x1  }
0xb6: {  	v4 =	vadd.s32 v1, v4;
	_ =	sdelay $0x4  }
0xb7: {  	[tilespmem:s16], [sflag:$0x2] =	stream.indirect_vreg.gather [hbm4b:s2+s3], $0x80, v4, vm0, $0xb8;
	[tilespmem:$0x1CC00] =	vst v63  }
0xb8: {  	v3 =	vperm.xlane v3, v2  }
0xb9: {  	[tilespmem:s17], [sflag:$0x2] =	stream.indirect_vreg.gather [hbm4b:s5+s3], $0x80, v4, vm0, $0xb8;
	[tilespmem:$0x1CC00] =	vst v63  }
0xba: {  	v3 =	vadd.s32 v1, v3  }
0xbb: {  	[tilespmem:s18], [sflag:$0x2] =	stream.indirect_vreg.gather [hbm4b:s6+s3], $0x80, v4, vm0, $0xb8;
	[tilespmem:$0x1CC00] =	vst v63  }
0xbc: {  	_ = 	snop  }
0xbd: {  	[tilespmem:s19], [sflag:$0x2] =	stream.indirect_vreg.gather [hbm4b:s7+s3], $0x80, v4, vm1, $0xb8;
	[tilespmem:$0x1CC00] =	vst v63  }
0xbe: {  	_ = 	snop  }
0xbf: {  	[tilespmem:s20], [sflag:$0x2] =	stream.indirect_vreg.gather [hbm4b:s2+s3], $0x80, v3, vm0, $0xb8;
	[tilespmem:$0x1CC00] =	vst v63  }
0xc0: {  	_ = 	snop  }
0xc1: {  	[tilespmem:s21], [sflag:$0x2] =	stream.indirect_vreg.gather [hbm4b:s5+s3], $0x80, v3, vm0, $0xb8;
	[tilespmem:$0x1CC00] =	vst v63  }
0xc2: {  	_ = 	snop  }
0xc3: {  	[tilespmem:s23], [sflag:$0x2] =	stream.indirect_vreg.gather [hbm4b:s6+s3], $0x80, v3, vm0, $0xb8;
	[tilespmem:$0x1CC00] =	vst v63  }
0xc4: {  	_ = 	snop  }
0xc5: {  	[tilespmem:s24], [sflag:$0x2] =	stream.indirect_vreg.gather [hbm4b:s7+s3], $0x80, v3, vm1, $0xb8;
	[tilespmem:$0x1CC00] =	vst v63  }
0xc6: {  	v3 =	vld [tilespmem:s13+$0x10];
	_ =	sdelay $0x4  }
0xc7: {  	v63 =	vshrl.u32 v3, $0x3  }
0xc8: {  	v4 =	vmul.u32 $0x38, v63  }
0xc9: {  	v3 =	vand.u32 $0x7, v3  }
0xca: {  	v3 =	vor.u32 v3, v4  }
0xcb: {  	v4 =	vperm.xlane v3, v0;
	_ =	sdelay $0x1  }
0xcc: {  	v4 =	vadd.s32 v1, v4;
	_ =	sdelay $0x4  }
0xcd: {  	[tilespmem:s25], [sflag:$0x2] =	stream.indirect_vreg.gather [hbm4b:s2+s3], $0x80, v4, vm0, $0xb8;
	[tilespmem:$0x1CC00] =	vst v63  }
0xce: {  	v3 =	vperm.xlane v3, v2  }
0xcf: {  	[tilespmem:s26], [sflag:$0x2] =	stream.indirect_vreg.gather [hbm4b:s5+s3], $0x80, v4, vm0, $0xb8;
	[tilespmem:$0x1CC00] =	vst v63  }
0xd0: {  	v3 =	vadd.s32 v1, v3  }
0xd1: {  	[tilespmem:s28], [sflag:$0x2] =	stream.indirect_vreg.gather [hbm4b:s6+s3], $0x80, v4, vm0, $0xb8;
	[tilespmem:$0x1CC00] =	vst v63  }
0xd2: {  	_ = 	snop  }
0xd3: {  	[tilespmem:s29], [sflag:$0x2] =	stream.indirect_vreg.gather [hbm4b:s7+s3], $0x80, v4, vm1, $0xb8;
	[tilespmem:$0x1CC00] =	vst v63  }
0xd4: {  	_ = 	snop  }
0xd5: {  	[tilespmem:s30], [sflag:$0x2] =	stream.indirect_vreg.gather [hbm4b:s2+s3], $0x80, v3, vm0, $0xb8;
	[tilespmem:$0x1CC00] =	vst v63  }
0xd6: {  	_ = 	snop  }
0xd7: {  	[tilespmem:s31], [sflag:$0x2] =	stream.indirect_vreg.gather [hbm4b:s5+s3], $0x80, v3, vm0, $0xb8;
	[tilespmem:$0x1CC00] =	vst v63  }
0xd8: {  	_ = 	snop  }
0xd9: {  	[tilespmem:s0], [sflag:$0x2] =	stream.indirect_vreg.gather [hbm4b:s6+s3], $0x80, v3, vm0, $0xb8;
	[tilespmem:$0x1CC00] =	vst v63  }
0xda: {  	_ = 	snop  }
0xdb: {  	[tilespmem:s1], [sflag:$0x2] =	stream.indirect_vreg.gather [hbm4b:s7+s3], $0x80, v3, vm1, $0xb8;
	[tilespmem:$0x1CC00] =	vst v63  }
0xdc: {  	_ =	swait.ge [sflag:s4], $0xE000  }
0xdd: {  	p0 =	seq.s32 s14, $0x1C000;
	[sflag:s4] =	ssyncset.done $0x0  }
.Ltmp4:
0xde: {  	s15 =	sadd.s32 s14, s10;
	[sflag:s4] =	ssyncadd.s32 $0xFFFF2000;
	(pc) =	sbr.rel @p0 .LBB2_4-.Ltmp4, $4  }
0xdf: {  	[hbm4b:s15+s3] =	stream.linear.scatter [tilespmem:s12], [sflag:$0x3], $0xE000, $0x38;
	[tilespmem:$0x1CC00] =	vst v63  }
0xe0: {  	_ =	swait.ge [sflag:s11], $0xE000  }
0xe1: {  	[sflag:s11] =	ssyncset.done $0x0  }
0xe2: {  	[sflag:s11] =	ssyncadd.s32 $0xFFFF2000  }
0xe3: {  	v3 =	vld [tilespmem:s13+$0x60];
	_ =	sdelay $0x4  }
0xe4: {  	v4 =	vshrl.u32 v3, $0x3  }
0xe5: {  	v4 =	vmul.u32 $0x38, v4  }
0xe6: {  	v3 =	vand.u32 $0x7, v3  }
0xe7: {  	v3 =	vor.u32 v3, v4  }
0xe8: {  	v4 =	vperm.xlane v3, v0;
	_ =	sdelay $0x1  }
0xe9: {  	v4 =	vadd.s32 v1, v4;
	_ =	sdelay $0x4  }
0xea: {  	[tilespmem:s12], [sflag:$0x1] =	stream.indirect_vreg.gather [hbm4b:s2+s3], $0x80, v4, vm0, $0xb8;
	[tilespmem:$0x1CC00] =	vst v63  }
0xeb: {  	s15 =	simm.s32 $0x1400;
	v3 =	vperm.xlane v3, v2  }
0xec: {  	[tilespmem:s15], [sflag:$0x1] =	stream.indirect_vreg.gather [hbm4b:s5+s3], $0x80, v4, vm0, $0xb8;
	[tilespmem:$0x1CC00] =	vst v63  }
0xed: {  	v3 =	vadd.s32 v1, v3;
	s15 =	simm.s32 $0x1C00  }
0xee: {  	[tilespmem:s15], [sflag:$0x1] =	stream.indirect_vreg.gather [hbm4b:s6+s3], $0x80, v4, vm0, $0xb8;
	[tilespmem:$0x1CC00] =	vst v63  }
0xef: {  	s15 =	simm.s32 $0x2400  }
0xf0: {  	[tilespmem:s15], [sflag:$0x1] =	stream.indirect_vreg.gather [hbm4b:s7+s3], $0x80, v4, vm1, $0xb8;
	[tilespmem:$0x1CC00] =	vst v63  }
0xf1: {  	s15 =	simm.s32 $0x2800  }
0xf2: {  	[tilespmem:s15], [sflag:$0x1] =	stream.indirect_vreg.gather [hbm4b:s2+s3], $0x80, v3, vm0, $0xb8;
	[tilespmem:$0x1CC00] =	vst v63  }
0xf3: {  	s15 =	simm.s32 $0x3000  }
0xf4: {  	[tilespmem:s15], [sflag:$0x1] =	stream.indirect_vreg.gather [hbm4b:s5+s3], $0x80, v3, vm0, $0xb8;
	[tilespmem:$0x1CC00] =	vst v63  }
0xf5: {  	s15 =	simm.s32 $0x3800  }
0xf6: {  	[tilespmem:s15], [sflag:$0x1] =	stream.indirect_vreg.gather [hbm4b:s6+s3], $0x80, v3, vm0, $0xb8;
	[tilespmem:$0x1CC00] =	vst v63  }
0xf7: {  	s15 =	simm.s32 $0x4000  }
0xf8: {  	[tilespmem:s15], [sflag:$0x1] =	stream.indirect_vreg.gather [hbm4b:s7+s3], $0x80, v3, vm1, $0xb8;
	[tilespmem:$0x1CC00] =	vst v63  }
0xf9: {  	v3 =	vld [tilespmem:s13+$0x70];
	_ =	sdelay $0x4  }
0xfa: {  	v61 =	vshrl.u32 v3, $0x3  }
0xfb: {  	v4 =	vmul.u32 $0x38, v61  }
0xfc: {  	v3 =	vand.u32 $0x7, v3  }
0xfd: {  	v3 =	vor.u32 v3, v4  }
0xfe: {  	v4 =	vperm.xlane v3, v0;
	_ =	sdelay $0x1  }
0xff: {  	v4 =	vadd.s32 v1, v4;
	_ =	sdelay $0x3  }
0x100: {  	s15 =	simm.s32 $0x4400  }
0x101: {  	[tilespmem:s15], [sflag:$0x1] =	stream.indirect_vreg.gather [hbm4b:s2+s3], $0x80, v4, vm0, $0xb8;
	[tilespmem:$0x1CC00] =	vst v63  }
0x102: {  	v3 =	vperm.xlane v3, v2;
	s15 =	simm.s32 $0x4C00  }
0x103: {  	[tilespmem:s15], [sflag:$0x1] =	stream.indirect_vreg.gather [hbm4b:s5+s3], $0x80, v4, vm0, $0xb8;
	[tilespmem:$0x1CC00] =	vst v63  }
0x104: {  	v3 =	vadd.s32 v1, v3;
	s15 =	simm.s32 $0x5400  }
0x105: {  	[tilespmem:s15], [sflag:$0x1] =	stream.indirect_vreg.gather [hbm4b:s6+s3], $0x80, v4, vm0, $0xb8;
	[tilespmem:$0x1CC00] =	vst v63  }
0x106: {  	s15 =	simm.s32 $0x5C00  }
0x107: {  	[tilespmem:s15], [sflag:$0x1] =	stream.indirect_vreg.gather [hbm4b:s7+s3], $0x80, v4, vm1, $0xb8;
	[tilespmem:$0x1CC00] =	vst v63  }
0x108: {  	s15 =	simm.s32 $0x6000  }
0x109: {  	[tilespmem:s15], [sflag:$0x1] =	stream.indirect_vreg.gather [hbm4b:s2+s3], $0x80, v3, vm0, $0xb8;
	[tilespmem:$0x1CC00] =	vst v63  }
0x10a: {  	s15 =	simm.s32 $0x6800  }
0x10b: {  	[tilespmem:s15], [sflag:$0x1] =	stream.indirect_vreg.gather [hbm4b:s5+s3], $0x80, v3, vm0, $0xb8;
	[tilespmem:$0x1CC00] =	vst v63  }
0x10c: {  	s15 =	simm.s32 $0x7000  }
0x10d: {  	[tilespmem:s15], [sflag:$0x1] =	stream.indirect_vreg.gather [hbm4b:s6+s3], $0x80, v3, vm0, $0xb8;
	[tilespmem:$0x1CC00] =	vst v63  }
0x10e: {  	s15 =	simm.s32 $0x7800  }
0x10f: {  	[tilespmem:s15], [sflag:$0x1] =	stream.indirect_vreg.gather [hbm4b:s7+s3], $0x80, v3, vm1, $0xb8;
	[tilespmem:$0x1CC00] =	vst v63  }
0x110: {  	v3 =	vld [tilespmem:s13+$0x80];
	_ =	sdelay $0x4  }
0x111: {  	v62 =	vshrl.u32 v3, $0x3  }
0x112: {  	v4 =	vmul.u32 $0x38, v62  }
0x113: {  	v3 =	vand.u32 $0x7, v3  }
0x114: {  	v3 =	vor.u32 v3, v4  }
0x115: {  	v4 =	vperm.xlane v3, v0;
	_ =	sdelay $0x1  }
0x116: {  	v4 =	vadd.s32 v1, v4;
	_ =	sdelay $0x3  }
0x117: {  	s15 =	simm.s32 $0x7C00  }
0x118: {  	[tilespmem:s15], [sflag:$0x1] =	stream.indirect_vreg.gather [hbm4b:s2+s3], $0x80, v4, vm0, $0xb8;
	[tilespmem:$0x1CC00] =	vst v63  }
0x119: {  	v3 =	vperm.xlane v3, v2;
	s15 =	simm.s32 $0x8400  }
0x11a: {  	[tilespmem:s15], [sflag:$0x1] =	stream.indirect_vreg.gather [hbm4b:s5+s3], $0x80, v4, vm0, $0xb8;
	[tilespmem:$0x1CC00] =	vst v63  }
0x11b: {  	v3 =	vadd.s32 v1, v3;
	s15 =	simm.s32 $0x8C00  }
0x11c: {  	[tilespmem:s15], [sflag:$0x1] =	stream.indirect_vreg.gather [hbm4b:s6+s3], $0x80, v4, vm0, $0xb8;
	[tilespmem:$0x1CC00] =	vst v63  }
0x11d: {  	s15 =	simm.s32 $0x9400  }
0x11e: {  	[tilespmem:s15], [sflag:$0x1] =	stream.indirect_vreg.gather [hbm4b:s7+s3], $0x80, v4, vm1, $0xb8;
	[tilespmem:$0x1CC00] =	vst v63  }
0x11f: {  	s15 =	simm.s32 $0x9800  }
0x120: {  	[tilespmem:s15], [sflag:$0x1] =	stream.indirect_vreg.gather [hbm4b:s2+s3], $0x80, v3, vm0, $0xb8;
	[tilespmem:$0x1CC00] =	vst v63  }
0x121: {  	s15 =	simm.s32 $0xA000  }
0x122: {  	[tilespmem:s15], [sflag:$0x1] =	stream.indirect_vreg.gather [hbm4b:s5+s3], $0x80, v3, vm0, $0xb8;
	[tilespmem:$0x1CC00] =	vst v63  }
0x123: {  	s15 =	simm.s32 $0xA800  }
0x124: {  	[tilespmem:s15], [sflag:$0x1] =	stream.indirect_vreg.gather [hbm4b:s6+s3], $0x80, v3, vm0, $0xb8;
	[tilespmem:$0x1CC00] =	vst v63  }
0x125: {  	s15 =	simm.s32 $0xB000  }
0x126: {  	[tilespmem:s15], [sflag:$0x1] =	stream.indirect_vreg.gather [hbm4b:s7+s3], $0x80, v3, vm1, $0xb8;
	[tilespmem:$0x1CC00] =	vst v63  }
0x127: {  	v3 =	vld [tilespmem:s13+$0x90];
	_ =	sdelay $0x4  }
0x128: {  	v63 =	vshrl.u32 v3, $0x3  }
0x129: {  	v4 =	vmul.u32 $0x38, v63  }
0x12a: {  	v3 =	vand.u32 $0x7, v3  }
0x12b: {  	v3 =	vor.u32 v3, v4  }
0x12c: {  	v4 =	vperm.xlane v3, v0;
	_ =	sdelay $0x1  }
0x12d: {  	v4 =	vadd.s32 v1, v4;
	_ =	sdelay $0x3  }
0x12e: {  	s15 =	simm.s32 $0xB400  }
0x12f: {  	[tilespmem:s15], [sflag:$0x1] =	stream.indirect_vreg.gather [hbm4b:s2+s3], $0x80, v4, vm0, $0xb8;
	[tilespmem:$0x1CC00] =	vst v63  }
0x130: {  	v3 =	vperm.xlane v3, v2;
	s15 =	simm.s32 $0xBC00  }
0x131: {  	[tilespmem:s15], [sflag:$0x1] =	stream.indirect_vreg.gather [hbm4b:s5+s3], $0x80, v4, vm0, $0xb8;
	[tilespmem:$0x1CC00] =	vst v63  }
0x132: {  	v3 =	vadd.s32 v1, v3;
	s15 =	simm.s32 $0xC400  }
0x133: {  	[tilespmem:s15], [sflag:$0x1] =	stream.indirect_vreg.gather [hbm4b:s6+s3], $0x80, v4, vm0, $0xb8;
	[tilespmem:$0x1CC00] =	vst v63  }
0x134: {  	s15 =	simm.s32 $0xCC00  }
0x135: {  	[tilespmem:s15], [sflag:$0x1] =	stream.indirect_vreg.gather [hbm4b:s7+s3], $0x80, v4, vm1, $0xb8;
	[tilespmem:$0x1CC00] =	vst v63  }
0x136: {  	s15 =	simm.s32 $0xD000  }
0x137: {  	[tilespmem:s15], [sflag:$0x1] =	stream.indirect_vreg.gather [hbm4b:s2+s3], $0x80, v3, vm0, $0xb8;
	[tilespmem:$0x1CC00] =	vst v63  }
0x138: {  	s15 =	simm.s32 $0xD800  }
0x139: {  	[tilespmem:s15], [sflag:$0x1] =	stream.indirect_vreg.gather [hbm4b:s5+s3], $0x80, v3, vm0, $0xb8;
	[tilespmem:$0x1CC00] =	vst v63  }
.Ltmp5:
0x13a: {  	_ = 	snop;
	(pc) =	sbr.rel .LBB2_4-.Ltmp5, $4  }
0x13b: {  	s15 =	simm.s32 $0xE000  }
0x13c: {  	[tilespmem:s15], [sflag:$0x1] =	stream.indirect_vreg.gather [hbm4b:s6+s3], $0x80, v3, vm0, $0xb8;
	[tilespmem:$0x1CC00] =	vst v63  }
0x13d: {  	s15 =	simm.s32 $0xE800  }
0x13e: {  	[tilespmem:s15], [sflag:$0x1] =	stream.indirect_vreg.gather [hbm4b:s7+s3], $0x80, v3, vm1, $0xb8;
	[tilespmem:$0x1CC00] =	vst v63  }
.LBB2_6:
0x13f: {  	_ =	sfence.sel $0x180000  }
0x140: {  	[bflag:$0x0] =	sbarrier.arrive $0xFFFF  }
0x141: {  	_ =	strace $0x90000050  }
0x142: {  	s0 =	stileid.u32;
	[bflag:$0x2] =	sbarrier.arrive $0xFFFF  }
0x143: {  	p0 =	sne.s32 s0, $0x0;
	s0 =	rddreg [dreg:$0x2]  }
0x144: {  	s0 =	sadd.s32 @!p0 $0x100000, s0  }
0x145: {  	[sflag:s0] =	ssyncadd.tile.s32 @!p0 $0x1;
	_ =	shalt  }
.Lfunc_end2:
_tile_overlayer_lowered:
.L_overlay_start_2:
0x146: {  	(tag) =	ssettag $0x2  }
0x147: {  	s0 =	rddreg [dreg:$0x0];
	s2 =	stileid.u32  }
0x148: {  	s1 =	rddreg [dreg:$0x1];
	p0 =	sne.s32 s2, $0x0  }
0x149: {  	s3 =	rddreg [dreg:$0x2];
	[bflag:$0x3] =	sbarrier.arrive $0xFFFF;
	s2 =	simm.s32 @!p0 $0x1C03  }
0x14a: {  	[timem:s3], [sflag:s2] =	dma.local @!p0 [hbm:s0], s1  }
0x14b: {  	s0 =	simm.s32 @!p0 $0x3  }
0x14c: {  	_ =	swait.ge @!p0 [sflag:s0], s1  }
0x14d: {  	s1 =	ssub.s32 @!p0 $0x0, s1;
	[sflag:s0] =	ssyncset.done @!p0 $0x0  }
0x14e: {  	[sflag:s0] =	ssyncadd.s32 @!p0 s1  }
0x14f: {  	[bflag:$0x3] =	sbarrier.arrive $0xFFFF  }
0x150: {  	_ =	shalt  }

</sc_bundles>
